<compile_context>
chip_gen: v7x
topology: tpu7x:2x2x1
jax: 0.10.2.dev20260603
libtpu: 0.0.44.dev20260713+nightly
codegen_flags: <defaults>
</compile_context>

<pallas_src>
import functools
import math

import jax
import jax.numpy as jnp
from jax import lax
from jax.experimental import pallas as pl
from jax.experimental.pallas import tpu as pltpu
from jax.experimental.pallas import tpu_sc as plsc

_SIZE = 32000
_PAD_IDX = 0
_SMOOTHING = 0.1
_CONFIDENCE = 1.0 - _SMOOTHING
_S = _SMOOTHING / (_SIZE - 2)
_C0 = _SMOOTHING * math.log(_S) + _CONFIDENCE * math.log(_CONFIDENCE)

_N_TOK = 8192
_BR = 64
_NT = 5632
_NC, _NS = 2, 16
_NW = _NC * _NS
_KW = (_N_TOK - _NT) // _NW
_NG = _KW // 8
_CB = 3200
_NCHUNK = _SIZE // _CB


def _tc_kernel(t_ref, x_ref, o_ref):
    ri = pl.program_id(0)

    @pl.when(ri == 0)
    def _init():
        o_ref[...] = jnp.zeros_like(o_ref)

    x = x_ref[...]
    t = t_ref[...]
    maskf = (t != _PAD_IDX).astype(jnp.float32)
    cols = lax.broadcasted_iota(jnp.int32, x.shape, 1)
    coef = jnp.where(cols == t, jnp.float32(-_CONFIDENCE), jnp.float32(-_S))
    wrow = jnp.sum(x * coef, axis=1, keepdims=True)
    part = jnp.sum(maskf * (wrow + jnp.float32(_S) * x[:, 0:1] + jnp.float32(_C0)))
    o_ref[...] += part.reshape(1, 1)


def _sc_chunk_accum(buf_v, tb, carry, ccol0):
    rs = list(carry[0:8])
    tv = list(carry[8:16])
    viota = lax.iota(jnp.int32, 16)

    def jbody(j, c):
        rs_l = list(c[0:8])
        tv_l = list(c[8:16])
        for u in range(8):
            off = j * 128 + u * 16
            colv = ccol0 + off + viota
            for i in range(8):
                xv = buf_v[i, pl.ds(off, 16)]
                rs_l[i] = rs_l[i] + xv
                m = colv == tb[i]
                tv_l[i] = tv_l[i] + jnp.where(m, xv, jnp.float32(0.0))
        return tuple(rs_l) + tuple(tv_l)

    out = lax.fori_loop(0, _CB // 128, jbody, tuple(rs) + tuple(tv))
    return out


def _sc_body(x_hbm, x0_hbm, t_hbm, o_hbm,
             bufa, bufb, t_stage, x0_stage, acc_v, sema, semb):
    c = lax.axis_index("c")
    s = lax.axis_index("s")
    wid = s * _NC + c
    base_row = _NT + wid * _KW
    pltpu.sync_copy(t_hbm.at[pl.ds(base_row, _KW)], t_stage.at[pl.ds(0, _KW)])
    pltpu.sync_copy(x0_hbm.at[pl.ds(base_row, _KW)], x0_stage.at[pl.ds(0, _KW)])
    viota = lax.iota(jnp.int32, 16)

    def group(g, wacc):
        row0 = base_row + g * 8
        tvec = t_stage[pl.ds(g * 8, 16)]
        x0vec = x0_stage[pl.ds(g * 8, 16)]
        dnums = lax.GatherDimensionNumbers(
            offset_dims=(), collapsed_slice_dims=(0,), start_index_map=(0,))
        tb = [lax.gather(tvec, jnp.full((16, 1), i, jnp.int32), dnums,
                         slice_sizes=(1,),
                         mode=lax.GatherScatterMode.PROMISE_IN_BOUNDS)
              for i in range(8)]

        zero = jnp.zeros((16,), jnp.float32)
        carry0 = tuple(zero for _ in range(16))

        pltpu.async_copy(
            x_hbm.at[pl.ds(row0, 8), pl.ds(0, _CB)], bufa, sema)

        def pair(k, carry):
            cc0 = 2 * k
            cc1 = 2 * k + 1
            pltpu.async_copy(
                x_hbm.at[pl.ds(row0, 8), pl.ds(cc1 * _CB, _CB)], bufb, semb)
            pltpu.make_async_copy(
                x_hbm.at[pl.ds(row0, 8), pl.ds(cc0 * _CB, _CB)], bufa,
                sema).wait()
            carry = _sc_chunk_accum(bufa, tb, carry, cc0 * _CB)

            @pl.when(k < _NCHUNK // 2 - 1)
            def _():
                pltpu.async_copy(
                    x_hbm.at[pl.ds(row0, 8), pl.ds((cc0 + 2) * _CB, _CB)],
                    bufa, sema)

            pltpu.make_async_copy(
                x_hbm.at[pl.ds(row0, 8), pl.ds(cc1 * _CB, _CB)], bufb,
                semb).wait()
            carry = _sc_chunk_accum(bufb, tb, carry, cc1 * _CB)
            return carry

        carry = lax.fori_loop(0, _NCHUNK // 2, pair, carry0)

        rsv = jnp.zeros((16,), jnp.float32)
        tvv = jnp.zeros((16,), jnp.float32)
        for i in range(8):
            maskf = jnp.where(tb[i] != _PAD_IDX, jnp.float32(1.0),
                              jnp.float32(0.0))
            rsv = rsv + carry[i] * maskf
            tvv = tvv + carry[8 + i] * maskf
        gvec = jnp.float32(-_S) * rsv + jnp.float32(_S - _CONFIDENCE) * tvv
        percol = jnp.where(tvec != _PAD_IDX,
                           jnp.float32(_C0) + jnp.float32(_S) * x0vec,
                           jnp.float32(0.0))
        gvec = gvec + jnp.where(viota < 8, percol, jnp.float32(0.0))
        return wacc + gvec

    wtotal = lax.fori_loop(0, _NG, group, jnp.zeros((16,), jnp.float32))
    acc_v[...] = wtotal
    pltpu.sync_copy(acc_v, o_hbm.at[wid])


@functools.partial(
    pl.kernel,
    mesh=plsc.VectorSubcoreMesh(core_axis_name="c", subcore_axis_name="s"),
    out_type=jax.ShapeDtypeStruct((_NW, 16), jnp.float32),
    scratch_types=[
        pltpu.VMEM((8, _CB), jnp.float32),
        pltpu.VMEM((8, _CB), jnp.float32),
        pltpu.VMEM((_KW + 16,), jnp.int32),
        pltpu.VMEM((_KW + 16,), jnp.float32),
        pltpu.VMEM((16,), jnp.float32),
        pltpu.SemaphoreType.DMA,
        pltpu.SemaphoreType.DMA,
    ],
)
def _sc_stream(x_hbm, x0_hbm, t_hbm, o_hbm,
               bufa, bufb, t_stage, x0_stage, acc_v, sema, semb):
    _sc_body(x_hbm, x0_hbm, t_hbm, o_hbm,
             bufa, bufb, t_stage, x0_stage, acc_v, sema, semb)


def _combine_kernel(a_ref, b_ref, o_ref):
    o_ref[...] = a_ref[...] + jnp.sum(b_ref[...]).reshape(1, 1)


def kernel(x, target):
    n, v = x.shape
    t2 = target.reshape(n, 1)
    tc_part = pl.pallas_call(
        _tc_kernel,
        grid=(_NT // _BR,),
        in_specs=[
            pl.BlockSpec((_BR, 1), lambda i: (i, 0)),
            pl.BlockSpec((_BR, v), lambda i: (i, 0)),
        ],
        out_specs=pl.BlockSpec((1, 1), lambda i: (0, 0)),
        out_shape=jax.ShapeDtypeStruct((1, 1), jnp.float32),
    )(t2, x)
    x0col = lax.slice(x, (0, 0), (n, 1)).reshape(-1)
    sc_parts = _sc_stream(x, x0col, target)
    out = pl.pallas_call(
        _combine_kernel,
        out_shape=jax.ShapeDtypeStruct((1, 1), jnp.float32),
    )(tc_part, sc_parts)
    return out.reshape(())

# --- scband reference (transcript-rebuilt; emitter-appended) ---
"""Pipeline reference for scband-label-smoothing-67508295959258 (READ-ONLY COPY).

The authoritative reference and input builder live on the scoring server;
editing this copy changes nothing except your own understanding.
"""

import jax, jax.numpy as jnp
import numpy as np

SIZE = 32000
PAD_IDX = 0
SMOOTHING = 0.1
CONFIDENCE = 1.0 - SMOOTHING
N_TOKENS = 8192


def setup_inputs(seed: int = 0) -> dict:
    key = jax.random.key(seed)
    k1, k2 = jax.random.split(key)
    # x plays the role of per-token log-probabilities fed to KLDivLoss
    x = jax.random.normal(k1, (N_TOKENS, SIZE), dtype=jnp.float32)
    target = jax.random.randint(k2, (N_TOKENS,), 0, SIZE, dtype=jnp.int32)
    return {"x": x, "target": target}


def reference(x, target):
    N, V = x.shape
    # true_dist filled with smoothing mass
    true_dist = jnp.full((N, V), SMOOTHING / (V - 2), dtype=x.dtype)
    # scatter confidence at the target index of each row
    true_dist = true_dist.at[jnp.arange(N), target].set(CONFIDENCE)
    # zero out the pad column
    true_dist = true_dist.at[:, PAD_IDX].set(0.0)
    # zero out rows whose target is the pad index (index_fill_ over nonzero mask)
    pad_rows = (target == PAD_IDX)
    true_dist = jnp.where(pad_rows[:, None], jnp.zeros_like(true_dist), true_dist)
    # KLDivLoss(reduction='sum'): sum over target * (log(target) - input), with 0*log(0)=0
    kl = jnp.where(true_dist > 0, true_dist * (jnp.log(jnp.where(true_dist > 0, true_dist, 1.0)) - x), 0.0)
    loss = jnp.sum(kl)
    return loss

if __name__ == "__main__":
    import jax
    _d = setup_inputs()
    print(jax.jit(kernel)(*tuple(_d.values())))

</pallas_src>

<mosaic_0001>
#map = affine_map<(d0, d1) -> (0, 0)>
#map1 = affine_map<(d0, d1) -> (0)>
module attributes {stable_mosaic.version = 14 : i64} {
  func.func @_sc_stream(%arg0: i32, %arg1: i32, %arg2: memref<8192x32000xf32, #tpu.memory_space<hbm>>, %arg3: memref<8192xf32, #tpu.memory_space<hbm>>, %arg4: memref<8192xi32, #tpu.memory_space<hbm>>, %arg5: memref<32x16xf32, #tpu.memory_space<hbm>>, %arg6: memref<8x3200xf32, #tpu.memory_space<vmem>>, %arg7: memref<8x3200xf32, #tpu.memory_space<vmem>>, %arg8: memref<96xi32, #tpu.memory_space<vmem>>, %arg9: memref<96xf32, #tpu.memory_space<vmem>>, %arg10: memref<16xf32, #tpu.memory_space<vmem>>, %arg11: memref<!tpu.dma_semaphore, #tpu.memory_space<semaphore_mem>>, %arg12: memref<!tpu.dma_semaphore, #tpu.memory_space<semaphore_mem>>) attributes {dimension_semantics = [#tpu.dimension_semantics<core_parallel>, #tpu.dimension_semantics<subcore_parallel>], iteration_bounds = array<i64: 2, 16>, scalar_prefetch = 0 : i64, scratch_operands = 7 : i64, tpu.core_type = #tpu.core_type<sc_vector_subcore>, window_params = [{transform_indices = #map}, {transform_indices = #map1}, {transform_indices = #map1}, {transform_indices = #map}]} {
    %mul3A = arith.constant 2 : i32
    %mul3A_0 = arith.muli %arg1, %mul3A : i32
    %add3A = arith.addi %mul3A_0, %arg0 : i32
    %mul3A_1 = arith.constant 80 : i32
    %mul3A_2 = arith.muli %add3A, %mul3A_1 : i32
    %add3A_3 = arith.constant 5632 : i32
    %add3A_4 = arith.addi %add3A_3, %mul3A_2 : i32
    "tpu.region"() ({
      %run_scoped3A = tpu.sem_alloc : memref<!tpu.dma_semaphore, #tpu.memory_space<semaphore_mem>>
      %dma_start3A = arith.constant 0 : i32
      %dma_start3A_14 = tpu.memref_slice %arg8[%dma_start3A] : memref<96xi32, #tpu.memory_space<vmem>> -> memref<80xi32, #tpu.memory_space<vmem>>
      %dma_start3A_15 = tpu.memref_slice %arg4[%add3A_4] : memref<8192xi32, #tpu.memory_space<hbm>> -> memref<80xi32, #tpu.memory_space<hbm>>
      %dma_start3A_16 = arith.constant 0 : i32
      %dma_start3A_17 = tpu.memref_slice %arg8[%dma_start3A_16] : memref<96xi32, #tpu.memory_space<vmem>> -> memref<80xi32, #tpu.memory_space<vmem>>
      %dma_start3A_18 = tpu.memref_slice %arg4[%add3A_4] : memref<8192xi32, #tpu.memory_space<hbm>> -> memref<80xi32, #tpu.memory_space<hbm>>
      tpu.enqueue_dma source(%dma_start3A_18 : memref<80xi32, #tpu.memory_space<hbm>>) target(%dma_start3A_17 : memref<80xi32, #tpu.memory_space<vmem>>) target_semaphore(%run_scoped3A : memref<!tpu.dma_semaphore, #tpu.memory_space<semaphore_mem>>)
      %dma_wait3A = arith.constant 0 : i32
      %dma_wait3A_19 = tpu.memref_slice %arg8[%dma_wait3A] : memref<96xi32, #tpu.memory_space<vmem>> -> memref<80xi32, #tpu.memory_space<vmem>>
      %dma_wait3A_20 = tpu.memref_slice %arg4[%add3A_4] : memref<8192xi32, #tpu.memory_space<hbm>> -> memref<80xi32, #tpu.memory_space<hbm>>
      %dma_wait3A_21 = arith.constant 0 : i32
      %dma_wait3A_22 = tpu.memref_slice %arg8[%dma_wait3A_21] : memref<96xi32, #tpu.memory_space<vmem>> -> memref<80xi32, #tpu.memory_space<vmem>>
      %dma_wait3A_23 = tpu.memref_slice %arg4[%add3A_4] : memref<8192xi32, #tpu.memory_space<hbm>> -> memref<80xi32, #tpu.memory_space<hbm>>
      tpu.wait_dma2 semaphore(%run_scoped3A : memref<!tpu.dma_semaphore, #tpu.memory_space<semaphore_mem>>) src(%dma_wait3A_23 : memref<80xi32, #tpu.memory_space<hbm>>) dst(%dma_wait3A_22 : memref<80xi32, #tpu.memory_space<vmem>>)
      tpu.yield
    }) : () -> ()
    "tpu.region"() ({
      %run_scoped3A = tpu.sem_alloc : memref<!tpu.dma_semaphore, #tpu.memory_space<semaphore_mem>>
      %dma_start3A = arith.constant 0 : i32
      %dma_start3A_14 = tpu.memref_slice %arg9[%dma_start3A] : memref<96xf32, #tpu.memory_space<vmem>> -> memref<80xf32, #tpu.memory_space<vmem>>
      %dma_start3A_15 = tpu.memref_slice %arg3[%add3A_4] : memref<8192xf32, #tpu.memory_space<hbm>> -> memref<80xf32, #tpu.memory_space<hbm>>
      %dma_start3A_16 = arith.constant 0 : i32
      %dma_start3A_17 = tpu.memref_slice %arg9[%dma_start3A_16] : memref<96xf32, #tpu.memory_space<vmem>> -> memref<80xf32, #tpu.memory_space<vmem>>
      %dma_start3A_18 = tpu.memref_slice %arg3[%add3A_4] : memref<8192xf32, #tpu.memory_space<hbm>> -> memref<80xf32, #tpu.memory_space<hbm>>
      tpu.enqueue_dma source(%dma_start3A_18 : memref<80xf32, #tpu.memory_space<hbm>>) target(%dma_start3A_17 : memref<80xf32, #tpu.memory_space<vmem>>) target_semaphore(%run_scoped3A : memref<!tpu.dma_semaphore, #tpu.memory_space<semaphore_mem>>)
      %dma_wait3A = arith.constant 0 : i32
      %dma_wait3A_19 = tpu.memref_slice %arg9[%dma_wait3A] : memref<96xf32, #tpu.memory_space<vmem>> -> memref<80xf32, #tpu.memory_space<vmem>>
      %dma_wait3A_20 = tpu.memref_slice %arg3[%add3A_4] : memref<8192xf32, #tpu.memory_space<hbm>> -> memref<80xf32, #tpu.memory_space<hbm>>
      %dma_wait3A_21 = arith.constant 0 : i32
      %dma_wait3A_22 = tpu.memref_slice %arg9[%dma_wait3A_21] : memref<96xf32, #tpu.memory_space<vmem>> -> memref<80xf32, #tpu.memory_space<vmem>>
      %dma_wait3A_23 = tpu.memref_slice %arg3[%add3A_4] : memref<8192xf32, #tpu.memory_space<hbm>> -> memref<80xf32, #tpu.memory_space<hbm>>
      tpu.wait_dma2 semaphore(%run_scoped3A : memref<!tpu.dma_semaphore, #tpu.memory_space<semaphore_mem>>) src(%dma_wait3A_23 : memref<80xf32, #tpu.memory_space<hbm>>) dst(%dma_wait3A_22 : memref<80xf32, #tpu.memory_space<vmem>>)
      tpu.yield
    }) : () -> ()
    %iota3A = tpu.iota {dimensions = array<i32: 0>} : vector<16xi32>
    %broadcast_in_dim3A = arith.constant 0.000000e+00 : f32
    %broadcast_in_dim3A_5 = vector.broadcast %broadcast_in_dim3A : f32 to vector<16xf32>
    %scan3A = arith.constant 0 : i32
    %scan3A_6 = arith.constant 10 : i32
    %scan3A_7 = arith.addi %scan3A, %scan3A_6 : i32
    %scan3A_8 = arith.constant 1 : i32
    %scan3A_9 = scf.for %scan3A_14 = %scan3A to %scan3A_7 step %scan3A_8 iter_args(%scan3A_15 = %broadcast_in_dim3A_5) -> (vector<16xf32>)  : i32 {
      %mul3A_16 = arith.constant 8 : i32
      %mul3A_17 = arith.muli %scan3A_14, %mul3A_16 : i32
      %add3A_18 = arith.addi %add3A_4, %mul3A_17 : i32
      %mul3A_19 = arith.constant 8 : i32
      %mul3A_20 = arith.muli %scan3A_14, %mul3A_19 : i32
      %get3A = arith.index_cast %mul3A_20 : i32 to index
      %get3A_21 = tpu.vector_load %arg8[%get3A] {strides = array<i32>} : memref<96xi32, #tpu.memory_space<vmem>>, vector<16xi32>,
      %get3A_22 = vector.shape_cast %get3A_21 : vector<16xi32> to vector<16xi32>
      %mul3A_23 = arith.constant 8 : i32
      %mul3A_24 = arith.muli %scan3A_14, %mul3A_23 : i32
      %get3A_25 = arith.index_cast %mul3A_24 : i32 to index
      %get3A_26 = tpu.vector_load %arg9[%get3A_25] {strides = array<i32>} : memref<96xf32, #tpu.memory_space<vmem>>, vector<16xf32>,
      %get3A_27 = vector.shape_cast %get3A_26 : vector<16xf32> to vector<16xf32>
      %broadcast_in_dim3A_28 = arith.constant 0 : i32
      %broadcast_in_dim3A_29 = vector.broadcast %broadcast_in_dim3A_28 : i32 to vector<16x1xi32>
      %gather3A = vector.shape_cast %broadcast_in_dim3A_29 : vector<16x1xi32> to vector<16xi32>
      %gather3A_30 = tpu.dynamic_gather %get3A_22[%gather3A] in [0] : vector<16xi32>, vector<16xi32> -> vector<16xi32>
      %broadcast_in_dim3A_31 = arith.constant 1 : i32
      %broadcast_in_dim3A_32 = vector.broadcast %broadcast_in_dim3A_31 : i32 to vector<16x1xi32>
      %gather3A_33 = vector.shape_cast %broadcast_in_dim3A_32 : vector<16x1xi32> to vector<16xi32>
      %gather3A_34 = tpu.dynamic_gather %get3A_22[%gather3A_33] in [0] : vector<16xi32>, vector<16xi32> -> vector<16xi32>
      %broadcast_in_dim3A_35 = arith.constant 2 : i32
      %broadcast_in_dim3A_36 = vector.broadcast %broadcast_in_dim3A_35 : i32 to vector<16x1xi32>
      %gather3A_37 = vector.shape_cast %broadcast_in_dim3A_36 : vector<16x1xi32> to vector<16xi32>
      %gather3A_38 = tpu.dynamic_gather %get3A_22[%gather3A_37] in [0] : vector<16xi32>, vector<16xi32> -> vector<16xi32>
      %broadcast_in_dim3A_39 = arith.constant 3 : i32
      %broadcast_in_dim3A_40 = vector.broadcast %broadcast_in_dim3A_39 : i32 to vector<16x1xi32>
      %gather3A_41 = vector.shape_cast %broadcast_in_dim3A_40 : vector<16x1xi32> to vector<16xi32>
      %gather3A_42 = tpu.dynamic_gather %get3A_22[%gather3A_41] in [0] : vector<16xi32>, vector<16xi32> -> vector<16xi32>
      %broadcast_in_dim3A_43 = arith.constant 4 : i32
      %broadcast_in_dim3A_44 = vector.broadcast %broadcast_in_dim3A_43 : i32 to vector<16x1xi32>
      %gather3A_45 = vector.shape_cast %broadcast_in_dim3A_44 : vector<16x1xi32> to vector<16xi32>
      %gather3A_46 = tpu.dynamic_gather %get3A_22[%gather3A_45] in [0] : vector<16xi32>, vector<16xi32> -> vector<16xi32>
      %broadcast_in_dim3A_47 = arith.constant 5 : i32
      %broadcast_in_dim3A_48 = vector.broadcast %broadcast_in_dim3A_47 : i32 to vector<16x1xi32>
      %gather3A_49 = vector.shape_cast %broadcast_in_dim3A_48 : vector<16x1xi32> to vector<16xi32>
      %gather3A_50 = tpu.dynamic_gather %get3A_22[%gather3A_49] in [0] : vector<16xi32>, vector<16xi32> -> vector<16xi32>
      %broadcast_in_dim3A_51 = arith.constant 6 : i32
      %broadcast_in_dim3A_52 = vector.broadcast %broadcast_in_dim3A_51 : i32 to vector<16x1xi32>
      %gather3A_53 = vector.shape_cast %broadcast_in_dim3A_52 : vector<16x1xi32> to vector<16xi32>
      %gather3A_54 = tpu.dynamic_gather %get3A_22[%gather3A_53] in [0] : vector<16xi32>, vector<16xi32> -> vector<16xi32>
      %broadcast_in_dim3A_55 = arith.constant 7 : i32
      %broadcast_in_dim3A_56 = vector.broadcast %broadcast_in_dim3A_55 : i32 to vector<16x1xi32>
      %gather3A_57 = vector.shape_cast %broadcast_in_dim3A_56 : vector<16x1xi32> to vector<16xi32>
      %gather3A_58 = tpu.dynamic_gather %get3A_22[%gather3A_57] in [0] : vector<16xi32>, vector<16xi32> -> vector<16xi32>
      %broadcast_in_dim3A_59 = arith.constant 0.000000e+00 : f32
      %broadcast_in_dim3A_60 = vector.broadcast %broadcast_in_dim3A_59 : f32 to vector<16xf32>
      %dma_start3A = arith.constant 0 : i32
      %dma_start3A_61 = tpu.memref_slice %arg2[%add3A_18, %dma_start3A] : memref<8192x32000xf32, #tpu.memory_space<hbm>> -> memref<8x3200xf32, #tpu.memory_space<hbm>>
      %dma_start3A_62 = arith.constant 0 : i32
      %dma_start3A_63 = tpu.memref_slice %arg2[%add3A_18, %dma_start3A_62] : memref<8192x32000xf32, #tpu.memory_space<hbm>> -> memref<8x3200xf32, #tpu.memory_space<hbm>>
      tpu.enqueue_dma source(%dma_start3A_63 : memref<8x3200xf32, #tpu.memory_space<hbm>>) target(%arg6 : memref<8x3200xf32, #tpu.memory_space<vmem>>) target_semaphore(%arg11 : memref<!tpu.dma_semaphore, #tpu.memory_space<semaphore_mem>>)
      %scan3A_64 = arith.constant 0 : i32
      %scan3A_65 = arith.constant 5 : i32
      %scan3A_66 = arith.addi %scan3A_64, %scan3A_65 : i32
      %scan3A_67 = arith.constant 1 : i32
      %scan3A_68:16 = scf.for %scan3A_193 = %scan3A_64 to %scan3A_66 step %scan3A_67 iter_args(%scan3A_194 = %broadcast_in_dim3A_60, %scan3A_195 = %broadcast_in_dim3A_60, %scan3A_196 = %broadcast_in_dim3A_60, %scan3A_197 = %broadcast_in_dim3A_60, %scan3A_198 = %broadcast_in_dim3A_60, %scan3A_199 = %broadcast_in_dim3A_60, %scan3A_200 = %broadcast_in_dim3A_60, %scan3A_201 = %broadcast_in_dim3A_60, %scan3A_202 = %broadcast_in_dim3A_60, %scan3A_203 = %broadcast_in_dim3A_60, %scan3A_204 = %broadcast_in_dim3A_60, %scan3A_205 = %broadcast_in_dim3A_60, %scan3A_206 = %broadcast_in_dim3A_60, %scan3A_207 = %broadcast_in_dim3A_60, %scan3A_208 = %broadcast_in_dim3A_60, %scan3A_209 = %broadcast_in_dim3A_60) -> (vector<16xf32>, vector<16xf32>, vector<16xf32>, vector<16xf32>, vector<16xf32>, vector<16xf32>, vector<16xf32>, vector<16xf32>, vector<16xf32>, vector<16xf32>, vector<16xf32>, vector<16xf32>, vector<16xf32>, vector<16xf32>, vector<16xf32>, vector<16xf32>)  : i32 {
        %mul3A_210 = arith.constant 2 : i32
        %mul3A_211 = arith.muli %mul3A_210, %scan3A_193 : i32
        %mul3A_212 = arith.constant 2 : i32
        %mul3A_213 = arith.muli %mul3A_212, %scan3A_193 : i32
        %add3A_214 = arith.constant 1 : i32
        %add3A_215 = arith.addi %mul3A_213, %add3A_214 : i32
        %mul3A_216 = arith.constant 3200 : i32
        %mul3A_217 = arith.muli %add3A_215, %mul3A_216 : i32
        %dma_start3A_218 = tpu.memref_slice %arg2[%add3A_18, %mul3A_217] : memref<8192x32000xf32, #tpu.memory_space<hbm>> -> memref<8x3200xf32, #tpu.memory_space<hbm>>
        %dma_start3A_219 = tpu.memref_slice %arg2[%add3A_18, %mul3A_217] : memref<8192x32000xf32, #tpu.memory_space<hbm>> -> memref<8x3200xf32, #tpu.memory_space<hbm>>
        tpu.enqueue_dma source(%dma_start3A_219 : memref<8x3200xf32, #tpu.memory_space<hbm>>) target(%arg7 : memref<8x3200xf32, #tpu.memory_space<vmem>>) target_semaphore(%arg12 : memref<!tpu.dma_semaphore, #tpu.memory_space<semaphore_mem>>)
        %mul3A_220 = arith.constant 3200 : i32
        %mul3A_221 = arith.muli %mul3A_211, %mul3A_220 : i32
        %dma_wait3A = tpu.memref_slice %arg2[%add3A_18, %mul3A_221] : memref<8192x32000xf32, #tpu.memory_space<hbm>> -> memref<8x3200xf32, #tpu.memory_space<hbm>>
        %dma_wait3A_222 = tpu.memref_slice %arg2[%add3A_18, %mul3A_221] : memref<8192x32000xf32, #tpu.memory_space<hbm>> -> memref<8x3200xf32, #tpu.memory_space<hbm>>
        tpu.wait_dma2 semaphore(%arg11 : memref<!tpu.dma_semaphore, #tpu.memory_space<semaphore_mem>>) src(%dma_wait3A_222 : memref<8x3200xf32, #tpu.memory_space<hbm>>) dst(%arg6 : memref<8x3200xf32, #tpu.memory_space<vmem>>)
        %mul3A_223 = arith.constant 3200 : i32
        %mul3A_224 = arith.muli %mul3A_211, %mul3A_223 : i32
        %iota3A_225 = tpu.iota {dimensions = array<i32: 0>} : vector<16xi32>
        %scan3A_226 = arith.constant 0 : i32
        %scan3A_227 = arith.constant 25 : i32
        %scan3A_228 = arith.addi %scan3A_226, %scan3A_227 : i32
        %scan3A_229 = arith.constant 1 : i32
        %scan3A_230:16 = scf.for %scan3A_248 = %scan3A_226 to %scan3A_228 step %scan3A_229 iter_args(%scan3A_249 = %scan3A_194, %scan3A_250 = %scan3A_195, %scan3A_251 = %scan3A_196, %scan3A_252 = %scan3A_197, %scan3A_253 = %scan3A_198, %scan3A_254 = %scan3A_199, %scan3A_255 = %scan3A_200, %scan3A_256 = %scan3A_201, %scan3A_257 = %scan3A_202, %scan3A_258 = %scan3A_203, %scan3A_259 = %scan3A_204, %scan3A_260 = %scan3A_205, %scan3A_261 = %scan3A_206, %scan3A_262 = %scan3A_207, %scan3A_263 = %scan3A_208, %scan3A_264 = %scan3A_209) -> (vector<16xf32>, vector<16xf32>, vector<16xf32>, vector<16xf32>, vector<16xf32>, vector<16xf32>, vector<16xf32>, vector<16xf32>, vector<16xf32>, vector<16xf32>, vector<16xf32>, vector<16xf32>, vector<16xf32>, vector<16xf32>, vector<16xf32>, vector<16xf32>)  : i32 {
          %mul3A_265 = arith.constant 128 : i32
          %mul3A_266 = arith.muli %scan3A_248, %mul3A_265 : i32
          %add3A_267 = arith.constant 0 : i32
          %add3A_268 = arith.addi %mul3A_266, %add3A_267 : i32
          %add3A_269 = arith.addi %mul3A_224, %add3A_268 : i32
          %add3A_270 = vector.broadcast %add3A_269 : i32 to vector<16xi32>
          %add3A_271 = arith.addi %add3A_270, %iota3A_225 : vector<16xi32>
          %get3A_272 = arith.constant 0 : i32
          %get3A_273 = arith.index_cast %get3A_272 : i32 to index
          %get3A_274 = arith.index_cast %add3A_268 : i32 to index
          %get3A_275 = tpu.vector_load %arg6[%get3A_273, %get3A_274] {strides = array<i32>} : memref<8x3200xf32, #tpu.memory_space<vmem>>, vector<1x16xf32>,
          %get3A_276 = vector.shape_cast %get3A_275 : vector<1x16xf32> to vector<16xf32>
          %add3A_277 = arith.addf %scan3A_249, %get3A_276 : vector<16xf32>
          %eq3A = arith.cmpi eq, %add3A_271, %gather3A_30 : vector<16xi32>
          %jit3A_278 = arith.constant 0.000000e+00 : f32
          %broadcast_in_dim3A_279 = vector.broadcast %jit3A_278 : f32 to vector<16xf32>
          %select_n3A_280 = arith.select %eq3A, %get3A_276, %broadcast_in_dim3A_279 : vector<16xi1>, vector<16xf32>
          %add3A_281 = arith.addf %scan3A_257, %select_n3A_280 : vector<16xf32>
          %get3A_282 = arith.constant 1 : i32
          %get3A_283 = arith.index_cast %get3A_282 : i32 to index
          %get3A_284 = arith.index_cast %add3A_268 : i32 to index
          %get3A_285 = tpu.vector_load %arg6[%get3A_283, %get3A_284] {strides = array<i32>} : memref<8x3200xf32, #tpu.memory_space<vmem>>, vector<1x16xf32>,
          %get3A_286 = vector.shape_cast %get3A_285 : vector<1x16xf32> to vector<16xf32>
          %add3A_287 = arith.addf %scan3A_250, %get3A_286 : vector<16xf32>
          %eq3A_288 = arith.cmpi eq, %add3A_271, %gather3A_34 : vector<16xi32>
          %jit3A_289 = arith.constant 0.000000e+00 : f32
          %broadcast_in_dim3A_290 = vector.broadcast %jit3A_289 : f32 to vector<16xf32>
          %select_n3A_291 = arith.select %eq3A_288, %get3A_286, %broadcast_in_dim3A_290 : vector<16xi1>, vector<16xf32>
          %add3A_292 = arith.addf %scan3A_258, %select_n3A_291 : vector<16xf32>
          %get3A_293 = arith.constant 2 : i32
          %get3A_294 = arith.index_cast %get3A_293 : i32 to index
          %get3A_295 = arith.index_cast %add3A_268 : i32 to index
          %get3A_296 = tpu.vector_load %arg6[%get3A_294, %get3A_295] {strides = array<i32>} : memref<8x3200xf32, #tpu.memory_space<vmem>>, vector<1x16xf32>,
          %get3A_297 = vector.shape_cast %get3A_296 : vector<1x16xf32> to vector<16xf32>
          %add3A_298 = arith.addf %scan3A_251, %get3A_297 : vector<16xf32>
          %eq3A_299 = arith.cmpi eq, %add3A_271, %gather3A_38 : vector<16xi32>
          %jit3A_300 = arith.constant 0.000000e+00 : f32
          %broadcast_in_dim3A_301 = vector.broadcast %jit3A_300 : f32 to vector<16xf32>
          %select_n3A_302 = arith.select %eq3A_299, %get3A_297, %broadcast_in_dim3A_301 : vector<16xi1>, vector<16xf32>
          %add3A_303 = arith.addf %scan3A_259, %select_n3A_302 : vector<16xf32>
          %get3A_304 = arith.constant 3 : i32
          %get3A_305 = arith.index_cast %get3A_304 : i32 to index
          %get3A_306 = arith.index_cast %add3A_268 : i32 to index
          %get3A_307 = tpu.vector_load %arg6[%get3A_305, %get3A_306] {strides = array<i32>} : memref<8x3200xf32, #tpu.memory_space<vmem>>, vector<1x16xf32>,
          %get3A_308 = vector.shape_cast %get3A_307 : vector<1x16xf32> to vector<16xf32>
          %add3A_309 = arith.addf %scan3A_252, %get3A_308 : vector<16xf32>
          %eq3A_310 = arith.cmpi eq, %add3A_271, %gather3A_42 : vector<16xi32>
          %jit3A_311 = arith.constant 0.000000e+00 : f32
          %broadcast_in_dim3A_312 = vector.broadcast %jit3A_311 : f32 to vector<16xf32>
          %select_n3A_313 = arith.select %eq3A_310, %get3A_308, %broadcast_in_dim3A_312 : vector<16xi1>, vector<16xf32>
          %add3A_314 = arith.addf %scan3A_260, %select_n3A_313 : vector<16xf32>
          %get3A_315 = arith.constant 4 : i32
          %get3A_316 = arith.index_cast %get3A_315 : i32 to index
          %get3A_317 = arith.index_cast %add3A_268 : i32 to index
          %get3A_318 = tpu.vector_load %arg6[%get3A_316, %get3A_317] {strides = array<i32>} : memref<8x3200xf32, #tpu.memory_space<vmem>>, vector<1x16xf32>,
          %get3A_319 = vector.shape_cast %get3A_318 : vector<1x16xf32> to vector<16xf32>
          %add3A_320 = arith.addf %scan3A_253, %get3A_319 : vector<16xf32>
          %eq3A_321 = arith.cmpi eq, %add3A_271, %gather3A_46 : vector<16xi32>
          %jit3A_322 = arith.constant 0.000000e+00 : f32
          %broadcast_in_dim3A_323 = vector.broadcast %jit3A_322 : f32 to vector<16xf32>
          %select_n3A_324 = arith.select %eq3A_321, %get3A_319, %broadcast_in_dim3A_323 : vector<16xi1>, vector<16xf32>
          %add3A_325 = arith.addf %scan3A_261, %select_n3A_324 : vector<16xf32>
          %get3A_326 = arith.constant 5 : i32
          %get3A_327 = arith.index_cast %get3A_326 : i32 to index
          %get3A_328 = arith.index_cast %add3A_268 : i32 to index
          %get3A_329 = tpu.vector_load %arg6[%get3A_327, %get3A_328] {strides = array<i32>} : memref<8x3200xf32, #tpu.memory_space<vmem>>, vector<1x16xf32>,
          %get3A_330 = vector.shape_cast %get3A_329 : vector<1x16xf32> to vector<16xf32>
          %add3A_331 = arith.addf %scan3A_254, %get3A_330 : vector<16xf32>
          %eq3A_332 = arith.cmpi eq, %add3A_271, %gather3A_50 : vector<16xi32>
          %jit3A_333 = arith.constant 0.000000e+00 : f32
          %broadcast_in_dim3A_334 = vector.broadcast %jit3A_333 : f32 to vector<16xf32>
          %select_n3A_335 = arith.select %eq3A_332, %get3A_330, %broadcast_in_dim3A_334 : vector<16xi1>, vector<16xf32>
          %add3A_336 = arith.addf %scan3A_262, %select_n3A_335 : vector<16xf32>
          %get3A_337 = arith.constant 6 : i32
          %get3A_338 = arith.index_cast %get3A_337 : i32 to index
          %get3A_339 = arith.index_cast %add3A_268 : i32 to index
          %get3A_340 = tpu.vector_load %arg6[%get3A_338, %get3A_339] {strides = array<i32>} : memref<8x3200xf32, #tpu.memory_space<vmem>>, vector<1x16xf32>,
          %get3A_341 = vector.shape_cast %get3A_340 : vector<1x16xf32> to vector<16xf32>
          %add3A_342 = arith.addf %scan3A_255, %get3A_341 : vector<16xf32>
          %eq3A_343 = arith.cmpi eq, %add3A_271, %gather3A_54 : vector<16xi32>
          %jit3A_344 = arith.constant 0.000000e+00 : f32
          %broadcast_in_dim3A_345 = vector.broadcast %jit3A_344 : f32 to vector<16xf32>
          %select_n3A_346 = arith.select %eq3A_343, %get3A_341, %broadcast_in_dim3A_345 : vector<16xi1>, vector<16xf32>
          %add3A_347 = arith.addf %scan3A_263, %select_n3A_346 : vector<16xf32>
          %get3A_348 = arith.constant 7 : i32
          %get3A_349 = arith.index_cast %get3A_348 : i32 to index
          %get3A_350 = arith.index_cast %add3A_268 : i32 to index
          %get3A_351 = tpu.vector_load %arg6[%get3A_349, %get3A_350] {strides = array<i32>} : memref<8x3200xf32, #tpu.memory_space<vmem>>, vector<1x16xf32>,
          %get3A_352 = vector.shape_cast %get3A_351 : vector<1x16xf32> to vector<16xf32>
          %add3A_353 = arith.addf %scan3A_256, %get3A_352 : vector<16xf32>
          %eq3A_354 = arith.cmpi eq, %add3A_271, %gather3A_58 : vector<16xi32>
          %jit3A_355 = arith.constant 0.000000e+00 : f32
          %broadcast_in_dim3A_356 = vector.broadcast %jit3A_355 : f32 to vector<16xf32>
          %select_n3A_357 = arith.select %eq3A_354, %get3A_352, %broadcast_in_dim3A_356 : vector<16xi1>, vector<16xf32>
          %add3A_358 = arith.addf %scan3A_264, %select_n3A_357 : vector<16xf32>
          %mul3A_359 = arith.constant 128 : i32
          %mul3A_360 = arith.muli %scan3A_248, %mul3A_359 : i32
          %add3A_361 = arith.constant 16 : i32
          %add3A_362 = arith.addi %mul3A_360, %add3A_361 : i32
          %add3A_363 = arith.addi %mul3A_224, %add3A_362 : i32
          %add3A_364 = vector.broadcast %add3A_363 : i32 to vector<16xi32>
          %add3A_365 = arith.addi %add3A_364, %iota3A_225 : vector<16xi32>
          %get3A_366 = arith.constant 0 : i32
          %get3A_367 = arith.index_cast %get3A_366 : i32 to index
          %get3A_368 = arith.index_cast %add3A_362 : i32 to index
          %get3A_369 = tpu.vector_load %arg6[%get3A_367, %get3A_368] {strides = array<i32>} : memref<8x3200xf32, #tpu.memory_space<vmem>>, vector<1x16xf32>,
          %get3A_370 = vector.shape_cast %get3A_369 : vector<1x16xf32> to vector<16xf32>
          %add3A_371 = arith.addf %add3A_277, %get3A_370 : vector<16xf32>
          %eq3A_372 = arith.cmpi eq, %add3A_365, %gather3A_30 : vector<16xi32>
          %jit3A_373 = arith.constant 0.000000e+00 : f32
          %broadcast_in_dim3A_374 = vector.broadcast %jit3A_373 : f32 to vector<16xf32>
          %select_n3A_375 = arith.select %eq3A_372, %get3A_370, %broadcast_in_dim3A_374 : vector<16xi1>, vector<16xf32>
          %add3A_376 = arith.addf %add3A_281, %select_n3A_375 : vector<16xf32>
          %get3A_377 = arith.constant 1 : i32
          %get3A_378 = arith.index_cast %get3A_377 : i32 to index
          %get3A_379 = arith.index_cast %add3A_362 : i32 to index
          %get3A_380 = tpu.vector_load %arg6[%get3A_378, %get3A_379] {strides = array<i32>} : memref<8x3200xf32, #tpu.memory_space<vmem>>, vector<1x16xf32>,
          %get3A_381 = vector.shape_cast %get3A_380 : vector<1x16xf32> to vector<16xf32>
          %add3A_382 = arith.addf %add3A_287, %get3A_381 : vector<16xf32>
          %eq3A_383 = arith.cmpi eq, %add3A_365, %gather3A_34 : vector<16xi32>
          %jit3A_384 = arith.constant 0.000000e+00 : f32
          %broadcast_in_dim3A_385 = vector.broadcast %jit3A_384 : f32 to vector<16xf32>
          %select_n3A_386 = arith.select %eq3A_383, %get3A_381, %broadcast_in_dim3A_385 : vector<16xi1>, vector<16xf32>
          %add3A_387 = arith.addf %add3A_292, %select_n3A_386 : vector<16xf32>
          %get3A_388 = arith.constant 2 : i32
          %get3A_389 = arith.index_cast %get3A_388 : i32 to index
          %get3A_390 = arith.index_cast %add3A_362 : i32 to index
          %get3A_391 = tpu.vector_load %arg6[%get3A_389, %get3A_390] {strides = array<i32>} : memref<8x3200xf32, #tpu.memory_space<vmem>>, vector<1x16xf32>,
          %get3A_392 = vector.shape_cast %get3A_391 : vector<1x16xf32> to vector<16xf32>
          %add3A_393 = arith.addf %add3A_298, %get3A_392 : vector<16xf32>
          %eq3A_394 = arith.cmpi eq, %add3A_365, %gather3A_38 : vector<16xi32>
          %jit3A_395 = arith.constant 0.000000e+00 : f32
          %broadcast_in_dim3A_396 = vector.broadcast %jit3A_395 : f32 to vector<16xf32>
          %select_n3A_397 = arith.select %eq3A_394, %get3A_392, %broadcast_in_dim3A_396 : vector<16xi1>, vector<16xf32>
          %add3A_398 = arith.addf %add3A_303, %select_n3A_397 : vector<16xf32>
          %get3A_399 = arith.constant 3 : i32
          %get3A_400 = arith.index_cast %get3A_399 : i32 to index
          %get3A_401 = arith.index_cast %add3A_362 : i32 to index
          %get3A_402 = tpu.vector_load %arg6[%get3A_400, %get3A_401] {strides = array<i32>} : memref<8x3200xf32, #tpu.memory_space<vmem>>, vector<1x16xf32>,
          %get3A_403 = vector.shape_cast %get3A_402 : vector<1x16xf32> to vector<16xf32>
          %add3A_404 = arith.addf %add3A_309, %get3A_403 : vector<16xf32>
          %eq3A_405 = arith.cmpi eq, %add3A_365, %gather3A_42 : vector<16xi32>
          %jit3A_406 = arith.constant 0.000000e+00 : f32
          %broadcast_in_dim3A_407 = vector.broadcast %jit3A_406 : f32 to vector<16xf32>
          %select_n3A_408 = arith.select %eq3A_405, %get3A_403, %broadcast_in_dim3A_407 : vector<16xi1>, vector<16xf32>
          %add3A_409 = arith.addf %add3A_314, %select_n3A_408 : vector<16xf32>
          %get3A_410 = arith.constant 4 : i32
          %get3A_411 = arith.index_cast %get3A_410 : i32 to index
          %get3A_412 = arith.index_cast %add3A_362 : i32 to index
          %get3A_413 = tpu.vector_load %arg6[%get3A_411, %get3A_412] {strides = array<i32>} : memref<8x3200xf32, #tpu.memory_space<vmem>>, vector<1x16xf32>,
          %get3A_414 = vector.shape_cast %get3A_413 : vector<1x16xf32> to vector<16xf32>
          %add3A_415 = arith.addf %add3A_320, %get3A_414 : vector<16xf32>
          %eq3A_416 = arith.cmpi eq, %add3A_365, %gather3A_46 : vector<16xi32>
          %jit3A_417 = arith.constant 0.000000e+00 : f32
          %broadcast_in_dim3A_418 = vector.broadcast %jit3A_417 : f32 to vector<16xf32>
          %select_n3A_419 = arith.select %eq3A_416, %get3A_414, %broadcast_in_dim3A_418 : vector<16xi1>, vector<16xf32>
          %add3A_420 = arith.addf %add3A_325, %select_n3A_419 : vector<16xf32>
          %get3A_421 = arith.constant 5 : i32
          %get3A_422 = arith.index_cast %get3A_421 : i32 to index
          %get3A_423 = arith.index_cast %add3A_362 : i32 to index
          %get3A_424 = tpu.vector_load %arg6[%get3A_422, %get3A_423] {strides = array<i32>} : memref<8x3200xf32, #tpu.memory_space<vmem>>, vector<1x16xf32>,
          %get3A_425 = vector.shape_cast %get3A_424 : vector<1x16xf32> to vector<16xf32>
          %add3A_426 = arith.addf %add3A_331, %get3A_425 : vector<16xf32>
          %eq3A_427 = arith.cmpi eq, %add3A_365, %gather3A_50 : vector<16xi32>
          %jit3A_428 = arith.constant 0.000000e+00 : f32
          %broadcast_in_dim3A_429 = vector.broadcast %jit3A_428 : f32 to vector<16xf32>
          %select_n3A_430 = arith.select %eq3A_427, %get3A_425, %broadcast_in_dim3A_429 : vector<16xi1>, vector<16xf32>
          %add3A_431 = arith.addf %add3A_336, %select_n3A_430 : vector<16xf32>
          %get3A_432 = arith.constant 6 : i32
          %get3A_433 = arith.index_cast %get3A_432 : i32 to index
          %get3A_434 = arith.index_cast %add3A_362 : i32 to index
          %get3A_435 = tpu.vector_load %arg6[%get3A_433, %get3A_434] {strides = array<i32>} : memref<8x3200xf32, #tpu.memory_space<vmem>>, vector<1x16xf32>,
          %get3A_436 = vector.shape_cast %get3A_435 : vector<1x16xf32> to vector<16xf32>
          %add3A_437 = arith.addf %add3A_342, %get3A_436 : vector<16xf32>
          %eq3A_438 = arith.cmpi eq, %add3A_365, %gather3A_54 : vector<16xi32>
          %jit3A_439 = arith.constant 0.000000e+00 : f32
          %broadcast_in_dim3A_440 = vector.broadcast %jit3A_439 : f32 to vector<16xf32>
          %select_n3A_441 = arith.select %eq3A_438, %get3A_436, %broadcast_in_dim3A_440 : vector<16xi1>, vector<16xf32>
          %add3A_442 = arith.addf %add3A_347, %select_n3A_441 : vector<16xf32>
          %get3A_443 = arith.constant 7 : i32
          %get3A_444 = arith.index_cast %get3A_443 : i32 to index
          %get3A_445 = arith.index_cast %add3A_362 : i32 to index
          %get3A_446 = tpu.vector_load %arg6[%get3A_444, %get3A_445] {strides = array<i32>} : memref<8x3200xf32, #tpu.memory_space<vmem>>, vector<1x16xf32>,
          %get3A_447 = vector.shape_cast %get3A_446 : vector<1x16xf32> to vector<16xf32>
          %add3A_448 = arith.addf %add3A_353, %get3A_447 : vector<16xf32>
          %eq3A_449 = arith.cmpi eq, %add3A_365, %gather3A_58 : vector<16xi32>
          %jit3A_450 = arith.constant 0.000000e+00 : f32
          %broadcast_in_dim3A_451 = vector.broadcast %jit3A_450 : f32 to vector<16xf32>
          %select_n3A_452 = arith.select %eq3A_449, %get3A_447, %broadcast_in_dim3A_451 : vector<16xi1>, vector<16xf32>
          %add3A_453 = arith.addf %add3A_358, %select_n3A_452 : vector<16xf32>
          %mul3A_454 = arith.constant 128 : i32
          %mul3A_455 = arith.muli %scan3A_248, %mul3A_454 : i32
          %add3A_456 = arith.constant 32 : i32
          %add3A_457 = arith.addi %mul3A_455, %add3A_456 : i32
          %add3A_458 = arith.addi %mul3A_224, %add3A_457 : i32
          %add3A_459 = vector.broadcast %add3A_458 : i32 to vector<16xi32>
          %add3A_460 = arith.addi %add3A_459, %iota3A_225 : vector<16xi32>
          %get3A_461 = arith.constant 0 : i32
          %get3A_462 = arith.index_cast %get3A_461 : i32 to index
          %get3A_463 = arith.index_cast %add3A_457 : i32 to index
          %get3A_464 = tpu.vector_load %arg6[%get3A_462, %get3A_463] {strides = array<i32>} : memref<8x3200xf32, #tpu.memory_space<vmem>>, vector<1x16xf32>,
          %get3A_465 = vector.shape_cast %get3A_464 : vector<1x16xf32> to vector<16xf32>
          %add3A_466 = arith.addf %add3A_371, %get3A_465 : vector<16xf32>
          %eq3A_467 = arith.cmpi eq, %add3A_460, %gather3A_30 : vector<16xi32>
          %jit3A_468 = arith.constant 0.000000e+00 : f32
          %broadcast_in_dim3A_469 = vector.broadcast %jit3A_468 : f32 to vector<16xf32>
          %select_n3A_470 = arith.select %eq3A_467, %get3A_465, %broadcast_in_dim3A_469 : vector<16xi1>, vector<16xf32>
          %add3A_471 = arith.addf %add3A_376, %select_n3A_470 : vector<16xf32>
          %get3A_472 = arith.constant 1 : i32
          %get3A_473 = arith.index_cast %get3A_472 : i32 to index
          %get3A_474 = arith.index_cast %add3A_457 : i32 to index
          %get3A_475 = tpu.vector_load %arg6[%get3A_473, %get3A_474] {strides = array<i32>} : memref<8x3200xf32, #tpu.memory_space<vmem>>, vector<1x16xf32>,
          %get3A_476 = vector.shape_cast %get3A_475 : vector<1x16xf32> to vector<16xf32>
          %add3A_477 = arith.addf %add3A_382, %get3A_476 : vector<16xf32>
          %eq3A_478 = arith.cmpi eq, %add3A_460, %gather3A_34 : vector<16xi32>
          %jit3A_479 = arith.constant 0.000000e+00 : f32
          %broadcast_in_dim3A_480 = vector.broadcast %jit3A_479 : f32 to vector<16xf32>
          %select_n3A_481 = arith.select %eq3A_478, %get3A_476, %broadcast_in_dim3A_480 : vector<16xi1>, vector<16xf32>
          %add3A_482 = arith.addf %add3A_387, %select_n3A_481 : vector<16xf32>
          %get3A_483 = arith.constant 2 : i32
          %get3A_484 = arith.index_cast %get3A_483 : i32 to index
          %get3A_485 = arith.index_cast %add3A_457 : i32 to index
          %get3A_486 = tpu.vector_load %arg6[%get3A_484, %get3A_485] {strides = array<i32>} : memref<8x3200xf32, #tpu.memory_space<vmem>>, vector<1x16xf32>,
          %get3A_487 = vector.shape_cast %get3A_486 : vector<1x16xf32> to vector<16xf32>
          %add3A_488 = arith.addf %add3A_393, %get3A_487 : vector<16xf32>
          %eq3A_489 = arith.cmpi eq, %add3A_460, %gather3A_38 : vector<16xi32>
          %jit3A_490 = arith.constant 0.000000e+00 : f32
          %broadcast_in_dim3A_491 = vector.broadcast %jit3A_490 : f32 to vector<16xf32>
          %select_n3A_492 = arith.select %eq3A_489, %get3A_487, %broadcast_in_dim3A_491 : vector<16xi1>, vector<16xf32>
          %add3A_493 = arith.addf %add3A_398, %select_n3A_492 : vector<16xf32>
          %get3A_494 = arith.constant 3 : i32
          %get3A_495 = arith.index_cast %get3A_494 : i32 to index
          %get3A_496 = arith.index_cast %add3A_457 : i32 to index
          %get3A_497 = tpu.vector_load %arg6[%get3A_495, %get3A_496] {strides = array<i32>} : memref<8x3200xf32, #tpu.memory_space<vmem>>, vector<1x16xf32>,
          %get3A_498 = vector.shape_cast %get3A_497 : vector<1x16xf32> to vector<16xf32>
          %add3A_499 = arith.addf %add3A_404, %get3A_498 : vector<16xf32>
          %eq3A_500 = arith.cmpi eq, %add3A_460, %gather3A_42 : vector<16xi32>
          %jit3A_501 = arith.constant 0.000000e+00 : f32
          %broadcast_in_dim3A_502 = vector.broadcast %jit3A_501 : f32 to vector<16xf32>
          %select_n3A_503 = arith.select %eq3A_500, %get3A_498, %broadcast_in_dim3A_502 : vector<16xi1>, vector<16xf32>
          %add3A_504 = arith.addf %add3A_409, %select_n3A_503 : vector<16xf32>
          %get3A_505 = arith.constant 4 : i32
          %get3A_506 = arith.index_cast %get3A_505 : i32 to index
          %get3A_507 = arith.index_cast %add3A_457 : i32 to index
          %get3A_508 = tpu.vector_load %arg6[%get3A_506, %get3A_507] {strides = array<i32>} : memref<8x3200xf32, #tpu.memory_space<vmem>>, vector<1x16xf32>,
          %get3A_509 = vector.shape_cast %get3A_508 : vector<1x16xf32> to vector<16xf32>
          %add3A_510 = arith.addf %add3A_415, %get3A_509 : vector<16xf32>
          %eq3A_511 = arith.cmpi eq, %add3A_460, %gather3A_46 : vector<16xi32>
          %jit3A_512 = arith.constant 0.000000e+00 : f32
          %broadcast_in_dim3A_513 = vector.broadcast %jit3A_512 : f32 to vector<16xf32>
          %select_n3A_514 = arith.select %eq3A_511, %get3A_509, %broadcast_in_dim3A_513 : vector<16xi1>, vector<16xf32>
          %add3A_515 = arith.addf %add3A_420, %select_n3A_514 : vector<16xf32>
          %get3A_516 = arith.constant 5 : i32
          %get3A_517 = arith.index_cast %get3A_516 : i32 to index
          %get3A_518 = arith.index_cast %add3A_457 : i32 to index
          %get3A_519 = tpu.vector_load %arg6[%get3A_517, %get3A_518] {strides = array<i32>} : memref<8x3200xf32, #tpu.memory_space<vmem>>, vector<1x16xf32>,
          %get3A_520 = vector.shape_cast %get3A_519 : vector<1x16xf32> to vector<16xf32>
          %add3A_521 = arith.addf %add3A_426, %get3A_520 : vector<16xf32>
          %eq3A_522 = arith.cmpi eq, %add3A_460, %gather3A_50 : vector<16xi32>
          %jit3A_523 = arith.constant 0.000000e+00 : f32
          %broadcast_in_dim3A_524 = vector.broadcast %jit3A_523 : f32 to vector<16xf32>
          %select_n3A_525 = arith.select %eq3A_522, %get3A_520, %broadcast_in_dim3A_524 : vector<16xi1>, vector<16xf32>
          %add3A_526 = arith.addf %add3A_431, %select_n3A_525 : vector<16xf32>
          %get3A_527 = arith.constant 6 : i32
          %get3A_528 = arith.index_cast %get3A_527 : i32 to index
          %get3A_529 = arith.index_cast %add3A_457 : i32 to index
          %get3A_530 = tpu.vector_load %arg6[%get3A_528, %get3A_529] {strides = array<i32>} : memref<8x3200xf32, #tpu.memory_space<vmem>>, vector<1x16xf32>,
          %get3A_531 = vector.shape_cast %get3A_530 : vector<1x16xf32> to vector<16xf32>
          %add3A_532 = arith.addf %add3A_437, %get3A_531 : vector<16xf32>
          %eq3A_533 = arith.cmpi eq, %add3A_460, %gather3A_54 : vector<16xi32>
          %jit3A_534 = arith.constant 0.000000e+00 : f32
          %broadcast_in_dim3A_535 = vector.broadcast %jit3A_534 : f32 to vector<16xf32>
          %select_n3A_536 = arith.select %eq3A_533, %get3A_531, %broadcast_in_dim3A_535 : vector<16xi1>, vector<16xf32>
          %add3A_537 = arith.addf %add3A_442, %select_n3A_536 : vector<16xf32>
          %get3A_538 = arith.constant 7 : i32
          %get3A_539 = arith.index_cast %get3A_538 : i32 to index
          %get3A_540 = arith.index_cast %add3A_457 : i32 to index
          %get3A_541 = tpu.vector_load %arg6[%get3A_539, %get3A_540] {strides = array<i32>} : memref<8x3200xf32, #tpu.memory_space<vmem>>, vector<1x16xf32>,
          %get3A_542 = vector.shape_cast %get3A_541 : vector<1x16xf32> to vector<16xf32>
          %add3A_543 = arith.addf %add3A_448, %get3A_542 : vector<16xf32>
          %eq3A_544 = arith.cmpi eq, %add3A_460, %gather3A_58 : vector<16xi32>
          %jit3A_545 = arith.constant 0.000000e+00 : f32
          %broadcast_in_dim3A_546 = vector.broadcast %jit3A_545 : f32 to vector<16xf32>
          %select_n3A_547 = arith.select %eq3A_544, %get3A_542, %broadcast_in_dim3A_546 : vector<16xi1>, vector<16xf32>
          %add3A_548 = arith.addf %add3A_453, %select_n3A_547 : vector<16xf32>
          %mul3A_549 = arith.constant 128 : i32
          %mul3A_550 = arith.muli %scan3A_248, %mul3A_549 : i32
          %add3A_551 = arith.constant 48 : i32
          %add3A_552 = arith.addi %mul3A_550, %add3A_551 : i32
          %add3A_553 = arith.addi %mul3A_224, %add3A_552 : i32
          %add3A_554 = vector.broadcast %add3A_553 : i32 to vector<16xi32>
          %add3A_555 = arith.addi %add3A_554, %iota3A_225 : vector<16xi32>
          %get3A_556 = arith.constant 0 : i32
          %get3A_557 = arith.index_cast %get3A_556 : i32 to index
          %get3A_558 = arith.index_cast %add3A_552 : i32 to index
          %get3A_559 = tpu.vector_load %arg6[%get3A_557, %get3A_558] {strides = array<i32>} : memref<8x3200xf32, #tpu.memory_space<vmem>>, vector<1x16xf32>,
          %get3A_560 = vector.shape_cast %get3A_559 : vector<1x16xf32> to vector<16xf32>
          %add3A_561 = arith.addf %add3A_466, %get3A_560 : vector<16xf32>
          %eq3A_562 = arith.cmpi eq, %add3A_555, %gather3A_30 : vector<16xi32>
          %jit3A_563 = arith.constant 0.000000e+00 : f32
          %broadcast_in_dim3A_564 = vector.broadcast %jit3A_563 : f32 to vector<16xf32>
          %select_n3A_565 = arith.select %eq3A_562, %get3A_560, %broadcast_in_dim3A_564 : vector<16xi1>, vector<16xf32>
          %add3A_566 = arith.addf %add3A_471, %select_n3A_565 : vector<16xf32>
          %get3A_567 = arith.constant 1 : i32
          %get3A_568 = arith.index_cast %get3A_567 : i32 to index
          %get3A_569 = arith.index_cast %add3A_552 : i32 to index
          %get3A_570 = tpu.vector_load %arg6[%get3A_568, %get3A_569] {strides = array<i32>} : memref<8x3200xf32, #tpu.memory_space<vmem>>, vector<1x16xf32>,
          %get3A_571 = vector.shape_cast %get3A_570 : vector<1x16xf32> to vector<16xf32>
          %add3A_572 = arith.addf %add3A_477, %get3A_571 : vector<16xf32>
          %eq3A_573 = arith.cmpi eq, %add3A_555, %gather3A_34 : vector<16xi32>
          %jit3A_574 = arith.constant 0.000000e+00 : f32
          %broadcast_in_dim3A_575 = vector.broadcast %jit3A_574 : f32 to vector<16xf32>
          %select_n3A_576 = arith.select %eq3A_573, %get3A_571, %broadcast_in_dim3A_575 : vector<16xi1>, vector<16xf32>
          %add3A_577 = arith.addf %add3A_482, %select_n3A_576 : vector<16xf32>
          %get3A_578 = arith.constant 2 : i32
          %get3A_579 = arith.index_cast %get3A_578 : i32 to index
          %get3A_580 = arith.index_cast %add3A_552 : i32 to index
          %get3A_581 = tpu.vector_load %arg6[%get3A_579, %get3A_580] {strides = array<i32>} : memref<8x3200xf32, #tpu.memory_space<vmem>>, vector<1x16xf32>,
          %get3A_582 = vector.shape_cast %get3A_581 : vector<1x16xf32> to vector<16xf32>
          %add3A_583 = arith.addf %add3A_488, %get3A_582 : vector<16xf32>
          %eq3A_584 = arith.cmpi eq, %add3A_555, %gather3A_38 : vector<16xi32>
          %jit3A_585 = arith.constant 0.000000e+00 : f32
          %broadcast_in_dim3A_586 = vector.broadcast %jit3A_585 : f32 to vector<16xf32>
          %select_n3A_587 = arith.select %eq3A_584, %get3A_582, %broadcast_in_dim3A_586 : vector<16xi1>, vector<16xf32>
          %add3A_588 = arith.addf %add3A_493, %select_n3A_587 : vector<16xf32>
          %get3A_589 = arith.constant 3 : i32
          %get3A_590 = arith.index_cast %get3A_589 : i32 to index
          %get3A_591 = arith.index_cast %add3A_552 : i32 to index
          %get3A_592 = tpu.vector_load %arg6[%get3A_590, %get3A_591] {strides = array<i32>} : memref<8x3200xf32, #tpu.memory_space<vmem>>, vector<1x16xf32>,
          %get3A_593 = vector.shape_cast %get3A_592 : vector<1x16xf32> to vector<16xf32>
          %add3A_594 = arith.addf %add3A_499, %get3A_593 : vector<16xf32>
          %eq3A_595 = arith.cmpi eq, %add3A_555, %gather3A_42 : vector<16xi32>
          %jit3A_596 = arith.constant 0.000000e+00 : f32
          %broadcast_in_dim3A_597 = vector.broadcast %jit3A_596 : f32 to vector<16xf32>
          %select_n3A_598 = arith.select %eq3A_595, %get3A_593, %broadcast_in_dim3A_597 : vector<16xi1>, vector<16xf32>
          %add3A_599 = arith.addf %add3A_504, %select_n3A_598 : vector<16xf32>
          %get3A_600 = arith.constant 4 : i32
          %get3A_601 = arith.index_cast %get3A_600 : i32 to index
          %get3A_602 = arith.index_cast %add3A_552 : i32 to index
          %get3A_603 = tpu.vector_load %arg6[%get3A_601, %get3A_602] {strides = array<i32>} : memref<8x3200xf32, #tpu.memory_space<vmem>>, vector<1x16xf32>,
          %get3A_604 = vector.shape_cast %get3A_603 : vector<1x16xf32> to vector<16xf32>
          %add3A_605 = arith.addf %add3A_510, %get3A_604 : vector<16xf32>
          %eq3A_606 = arith.cmpi eq, %add3A_555, %gather3A_46 : vector<16xi32>
          %jit3A_607 = arith.constant 0.000000e+00 : f32
          %broadcast_in_dim3A_608 = vector.broadcast %jit3A_607 : f32 to vector<16xf32>
          %select_n3A_609 = arith.select %eq3A_606, %get3A_604, %broadcast_in_dim3A_608 : vector<16xi1>, vector<16xf32>
          %add3A_610 = arith.addf %add3A_515, %select_n3A_609 : vector<16xf32>
          %get3A_611 = arith.constant 5 : i32
          %get3A_612 = arith.index_cast %get3A_611 : i32 to index
          %get3A_613 = arith.index_cast %add3A_552 : i32 to index
          %get3A_614 = tpu.vector_load %arg6[%get3A_612, %get3A_613] {strides = array<i32>} : memref<8x3200xf32, #tpu.memory_space<vmem>>, vector<1x16xf32>,
          %get3A_615 = vector.shape_cast %get3A_614 : vector<1x16xf32> to vector<16xf32>
          %add3A_616 = arith.addf %add3A_521, %get3A_615 : vector<16xf32>
          %eq3A_617 = arith.cmpi eq, %add3A_555, %gather3A_50 : vector<16xi32>
          %jit3A_618 = arith.constant 0.000000e+00 : f32
          %broadcast_in_dim3A_619 = vector.broadcast %jit3A_618 : f32 to vector<16xf32>
          %select_n3A_620 = arith.select %eq3A_617, %get3A_615, %broadcast_in_dim3A_619 : vector<16xi1>, vector<16xf32>
          %add3A_621 = arith.addf %add3A_526, %select_n3A_620 : vector<16xf32>
          %get3A_622 = arith.constant 6 : i32
          %get3A_623 = arith.index_cast %get3A_622 : i32 to index
          %get3A_624 = arith.index_cast %add3A_552 : i32 to index
          %get3A_625 = tpu.vector_load %arg6[%get3A_623, %get3A_624] {strides = array<i32>} : memref<8x3200xf32, #tpu.memory_space<vmem>>, vector<1x16xf32>,
          %get3A_626 = vector.shape_cast %get3A_625 : vector<1x16xf32> to vector<16xf32>
          %add3A_627 = arith.addf %add3A_532, %get3A_626 : vector<16xf32>
          %eq3A_628 = arith.cmpi eq, %add3A_555, %gather3A_54 : vector<16xi32>
          %jit3A_629 = arith.constant 0.000000e+00 : f32
          %broadcast_in_dim3A_630 = vector.broadcast %jit3A_629 : f32 to vector<16xf32>
          %select_n3A_631 = arith.select %eq3A_628, %get3A_626, %broadcast_in_dim3A_630 : vector<16xi1>, vector<16xf32>
          %add3A_632 = arith.addf %add3A_537, %select_n3A_631 : vector<16xf32>
          %get3A_633 = arith.constant 7 : i32
          %get3A_634 = arith.index_cast %get3A_633 : i32 to index
          %get3A_635 = arith.index_cast %add3A_552 : i32 to index
          %get3A_636 = tpu.vector_load %arg6[%get3A_634, %get3A_635] {strides = array<i32>} : memref<8x3200xf32, #tpu.memory_space<vmem>>, vector<1x16xf32>,
          %get3A_637 = vector.shape_cast %get3A_636 : vector<1x16xf32> to vector<16xf32>
          %add3A_638 = arith.addf %add3A_543, %get3A_637 : vector<16xf32>
          %eq3A_639 = arith.cmpi eq, %add3A_555, %gather3A_58 : vector<16xi32>
          %jit3A_640 = arith.constant 0.000000e+00 : f32
          %broadcast_in_dim3A_641 = vector.broadcast %jit3A_640 : f32 to vector<16xf32>
          %select_n3A_642 = arith.select %eq3A_639, %get3A_637, %broadcast_in_dim3A_641 : vector<16xi1>, vector<16xf32>
          %add3A_643 = arith.addf %add3A_548, %select_n3A_642 : vector<16xf32>
          %mul3A_644 = arith.constant 128 : i32
          %mul3A_645 = arith.muli %scan3A_248, %mul3A_644 : i32
          %add3A_646 = arith.constant 64 : i32
          %add3A_647 = arith.addi %mul3A_645, %add3A_646 : i32
          %add3A_648 = arith.addi %mul3A_224, %add3A_647 : i32
          %add3A_649 = vector.broadcast %add3A_648 : i32 to vector<16xi32>
          %add3A_650 = arith.addi %add3A_649, %iota3A_225 : vector<16xi32>
          %get3A_651 = arith.constant 0 : i32
          %get3A_652 = arith.index_cast %get3A_651 : i32 to index
          %get3A_653 = arith.index_cast %add3A_647 : i32 to index
          %get3A_654 = tpu.vector_load %arg6[%get3A_652, %get3A_653] {strides = array<i32>} : memref<8x3200xf32, #tpu.memory_space<vmem>>, vector<1x16xf32>,
          %get3A_655 = vector.shape_cast %get3A_654 : vector<1x16xf32> to vector<16xf32>
          %add3A_656 = arith.addf %add3A_561, %get3A_655 : vector<16xf32>
          %eq3A_657 = arith.cmpi eq, %add3A_650, %gather3A_30 : vector<16xi32>
          %jit3A_658 = arith.constant 0.000000e+00 : f32
          %broadcast_in_dim3A_659 = vector.broadcast %jit3A_658 : f32 to vector<16xf32>
          %select_n3A_660 = arith.select %eq3A_657, %get3A_655, %broadcast_in_dim3A_659 : vector<16xi1>, vector<16xf32>
          %add3A_661 = arith.addf %add3A_566, %select_n3A_660 : vector<16xf32>
          %get3A_662 = arith.constant 1 : i32
          %get3A_663 = arith.index_cast %get3A_662 : i32 to index
          %get3A_664 = arith.index_cast %add3A_647 : i32 to index
          %get3A_665 = tpu.vector_load %arg6[%get3A_663, %get3A_664] {strides = array<i32>} : memref<8x3200xf32, #tpu.memory_space<vmem>>, vector<1x16xf32>,
          %get3A_666 = vector.shape_cast %get3A_665 : vector<1x16xf32> to vector<16xf32>
          %add3A_667 = arith.addf %add3A_572, %get3A_666 : vector<16xf32>
          %eq3A_668 = arith.cmpi eq, %add3A_650, %gather3A_34 : vector<16xi32>
          %jit3A_669 = arith.constant 0.000000e+00 : f32
          %broadcast_in_dim3A_670 = vector.broadcast %jit3A_669 : f32 to vector<16xf32>
          %select_n3A_671 = arith.select %eq3A_668, %get3A_666, %broadcast_in_dim3A_670 : vector<16xi1>, vector<16xf32>
          %add3A_672 = arith.addf %add3A_577, %select_n3A_671 : vector<16xf32>
          %get3A_673 = arith.constant 2 : i32
          %get3A_674 = arith.index_cast %get3A_673 : i32 to index
          %get3A_675 = arith.index_cast %add3A_647 : i32 to index
          %get3A_676 = tpu.vector_load %arg6[%get3A_674, %get3A_675] {strides = array<i32>} : memref<8x3200xf32, #tpu.memory_space<vmem>>, vector<1x16xf32>,
          %get3A_677 = vector.shape_cast %get3A_676 : vector<1x16xf32> to vector<16xf32>
          %add3A_678 = arith.addf %add3A_583, %get3A_677 : vector<16xf32>
          %eq3A_679 = arith.cmpi eq, %add3A_650, %gather3A_38 : vector<16xi32>
          %jit3A_680 = arith.constant 0.000000e+00 : f32
          %broadcast_in_dim3A_681 = vector.broadcast %jit3A_680 : f32 to vector<16xf32>
          %select_n3A_682 = arith.select %eq3A_679, %get3A_677, %broadcast_in_dim3A_681 : vector<16xi1>, vector<16xf32>
          %add3A_683 = arith.addf %add3A_588, %select_n3A_682 : vector<16xf32>
          %get3A_684 = arith.constant 3 : i32
          %get3A_685 = arith.index_cast %get3A_684 : i32 to index
          %get3A_686 = arith.index_cast %add3A_647 : i32 to index
          %get3A_687 = tpu.vector_load %arg6[%get3A_685, %get3A_686] {strides = array<i32>} : memref<8x3200xf32, #tpu.memory_space<vmem>>, vector<1x16xf32>,
          %get3A_688 = vector.shape_cast %get3A_687 : vector<1x16xf32> to vector<16xf32>
          %add3A_689 = arith.addf %add3A_594, %get3A_688 : vector<16xf32>
          %eq3A_690 = arith.cmpi eq, %add3A_650, %gather3A_42 : vector<16xi32>
          %jit3A_691 = arith.constant 0.000000e+00 : f32
          %broadcast_in_dim3A_692 = vector.broadcast %jit3A_691 : f32 to vector<16xf32>
          %select_n3A_693 = arith.select %eq3A_690, %get3A_688, %broadcast_in_dim3A_692 : vector<16xi1>, vector<16xf32>
          %add3A_694 = arith.addf %add3A_599, %select_n3A_693 : vector<16xf32>
          %get3A_695 = arith.constant 4 : i32
          %get3A_696 = arith.index_cast %get3A_695 : i32 to index
          %get3A_697 = arith.index_cast %add3A_647 : i32 to index
          %get3A_698 = tpu.vector_load %arg6[%get3A_696, %get3A_697] {strides = array<i32>} : memref<8x3200xf32, #tpu.memory_space<vmem>>, vector<1x16xf32>,
          %get3A_699 = vector.shape_cast %get3A_698 : vector<1x16xf32> to vector<16xf32>
          %add3A_700 = arith.addf %add3A_605, %get3A_699 : vector<16xf32>
          %eq3A_701 = arith.cmpi eq, %add3A_650, %gather3A_46 : vector<16xi32>
          %jit3A_702 = arith.constant 0.000000e+00 : f32
          %broadcast_in_dim3A_703 = vector.broadcast %jit3A_702 : f32 to vector<16xf32>
          %select_n3A_704 = arith.select %eq3A_701, %get3A_699, %broadcast_in_dim3A_703 : vector<16xi1>, vector<16xf32>
          %add3A_705 = arith.addf %add3A_610, %select_n3A_704 : vector<16xf32>
          %get3A_706 = arith.constant 5 : i32
          %get3A_707 = arith.index_cast %get3A_706 : i32 to index
          %get3A_708 = arith.index_cast %add3A_647 : i32 to index
          %get3A_709 = tpu.vector_load %arg6[%get3A_707, %get3A_708] {strides = array<i32>} : memref<8x3200xf32, #tpu.memory_space<vmem>>, vector<1x16xf32>,
          %get3A_710 = vector.shape_cast %get3A_709 : vector<1x16xf32> to vector<16xf32>
          %add3A_711 = arith.addf %add3A_616, %get3A_710 : vector<16xf32>
          %eq3A_712 = arith.cmpi eq, %add3A_650, %gather3A_50 : vector<16xi32>
          %jit3A_713 = arith.constant 0.000000e+00 : f32
          %broadcast_in_dim3A_714 = vector.broadcast %jit3A_713 : f32 to vector<16xf32>
          %select_n3A_715 = arith.select %eq3A_712, %get3A_710, %broadcast_in_dim3A_714 : vector<16xi1>, vector<16xf32>
          %add3A_716 = arith.addf %add3A_621, %select_n3A_715 : vector<16xf32>
          %get3A_717 = arith.constant 6 : i32
          %get3A_718 = arith.index_cast %get3A_717 : i32 to index
          %get3A_719 = arith.index_cast %add3A_647 : i32 to index
          %get3A_720 = tpu.vector_load %arg6[%get3A_718, %get3A_719] {strides = array<i32>} : memref<8x3200xf32, #tpu.memory_space<vmem>>, vector<1x16xf32>,
          %get3A_721 = vector.shape_cast %get3A_720 : vector<1x16xf32> to vector<16xf32>
          %add3A_722 = arith.addf %add3A_627, %get3A_721 : vector<16xf32>
          %eq3A_723 = arith.cmpi eq, %add3A_650, %gather3A_54 : vector<16xi32>
          %jit3A_724 = arith.constant 0.000000e+00 : f32
          %broadcast_in_dim3A_725 = vector.broadcast %jit3A_724 : f32 to vector<16xf32>
          %select_n3A_726 = arith.select %eq3A_723, %get3A_721, %broadcast_in_dim3A_725 : vector<16xi1>, vector<16xf32>
          %add3A_727 = arith.addf %add3A_632, %select_n3A_726 : vector<16xf32>
          %get3A_728 = arith.constant 7 : i32
          %get3A_729 = arith.index_cast %get3A_728 : i32 to index
          %get3A_730 = arith.index_cast %add3A_647 : i32 to index
          %get3A_731 = tpu.vector_load %arg6[%get3A_729, %get3A_730] {strides = array<i32>} : memref<8x3200xf32, #tpu.memory_space<vmem>>, vector<1x16xf32>,
          %get3A_732 = vector.shape_cast %get3A_731 : vector<1x16xf32> to vector<16xf32>
          %add3A_733 = arith.addf %add3A_638, %get3A_732 : vector<16xf32>
          %eq3A_734 = arith.cmpi eq, %add3A_650, %gather3A_58 : vector<16xi32>
          %jit3A_735 = arith.constant 0.000000e+00 : f32
          %broadcast_in_dim3A_736 = vector.broadcast %jit3A_735 : f32 to vector<16xf32>
          %select_n3A_737 = arith.select %eq3A_734, %get3A_732, %broadcast_in_dim3A_736 : vector<16xi1>, vector<16xf32>
          %add3A_738 = arith.addf %add3A_643, %select_n3A_737 : vector<16xf32>
          %mul3A_739 = arith.constant 128 : i32
          %mul3A_740 = arith.muli %scan3A_248, %mul3A_739 : i32
          %add3A_741 = arith.constant 80 : i32
          %add3A_742 = arith.addi %mul3A_740, %add3A_741 : i32
          %add3A_743 = arith.addi %mul3A_224, %add3A_742 : i32
          %add3A_744 = vector.broadcast %add3A_743 : i32 to vector<16xi32>
          %add3A_745 = arith.addi %add3A_744, %iota3A_225 : vector<16xi32>
          %get3A_746 = arith.constant 0 : i32
          %get3A_747 = arith.index_cast %get3A_746 : i32 to index
          %get3A_748 = arith.index_cast %add3A_742 : i32 to index
          %get3A_749 = tpu.vector_load %arg6[%get3A_747, %get3A_748] {strides = array<i32>} : memref<8x3200xf32, #tpu.memory_space<vmem>>, vector<1x16xf32>,
          %get3A_750 = vector.shape_cast %get3A_749 : vector<1x16xf32> to vector<16xf32>
          %add3A_751 = arith.addf %add3A_656, %get3A_750 : vector<16xf32>
          %eq3A_752 = arith.cmpi eq, %add3A_745, %gather3A_30 : vector<16xi32>
          %jit3A_753 = arith.constant 0.000000e+00 : f32
          %broadcast_in_dim3A_754 = vector.broadcast %jit3A_753 : f32 to vector<16xf32>
          %select_n3A_755 = arith.select %eq3A_752, %get3A_750, %broadcast_in_dim3A_754 : vector<16xi1>, vector<16xf32>
          %add3A_756 = arith.addf %add3A_661, %select_n3A_755 : vector<16xf32>
          %get3A_757 = arith.constant 1 : i32
          %get3A_758 = arith.index_cast %get3A_757 : i32 to index
          %get3A_759 = arith.index_cast %add3A_742 : i32 to index
          %get3A_760 = tpu.vector_load %arg6[%get3A_758, %get3A_759] {strides = array<i32>} : memref<8x3200xf32, #tpu.memory_space<vmem>>, vector<1x16xf32>,
          %get3A_761 = vector.shape_cast %get3A_760 : vector<1x16xf32> to vector<16xf32>
          %add3A_762 = arith.addf %add3A_667, %get3A_761 : vector<16xf32>
          %eq3A_763 = arith.cmpi eq, %add3A_745, %gather3A_34 : vector<16xi32>
          %jit3A_764 = arith.constant 0.000000e+00 : f32
          %broadcast_in_dim3A_765 = vector.broadcast %jit3A_764 : f32 to vector<16xf32>
          %select_n3A_766 = arith.select %eq3A_763, %get3A_761, %broadcast_in_dim3A_765 : vector<16xi1>, vector<16xf32>
          %add3A_767 = arith.addf %add3A_672, %select_n3A_766 : vector<16xf32>
          %get3A_768 = arith.constant 2 : i32
          %get3A_769 = arith.index_cast %get3A_768 : i32 to index
          %get3A_770 = arith.index_cast %add3A_742 : i32 to index
          %get3A_771 = tpu.vector_load %arg6[%get3A_769, %get3A_770] {strides = array<i32>} : memref<8x3200xf32, #tpu.memory_space<vmem>>, vector<1x16xf32>,
          %get3A_772 = vector.shape_cast %get3A_771 : vector<1x16xf32> to vector<16xf32>
          %add3A_773 = arith.addf %add3A_678, %get3A_772 : vector<16xf32>
          %eq3A_774 = arith.cmpi eq, %add3A_745, %gather3A_38 : vector<16xi32>
          %jit3A_775 = arith.constant 0.000000e+00 : f32
          %broadcast_in_dim3A_776 = vector.broadcast %jit3A_775 : f32 to vector<16xf32>
          %select_n3A_777 = arith.select %eq3A_774, %get3A_772, %broadcast_in_dim3A_776 : vector<16xi1>, vector<16xf32>
          %add3A_778 = arith.addf %add3A_683, %select_n3A_777 : vector<16xf32>
          %get3A_779 = arith.constant 3 : i32
          %get3A_780 = arith.index_cast %get3A_779 : i32 to index
          %get3A_781 = arith.index_cast %add3A_742 : i32 to index
          %get3A_782 = tpu.vector_load %arg6[%get3A_780, %get3A_781] {strides = array<i32>} : memref<8x3200xf32, #tpu.memory_space<vmem>>, vector<1x16xf32>,
          %get3A_783 = vector.shape_cast %get3A_782 : vector<1x16xf32> to vector<16xf32>
          %add3A_784 = arith.addf %add3A_689, %get3A_783 : vector<16xf32>
          %eq3A_785 = arith.cmpi eq, %add3A_745, %gather3A_42 : vector<16xi32>
          %jit3A_786 = arith.constant 0.000000e+00 : f32
          %broadcast_in_dim3A_787 = vector.broadcast %jit3A_786 : f32 to vector<16xf32>
          %select_n3A_788 = arith.select %eq3A_785, %get3A_783, %broadcast_in_dim3A_787 : vector<16xi1>, vector<16xf32>
          %add3A_789 = arith.addf %add3A_694, %select_n3A_788 : vector<16xf32>
          %get3A_790 = arith.constant 4 : i32
          %get3A_791 = arith.index_cast %get3A_790 : i32 to index
          %get3A_792 = arith.index_cast %add3A_742 : i32 to index
          %get3A_793 = tpu.vector_load %arg6[%get3A_791, %get3A_792] {strides = array<i32>} : memref<8x3200xf32, #tpu.memory_space<vmem>>, vector<1x16xf32>,
          %get3A_794 = vector.shape_cast %get3A_793 : vector<1x16xf32> to vector<16xf32>
          %add3A_795 = arith.addf %add3A_700, %get3A_794 : vector<16xf32>
          %eq3A_796 = arith.cmpi eq, %add3A_745, %gather3A_46 : vector<16xi32>
          %jit3A_797 = arith.constant 0.000000e+00 : f32
          %broadcast_in_dim3A_798 = vector.broadcast %jit3A_797 : f32 to vector<16xf32>
          %select_n3A_799 = arith.select %eq3A_796, %get3A_794, %broadcast_in_dim3A_798 : vector<16xi1>, vector<16xf32>
          %add3A_800 = arith.addf %add3A_705, %select_n3A_799 : vector<16xf32>
          %get3A_801 = arith.constant 5 : i32
          %get3A_802 = arith.index_cast %get3A_801 : i32 to index
          %get3A_803 = arith.index_cast %add3A_742 : i32 to index
          %get3A_804 = tpu.vector_load %arg6[%get3A_802, %get3A_803] {strides = array<i32>} : memref<8x3200xf32, #tpu.memory_space<vmem>>, vector<1x16xf32>,
          %get3A_805 = vector.shape_cast %get3A_804 : vector<1x16xf32> to vector<16xf32>
          %add3A_806 = arith.addf %add3A_711, %get3A_805 : vector<16xf32>
          %eq3A_807 = arith.cmpi eq, %add3A_745, %gather3A_50 : vector<16xi32>
          %jit3A_808 = arith.constant 0.000000e+00 : f32
          %broadcast_in_dim3A_809 = vector.broadcast %jit3A_808 : f32 to vector<16xf32>
          %select_n3A_810 = arith.select %eq3A_807, %get3A_805, %broadcast_in_dim3A_809 : vector<16xi1>, vector<16xf32>
          %add3A_811 = arith.addf %add3A_716, %select_n3A_810 : vector<16xf32>
          %get3A_812 = arith.constant 6 : i32
          %get3A_813 = arith.index_cast %get3A_812 : i32 to index
          %get3A_814 = arith.index_cast %add3A_742 : i32 to index
          %get3A_815 = tpu.vector_load %arg6[%get3A_813, %get3A_814] {strides = array<i32>} : memref<8x3200xf32, #tpu.memory_space<vmem>>, vector<1x16xf32>,
          %get3A_816 = vector.shape_cast %get3A_815 : vector<1x16xf32> to vector<16xf32>
          %add3A_817 = arith.addf %add3A_722, %get3A_816 : vector<16xf32>
          %eq3A_818 = arith.cmpi eq, %add3A_745, %gather3A_54 : vector<16xi32>
          %jit3A_819 = arith.constant 0.000000e+00 : f32
          %broadcast_in_dim3A_820 = vector.broadcast %jit3A_819 : f32 to vector<16xf32>
          %select_n3A_821 = arith.select %eq3A_818, %get3A_816, %broadcast_in_dim3A_820 : vector<16xi1>, vector<16xf32>
          %add3A_822 = arith.addf %add3A_727, %select_n3A_821 : vector<16xf32>
          %get3A_823 = arith.constant 7 : i32
          %get3A_824 = arith.index_cast %get3A_823 : i32 to index
          %get3A_825 = arith.index_cast %add3A_742 : i32 to index
          %get3A_826 = tpu.vector_load %arg6[%get3A_824, %get3A_825] {strides = array<i32>} : memref<8x3200xf32, #tpu.memory_space<vmem>>, vector<1x16xf32>,
          %get3A_827 = vector.shape_cast %get3A_826 : vector<1x16xf32> to vector<16xf32>
          %add3A_828 = arith.addf %add3A_733, %get3A_827 : vector<16xf32>
          %eq3A_829 = arith.cmpi eq, %add3A_745, %gather3A_58 : vector<16xi32>
          %jit3A_830 = arith.constant 0.000000e+00 : f32
          %broadcast_in_dim3A_831 = vector.broadcast %jit3A_830 : f32 to vector<16xf32>
          %select_n3A_832 = arith.select %eq3A_829, %get3A_827, %broadcast_in_dim3A_831 : vector<16xi1>, vector<16xf32>
          %add3A_833 = arith.addf %add3A_738, %select_n3A_832 : vector<16xf32>
          %mul3A_834 = arith.constant 128 : i32
          %mul3A_835 = arith.muli %scan3A_248, %mul3A_834 : i32
          %add3A_836 = arith.constant 96 : i32
          %add3A_837 = arith.addi %mul3A_835, %add3A_836 : i32
          %add3A_838 = arith.addi %mul3A_224, %add3A_837 : i32
          %add3A_839 = vector.broadcast %add3A_838 : i32 to vector<16xi32>
          %add3A_840 = arith.addi %add3A_839, %iota3A_225 : vector<16xi32>
          %get3A_841 = arith.constant 0 : i32
          %get3A_842 = arith.index_cast %get3A_841 : i32 to index
          %get3A_843 = arith.index_cast %add3A_837 : i32 to index
          %get3A_844 = tpu.vector_load %arg6[%get3A_842, %get3A_843] {strides = array<i32>} : memref<8x3200xf32, #tpu.memory_space<vmem>>, vector<1x16xf32>,
          %get3A_845 = vector.shape_cast %get3A_844 : vector<1x16xf32> to vector<16xf32>
          %add3A_846 = arith.addf %add3A_751, %get3A_845 : vector<16xf32>
          %eq3A_847 = arith.cmpi eq, %add3A_840, %gather3A_30 : vector<16xi32>
          %jit3A_848 = arith.constant 0.000000e+00 : f32
          %broadcast_in_dim3A_849 = vector.broadcast %jit3A_848 : f32 to vector<16xf32>
          %select_n3A_850 = arith.select %eq3A_847, %get3A_845, %broadcast_in_dim3A_849 : vector<16xi1>, vector<16xf32>
          %add3A_851 = arith.addf %add3A_756, %select_n3A_850 : vector<16xf32>
          %get3A_852 = arith.constant 1 : i32
          %get3A_853 = arith.index_cast %get3A_852 : i32 to index
          %get3A_854 = arith.index_cast %add3A_837 : i32 to index
          %get3A_855 = tpu.vector_load %arg6[%get3A_853, %get3A_854] {strides = array<i32>} : memref<8x3200xf32, #tpu.memory_space<vmem>>, vector<1x16xf32>,
          %get3A_856 = vector.shape_cast %get3A_855 : vector<1x16xf32> to vector<16xf32>
          %add3A_857 = arith.addf %add3A_762, %get3A_856 : vector<16xf32>
          %eq3A_858 = arith.cmpi eq, %add3A_840, %gather3A_34 : vector<16xi32>
          %jit3A_859 = arith.constant 0.000000e+00 : f32
          %broadcast_in_dim3A_860 = vector.broadcast %jit3A_859 : f32 to vector<16xf32>
          %select_n3A_861 = arith.select %eq3A_858, %get3A_856, %broadcast_in_dim3A_860 : vector<16xi1>, vector<16xf32>
          %add3A_862 = arith.addf %add3A_767, %select_n3A_861 : vector<16xf32>
          %get3A_863 = arith.constant 2 : i32
          %get3A_864 = arith.index_cast %get3A_863 : i32 to index
          %get3A_865 = arith.index_cast %add3A_837 : i32 to index
          %get3A_866 = tpu.vector_load %arg6[%get3A_864, %get3A_865] {strides = array<i32>} : memref<8x3200xf32, #tpu.memory_space<vmem>>, vector<1x16xf32>,
          %get3A_867 = vector.shape_cast %get3A_866 : vector<1x16xf32> to vector<16xf32>
          %add3A_868 = arith.addf %add3A_773, %get3A_867 : vector<16xf32>
          %eq3A_869 = arith.cmpi eq, %add3A_840, %gather3A_38 : vector<16xi32>
          %jit3A_870 = arith.constant 0.000000e+00 : f32
          %broadcast_in_dim3A_871 = vector.broadcast %jit3A_870 : f32 to vector<16xf32>
          %select_n3A_872 = arith.select %eq3A_869, %get3A_867, %broadcast_in_dim3A_871 : vector<16xi1>, vector<16xf32>
          %add3A_873 = arith.addf %add3A_778, %select_n3A_872 : vector<16xf32>
          %get3A_874 = arith.constant 3 : i32
          %get3A_875 = arith.index_cast %get3A_874 : i32 to index
          %get3A_876 = arith.index_cast %add3A_837 : i32 to index
          %get3A_877 = tpu.vector_load %arg6[%get3A_875, %get3A_876] {strides = array<i32>} : memref<8x3200xf32, #tpu.memory_space<vmem>>, vector<1x16xf32>,
          %get3A_878 = vector.shape_cast %get3A_877 : vector<1x16xf32> to vector<16xf32>
          %add3A_879 = arith.addf %add3A_784, %get3A_878 : vector<16xf32>
          %eq3A_880 = arith.cmpi eq, %add3A_840, %gather3A_42 : vector<16xi32>
          %jit3A_881 = arith.constant 0.000000e+00 : f32
          %broadcast_in_dim3A_882 = vector.broadcast %jit3A_881 : f32 to vector<16xf32>
          %select_n3A_883 = arith.select %eq3A_880, %get3A_878, %broadcast_in_dim3A_882 : vector<16xi1>, vector<16xf32>
          %add3A_884 = arith.addf %add3A_789, %select_n3A_883 : vector<16xf32>
          %get3A_885 = arith.constant 4 : i32
          %get3A_886 = arith.index_cast %get3A_885 : i32 to index
          %get3A_887 = arith.index_cast %add3A_837 : i32 to index
          %get3A_888 = tpu.vector_load %arg6[%get3A_886, %get3A_887] {strides = array<i32>} : memref<8x3200xf32, #tpu.memory_space<vmem>>, vector<1x16xf32>,
          %get3A_889 = vector.shape_cast %get3A_888 : vector<1x16xf32> to vector<16xf32>
          %add3A_890 = arith.addf %add3A_795, %get3A_889 : vector<16xf32>
          %eq3A_891 = arith.cmpi eq, %add3A_840, %gather3A_46 : vector<16xi32>
          %jit3A_892 = arith.constant 0.000000e+00 : f32
          %broadcast_in_dim3A_893 = vector.broadcast %jit3A_892 : f32 to vector<16xf32>
          %select_n3A_894 = arith.select %eq3A_891, %get3A_889, %broadcast_in_dim3A_893 : vector<16xi1>, vector<16xf32>
          %add3A_895 = arith.addf %add3A_800, %select_n3A_894 : vector<16xf32>
          %get3A_896 = arith.constant 5 : i32
          %get3A_897 = arith.index_cast %get3A_896 : i32 to index
          %get3A_898 = arith.index_cast %add3A_837 : i32 to index
          %get3A_899 = tpu.vector_load %arg6[%get3A_897, %get3A_898] {strides = array<i32>} : memref<8x3200xf32, #tpu.memory_space<vmem>>, vector<1x16xf32>,
          %get3A_900 = vector.shape_cast %get3A_899 : vector<1x16xf32> to vector<16xf32>
          %add3A_901 = arith.addf %add3A_806, %get3A_900 : vector<16xf32>
          %eq3A_902 = arith.cmpi eq, %add3A_840, %gather3A_50 : vector<16xi32>
          %jit3A_903 = arith.constant 0.000000e+00 : f32
          %broadcast_in_dim3A_904 = vector.broadcast %jit3A_903 : f32 to vector<16xf32>
          %select_n3A_905 = arith.select %eq3A_902, %get3A_900, %broadcast_in_dim3A_904 : vector<16xi1>, vector<16xf32>
          %add3A_906 = arith.addf %add3A_811, %select_n3A_905 : vector<16xf32>
          %get3A_907 = arith.constant 6 : i32
          %get3A_908 = arith.index_cast %get3A_907 : i32 to index
          %get3A_909 = arith.index_cast %add3A_837 : i32 to index
          %get3A_910 = tpu.vector_load %arg6[%get3A_908, %get3A_909] {strides = array<i32>} : memref<8x3200xf32, #tpu.memory_space<vmem>>, vector<1x16xf32>,
          %get3A_911 = vector.shape_cast %get3A_910 : vector<1x16xf32> to vector<16xf32>
          %add3A_912 = arith.addf %add3A_817, %get3A_911 : vector<16xf32>
          %eq3A_913 = arith.cmpi eq, %add3A_840, %gather3A_54 : vector<16xi32>
          %jit3A_914 = arith.constant 0.000000e+00 : f32
          %broadcast_in_dim3A_915 = vector.broadcast %jit3A_914 : f32 to vector<16xf32>
          %select_n3A_916 = arith.select %eq3A_913, %get3A_911, %broadcast_in_dim3A_915 : vector<16xi1>, vector<16xf32>
          %add3A_917 = arith.addf %add3A_822, %select_n3A_916 : vector<16xf32>
          %get3A_918 = arith.constant 7 : i32
          %get3A_919 = arith.index_cast %get3A_918 : i32 to index
          %get3A_920 = arith.index_cast %add3A_837 : i32 to index
          %get3A_921 = tpu.vector_load %arg6[%get3A_919, %get3A_920] {strides = array<i32>} : memref<8x3200xf32, #tpu.memory_space<vmem>>, vector<1x16xf32>,
          %get3A_922 = vector.shape_cast %get3A_921 : vector<1x16xf32> to vector<16xf32>
          %add3A_923 = arith.addf %add3A_828, %get3A_922 : vector<16xf32>
          %eq3A_924 = arith.cmpi eq, %add3A_840, %gather3A_58 : vector<16xi32>
          %jit3A_925 = arith.constant 0.000000e+00 : f32
          %broadcast_in_dim3A_926 = vector.broadcast %jit3A_925 : f32 to vector<16xf32>
          %select_n3A_927 = arith.select %eq3A_924, %get3A_922, %broadcast_in_dim3A_926 : vector<16xi1>, vector<16xf32>
          %add3A_928 = arith.addf %add3A_833, %select_n3A_927 : vector<16xf32>
          %mul3A_929 = arith.constant 128 : i32
          %mul3A_930 = arith.muli %scan3A_248, %mul3A_929 : i32
          %add3A_931 = arith.constant 112 : i32
          %add3A_932 = arith.addi %mul3A_930, %add3A_931 : i32
          %add3A_933 = arith.addi %mul3A_224, %add3A_932 : i32
          %add3A_934 = vector.broadcast %add3A_933 : i32 to vector<16xi32>
          %add3A_935 = arith.addi %add3A_934, %iota3A_225 : vector<16xi32>
          %get3A_936 = arith.constant 0 : i32
          %get3A_937 = arith.index_cast %get3A_936 : i32 to index
          %get3A_938 = arith.index_cast %add3A_932 : i32 to index
          %get3A_939 = tpu.vector_load %arg6[%get3A_937, %get3A_938] {strides = array<i32>} : memref<8x3200xf32, #tpu.memory_space<vmem>>, vector<1x16xf32>,
          %get3A_940 = vector.shape_cast %get3A_939 : vector<1x16xf32> to vector<16xf32>
          %add3A_941 = arith.addf %add3A_846, %get3A_940 : vector<16xf32>
          %eq3A_942 = arith.cmpi eq, %add3A_935, %gather3A_30 : vector<16xi32>
          %jit3A_943 = arith.constant 0.000000e+00 : f32
          %broadcast_in_dim3A_944 = vector.broadcast %jit3A_943 : f32 to vector<16xf32>
          %select_n3A_945 = arith.select %eq3A_942, %get3A_940, %broadcast_in_dim3A_944 : vector<16xi1>, vector<16xf32>
          %add3A_946 = arith.addf %add3A_851, %select_n3A_945 : vector<16xf32>
          %get3A_947 = arith.constant 1 : i32
          %get3A_948 = arith.index_cast %get3A_947 : i32 to index
          %get3A_949 = arith.index_cast %add3A_932 : i32 to index
          %get3A_950 = tpu.vector_load %arg6[%get3A_948, %get3A_949] {strides = array<i32>} : memref<8x3200xf32, #tpu.memory_space<vmem>>, vector<1x16xf32>,
          %get3A_951 = vector.shape_cast %get3A_950 : vector<1x16xf32> to vector<16xf32>
          %add3A_952 = arith.addf %add3A_857, %get3A_951 : vector<16xf32>
          %eq3A_953 = arith.cmpi eq, %add3A_935, %gather3A_34 : vector<16xi32>
          %jit3A_954 = arith.constant 0.000000e+00 : f32
          %broadcast_in_dim3A_955 = vector.broadcast %jit3A_954 : f32 to vector<16xf32>
          %select_n3A_956 = arith.select %eq3A_953, %get3A_951, %broadcast_in_dim3A_955 : vector<16xi1>, vector<16xf32>
          %add3A_957 = arith.addf %add3A_862, %select_n3A_956 : vector<16xf32>
          %get3A_958 = arith.constant 2 : i32
          %get3A_959 = arith.index_cast %get3A_958 : i32 to index
          %get3A_960 = arith.index_cast %add3A_932 : i32 to index
          %get3A_961 = tpu.vector_load %arg6[%get3A_959, %get3A_960] {strides = array<i32>} : memref<8x3200xf32, #tpu.memory_space<vmem>>, vector<1x16xf32>,
          %get3A_962 = vector.shape_cast %get3A_961 : vector<1x16xf32> to vector<16xf32>
          %add3A_963 = arith.addf %add3A_868, %get3A_962 : vector<16xf32>
          %eq3A_964 = arith.cmpi eq, %add3A_935, %gather3A_38 : vector<16xi32>
          %jit3A_965 = arith.constant 0.000000e+00 : f32
          %broadcast_in_dim3A_966 = vector.broadcast %jit3A_965 : f32 to vector<16xf32>
          %select_n3A_967 = arith.select %eq3A_964, %get3A_962, %broadcast_in_dim3A_966 : vector<16xi1>, vector<16xf32>
          %add3A_968 = arith.addf %add3A_873, %select_n3A_967 : vector<16xf32>
          %get3A_969 = arith.constant 3 : i32
          %get3A_970 = arith.index_cast %get3A_969 : i32 to index
          %get3A_971 = arith.index_cast %add3A_932 : i32 to index
          %get3A_972 = tpu.vector_load %arg6[%get3A_970, %get3A_971] {strides = array<i32>} : memref<8x3200xf32, #tpu.memory_space<vmem>>, vector<1x16xf32>,
          %get3A_973 = vector.shape_cast %get3A_972 : vector<1x16xf32> to vector<16xf32>
          %add3A_974 = arith.addf %add3A_879, %get3A_973 : vector<16xf32>
          %eq3A_975 = arith.cmpi eq, %add3A_935, %gather3A_42 : vector<16xi32>
          %jit3A_976 = arith.constant 0.000000e+00 : f32
          %broadcast_in_dim3A_977 = vector.broadcast %jit3A_976 : f32 to vector<16xf32>
          %select_n3A_978 = arith.select %eq3A_975, %get3A_973, %broadcast_in_dim3A_977 : vector<16xi1>, vector<16xf32>
          %add3A_979 = arith.addf %add3A_884, %select_n3A_978 : vector<16xf32>
          %get3A_980 = arith.constant 4 : i32
          %get3A_981 = arith.index_cast %get3A_980 : i32 to index
          %get3A_982 = arith.index_cast %add3A_932 : i32 to index
          %get3A_983 = tpu.vector_load %arg6[%get3A_981, %get3A_982] {strides = array<i32>} : memref<8x3200xf32, #tpu.memory_space<vmem>>, vector<1x16xf32>,
          %get3A_984 = vector.shape_cast %get3A_983 : vector<1x16xf32> to vector<16xf32>
          %add3A_985 = arith.addf %add3A_890, %get3A_984 : vector<16xf32>
          %eq3A_986 = arith.cmpi eq, %add3A_935, %gather3A_46 : vector<16xi32>
          %jit3A_987 = arith.constant 0.000000e+00 : f32
          %broadcast_in_dim3A_988 = vector.broadcast %jit3A_987 : f32 to vector<16xf32>
          %select_n3A_989 = arith.select %eq3A_986, %get3A_984, %broadcast_in_dim3A_988 : vector<16xi1>, vector<16xf32>
          %add3A_990 = arith.addf %add3A_895, %select_n3A_989 : vector<16xf32>
          %get3A_991 = arith.constant 5 : i32
          %get3A_992 = arith.index_cast %get3A_991 : i32 to index
          %get3A_993 = arith.index_cast %add3A_932 : i32 to index
          %get3A_994 = tpu.vector_load %arg6[%get3A_992, %get3A_993] {strides = array<i32>} : memref<8x3200xf32, #tpu.memory_space<vmem>>, vector<1x16xf32>,
          %get3A_995 = vector.shape_cast %get3A_994 : vector<1x16xf32> to vector<16xf32>
          %add3A_996 = arith.addf %add3A_901, %get3A_995 : vector<16xf32>
          %eq3A_997 = arith.cmpi eq, %add3A_935, %gather3A_50 : vector<16xi32>
          %jit3A_998 = arith.constant 0.000000e+00 : f32
          %broadcast_in_dim3A_999 = vector.broadcast %jit3A_998 : f32 to vector<16xf32>
          %select_n3A_1000 = arith.select %eq3A_997, %get3A_995, %broadcast_in_dim3A_999 : vector<16xi1>, vector<16xf32>
          %add3A_1001 = arith.addf %add3A_906, %select_n3A_1000 : vector<16xf32>
          %get3A_1002 = arith.constant 6 : i32
          %get3A_1003 = arith.index_cast %get3A_1002 : i32 to index
          %get3A_1004 = arith.index_cast %add3A_932 : i32 to index
          %get3A_1005 = tpu.vector_load %arg6[%get3A_1003, %get3A_1004] {strides = array<i32>} : memref<8x3200xf32, #tpu.memory_space<vmem>>, vector<1x16xf32>,
          %get3A_1006 = vector.shape_cast %get3A_1005 : vector<1x16xf32> to vector<16xf32>
          %add3A_1007 = arith.addf %add3A_912, %get3A_1006 : vector<16xf32>
          %eq3A_1008 = arith.cmpi eq, %add3A_935, %gather3A_54 : vector<16xi32>
          %jit3A_1009 = arith.constant 0.000000e+00 : f32
          %broadcast_in_dim3A_1010 = vector.broadcast %jit3A_1009 : f32 to vector<16xf32>
          %select_n3A_1011 = arith.select %eq3A_1008, %get3A_1006, %broadcast_in_dim3A_1010 : vector<16xi1>, vector<16xf32>
          %add3A_1012 = arith.addf %add3A_917, %select_n3A_1011 : vector<16xf32>
          %get3A_1013 = arith.constant 7 : i32
          %get3A_1014 = arith.index_cast %get3A_1013 : i32 to index
          %get3A_1015 = arith.index_cast %add3A_932 : i32 to index
          %get3A_1016 = tpu.vector_load %arg6[%get3A_1014, %get3A_1015] {strides = array<i32>} : memref<8x3200xf32, #tpu.memory_space<vmem>>, vector<1x16xf32>,
          %get3A_1017 = vector.shape_cast %get3A_1016 : vector<1x16xf32> to vector<16xf32>
          %add3A_1018 = arith.addf %add3A_923, %get3A_1017 : vector<16xf32>
          %eq3A_1019 = arith.cmpi eq, %add3A_935, %gather3A_58 : vector<16xi32>
          %jit3A_1020 = arith.constant 0.000000e+00 : f32
          %broadcast_in_dim3A_1021 = vector.broadcast %jit3A_1020 : f32 to vector<16xf32>
          %select_n3A_1022 = arith.select %eq3A_1019, %get3A_1017, %broadcast_in_dim3A_1021 : vector<16xi1>, vector<16xf32>
          %add3A_1023 = arith.addf %add3A_928, %select_n3A_1022 : vector<16xf32>
          scf.yield %add3A_941, %add3A_952, %add3A_963, %add3A_974, %add3A_985, %add3A_996, %add3A_1007, %add3A_1018, %add3A_946, %add3A_957, %add3A_968, %add3A_979, %add3A_990, %add3A_1001, %add3A_1012, %add3A_1023 : vector<16xf32>, vector<16xf32>, vector<16xf32>, vector<16xf32>, vector<16xf32>, vector<16xf32>, vector<16xf32>, vector<16xf32>, vector<16xf32>, vector<16xf32>, vector<16xf32>, vector<16xf32>, vector<16xf32>, vector<16xf32>, vector<16xf32>, vector<16xf32>
        }
        %scan3A_231 = arith.constant 25 : i32
        %lt3A_232 = arith.constant 4 : i32
        %lt3A_233 = arith.cmpi slt, %scan3A_193, %lt3A_232 : i32
        %convert_element_type3A = arith.extui %lt3A_233 : i1 to i32
        %cond3A = arith.constant 0 : i32
        %cond3A_234 = arith.cmpi ne, %convert_element_type3A, %cond3A : i32
        scf.if %cond3A_234 {
          %add3A_248 = arith.constant 2 : i32
          %add3A_249 = arith.addi %mul3A_211, %add3A_248 : i32
          %mul3A_250 = arith.constant 3200 : i32
          %mul3A_251 = arith.muli %add3A_249, %mul3A_250 : i32
          %dma_start3A_252 = tpu.memref_slice %arg2[%add3A_18, %mul3A_251] : memref<8192x32000xf32, #tpu.memory_space<hbm>> -> memref<8x3200xf32, #tpu.memory_space<hbm>>
          %dma_start3A_253 = tpu.memref_slice %arg2[%add3A_18, %mul3A_251] : memref<8192x32000xf32, #tpu.memory_space<hbm>> -> memref<8x3200xf32, #tpu.memory_space<hbm>>
          tpu.enqueue_dma source(%dma_start3A_253 : memref<8x3200xf32, #tpu.memory_space<hbm>>) target(%arg6 : memref<8x3200xf32, #tpu.memory_space<vmem>>) target_semaphore(%arg11 : memref<!tpu.dma_semaphore, #tpu.memory_space<semaphore_mem>>)
        } else {
        }
        %mul3A_235 = arith.constant 3200 : i32
        %mul3A_236 = arith.muli %add3A_215, %mul3A_235 : i32
        %dma_wait3A_237 = tpu.memref_slice %arg2[%add3A_18, %mul3A_236] : memref<8192x32000xf32, #tpu.memory_space<hbm>> -> memref<8x3200xf32, #tpu.memory_space<hbm>>
        %dma_wait3A_238 = tpu.memref_slice %arg2[%add3A_18, %mul3A_236] : memref<8192x32000xf32, #tpu.memory_space<hbm>> -> memref<8x3200xf32, #tpu.memory_space<hbm>>
        tpu.wait_dma2 semaphore(%arg12 : memref<!tpu.dma_semaphore, #tpu.memory_space<semaphore_mem>>) src(%dma_wait3A_238 : memref<8x3200xf32, #tpu.memory_space<hbm>>) dst(%arg7 : memref<8x3200xf32, #tpu.memory_space<vmem>>)
        %mul3A_239 = arith.constant 3200 : i32
        %mul3A_240 = arith.muli %add3A_215, %mul3A_239 : i32
        %iota3A_241 = tpu.iota {dimensions = array<i32: 0>} : vector<16xi32>
        %scan3A_242 = arith.constant 0 : i32
        %scan3A_243 = arith.constant 25 : i32
        %scan3A_244 = arith.addi %scan3A_242, %scan3A_243 : i32
        %scan3A_245 = arith.constant 1 : i32
        %scan3A_246:16 = scf.for %scan3A_248 = %scan3A_242 to %scan3A_244 step %scan3A_245 iter_args(%scan3A_249 = %scan3A_230#0, %scan3A_250 = %scan3A_230#1, %scan3A_251 = %scan3A_230#2, %scan3A_252 = %scan3A_230#3, %scan3A_253 = %scan3A_230#4, %scan3A_254 = %scan3A_230#5, %scan3A_255 = %scan3A_230#6, %scan3A_256 = %scan3A_230#7, %scan3A_257 = %scan3A_230#8, %scan3A_258 = %scan3A_230#9, %scan3A_259 = %scan3A_230#10, %scan3A_260 = %scan3A_230#11, %scan3A_261 = %scan3A_230#12, %scan3A_262 = %scan3A_230#13, %scan3A_263 = %scan3A_230#14, %scan3A_264 = %scan3A_230#15) -> (vector<16xf32>, vector<16xf32>, vector<16xf32>, vector<16xf32>, vector<16xf32>, vector<16xf32>, vector<16xf32>, vector<16xf32>, vector<16xf32>, vector<16xf32>, vector<16xf32>, vector<16xf32>, vector<16xf32>, vector<16xf32>, vector<16xf32>, vector<16xf32>)  : i32 {
          %mul3A_265 = arith.constant 128 : i32
          %mul3A_266 = arith.muli %scan3A_248, %mul3A_265 : i32
          %add3A_267 = arith.constant 0 : i32
          %add3A_268 = arith.addi %mul3A_266, %add3A_267 : i32
          %add3A_269 = arith.addi %mul3A_240, %add3A_268 : i32
          %add3A_270 = vector.broadcast %add3A_269 : i32 to vector<16xi32>
          %add3A_271 = arith.addi %add3A_270, %iota3A_241 : vector<16xi32>
          %get3A_272 = arith.constant 0 : i32
          %get3A_273 = arith.index_cast %get3A_272 : i32 to index
          %get3A_274 = arith.index_cast %add3A_268 : i32 to index
          %get3A_275 = tpu.vector_load %arg7[%get3A_273, %get3A_274] {strides = array<i32>} : memref<8x3200xf32, #tpu.memory_space<vmem>>, vector<1x16xf32>,
          %get3A_276 = vector.shape_cast %get3A_275 : vector<1x16xf32> to vector<16xf32>
          %add3A_277 = arith.addf %scan3A_249, %get3A_276 : vector<16xf32>
          %eq3A = arith.cmpi eq, %add3A_271, %gather3A_30 : vector<16xi32>
          %jit3A_278 = arith.constant 0.000000e+00 : f32
          %broadcast_in_dim3A_279 = vector.broadcast %jit3A_278 : f32 to vector<16xf32>
          %select_n3A_280 = arith.select %eq3A, %get3A_276, %broadcast_in_dim3A_279 : vector<16xi1>, vector<16xf32>
          %add3A_281 = arith.addf %scan3A_257, %select_n3A_280 : vector<16xf32>
          %get3A_282 = arith.constant 1 : i32
          %get3A_283 = arith.index_cast %get3A_282 : i32 to index
          %get3A_284 = arith.index_cast %add3A_268 : i32 to index
          %get3A_285 = tpu.vector_load %arg7[%get3A_283, %get3A_284] {strides = array<i32>} : memref<8x3200xf32, #tpu.memory_space<vmem>>, vector<1x16xf32>,
          %get3A_286 = vector.shape_cast %get3A_285 : vector<1x16xf32> to vector<16xf32>
          %add3A_287 = arith.addf %scan3A_250, %get3A_286 : vector<16xf32>
          %eq3A_288 = arith.cmpi eq, %add3A_271, %gather3A_34 : vector<16xi32>
          %jit3A_289 = arith.constant 0.000000e+00 : f32
          %broadcast_in_dim3A_290 = vector.broadcast %jit3A_289 : f32 to vector<16xf32>
          %select_n3A_291 = arith.select %eq3A_288, %get3A_286, %broadcast_in_dim3A_290 : vector<16xi1>, vector<16xf32>
          %add3A_292 = arith.addf %scan3A_258, %select_n3A_291 : vector<16xf32>
          %get3A_293 = arith.constant 2 : i32
          %get3A_294 = arith.index_cast %get3A_293 : i32 to index
          %get3A_295 = arith.index_cast %add3A_268 : i32 to index
          %get3A_296 = tpu.vector_load %arg7[%get3A_294, %get3A_295] {strides = array<i32>} : memref<8x3200xf32, #tpu.memory_space<vmem>>, vector<1x16xf32>,
          %get3A_297 = vector.shape_cast %get3A_296 : vector<1x16xf32> to vector<16xf32>
          %add3A_298 = arith.addf %scan3A_251, %get3A_297 : vector<16xf32>
          %eq3A_299 = arith.cmpi eq, %add3A_271, %gather3A_38 : vector<16xi32>
          %jit3A_300 = arith.constant 0.000000e+00 : f32
          %broadcast_in_dim3A_301 = vector.broadcast %jit3A_300 : f32 to vector<16xf32>
          %select_n3A_302 = arith.select %eq3A_299, %get3A_297, %broadcast_in_dim3A_301 : vector<16xi1>, vector<16xf32>
          %add3A_303 = arith.addf %scan3A_259, %select_n3A_302 : vector<16xf32>
          %get3A_304 = arith.constant 3 : i32
          %get3A_305 = arith.index_cast %get3A_304 : i32 to index
          %get3A_306 = arith.index_cast %add3A_268 : i32 to index
          %get3A_307 = tpu.vector_load %arg7[%get3A_305, %get3A_306] {strides = array<i32>} : memref<8x3200xf32, #tpu.memory_space<vmem>>, vector<1x16xf32>,
          %get3A_308 = vector.shape_cast %get3A_307 : vector<1x16xf32> to vector<16xf32>
          %add3A_309 = arith.addf %scan3A_252, %get3A_308 : vector<16xf32>
          %eq3A_310 = arith.cmpi eq, %add3A_271, %gather3A_42 : vector<16xi32>
          %jit3A_311 = arith.constant 0.000000e+00 : f32
          %broadcast_in_dim3A_312 = vector.broadcast %jit3A_311 : f32 to vector<16xf32>
          %select_n3A_313 = arith.select %eq3A_310, %get3A_308, %broadcast_in_dim3A_312 : vector<16xi1>, vector<16xf32>
          %add3A_314 = arith.addf %scan3A_260, %select_n3A_313 : vector<16xf32>
          %get3A_315 = arith.constant 4 : i32
          %get3A_316 = arith.index_cast %get3A_315 : i32 to index
          %get3A_317 = arith.index_cast %add3A_268 : i32 to index
          %get3A_318 = tpu.vector_load %arg7[%get3A_316, %get3A_317] {strides = array<i32>} : memref<8x3200xf32, #tpu.memory_space<vmem>>, vector<1x16xf32>,
          %get3A_319 = vector.shape_cast %get3A_318 : vector<1x16xf32> to vector<16xf32>
          %add3A_320 = arith.addf %scan3A_253, %get3A_319 : vector<16xf32>
          %eq3A_321 = arith.cmpi eq, %add3A_271, %gather3A_46 : vector<16xi32>
          %jit3A_322 = arith.constant 0.000000e+00 : f32
          %broadcast_in_dim3A_323 = vector.broadcast %jit3A_322 : f32 to vector<16xf32>
          %select_n3A_324 = arith.select %eq3A_321, %get3A_319, %broadcast_in_dim3A_323 : vector<16xi1>, vector<16xf32>
          %add3A_325 = arith.addf %scan3A_261, %select_n3A_324 : vector<16xf32>
          %get3A_326 = arith.constant 5 : i32
          %get3A_327 = arith.index_cast %get3A_326 : i32 to index
          %get3A_328 = arith.index_cast %add3A_268 : i32 to index
          %get3A_329 = tpu.vector_load %arg7[%get3A_327, %get3A_328] {strides = array<i32>} : memref<8x3200xf32, #tpu.memory_space<vmem>>, vector<1x16xf32>,
          %get3A_330 = vector.shape_cast %get3A_329 : vector<1x16xf32> to vector<16xf32>
          %add3A_331 = arith.addf %scan3A_254, %get3A_330 : vector<16xf32>
          %eq3A_332 = arith.cmpi eq, %add3A_271, %gather3A_50 : vector<16xi32>
          %jit3A_333 = arith.constant 0.000000e+00 : f32
          %broadcast_in_dim3A_334 = vector.broadcast %jit3A_333 : f32 to vector<16xf32>
          %select_n3A_335 = arith.select %eq3A_332, %get3A_330, %broadcast_in_dim3A_334 : vector<16xi1>, vector<16xf32>
          %add3A_336 = arith.addf %scan3A_262, %select_n3A_335 : vector<16xf32>
          %get3A_337 = arith.constant 6 : i32
          %get3A_338 = arith.index_cast %get3A_337 : i32 to index
          %get3A_339 = arith.index_cast %add3A_268 : i32 to index
          %get3A_340 = tpu.vector_load %arg7[%get3A_338, %get3A_339] {strides = array<i32>} : memref<8x3200xf32, #tpu.memory_space<vmem>>, vector<1x16xf32>,
          %get3A_341 = vector.shape_cast %get3A_340 : vector<1x16xf32> to vector<16xf32>
          %add3A_342 = arith.addf %scan3A_255, %get3A_341 : vector<16xf32>
          %eq3A_343 = arith.cmpi eq, %add3A_271, %gather3A_54 : vector<16xi32>
          %jit3A_344 = arith.constant 0.000000e+00 : f32
          %broadcast_in_dim3A_345 = vector.broadcast %jit3A_344 : f32 to vector<16xf32>
          %select_n3A_346 = arith.select %eq3A_343, %get3A_341, %broadcast_in_dim3A_345 : vector<16xi1>, vector<16xf32>
          %add3A_347 = arith.addf %scan3A_263, %select_n3A_346 : vector<16xf32>
          %get3A_348 = arith.constant 7 : i32
          %get3A_349 = arith.index_cast %get3A_348 : i32 to index
          %get3A_350 = arith.index_cast %add3A_268 : i32 to index
          %get3A_351 = tpu.vector_load %arg7[%get3A_349, %get3A_350] {strides = array<i32>} : memref<8x3200xf32, #tpu.memory_space<vmem>>, vector<1x16xf32>,
          %get3A_352 = vector.shape_cast %get3A_351 : vector<1x16xf32> to vector<16xf32>
          %add3A_353 = arith.addf %scan3A_256, %get3A_352 : vector<16xf32>
          %eq3A_354 = arith.cmpi eq, %add3A_271, %gather3A_58 : vector<16xi32>
          %jit3A_355 = arith.constant 0.000000e+00 : f32
          %broadcast_in_dim3A_356 = vector.broadcast %jit3A_355 : f32 to vector<16xf32>
          %select_n3A_357 = arith.select %eq3A_354, %get3A_352, %broadcast_in_dim3A_356 : vector<16xi1>, vector<16xf32>
          %add3A_358 = arith.addf %scan3A_264, %select_n3A_357 : vector<16xf32>
          %mul3A_359 = arith.constant 128 : i32
          %mul3A_360 = arith.muli %scan3A_248, %mul3A_359 : i32
          %add3A_361 = arith.constant 16 : i32
          %add3A_362 = arith.addi %mul3A_360, %add3A_361 : i32
          %add3A_363 = arith.addi %mul3A_240, %add3A_362 : i32
          %add3A_364 = vector.broadcast %add3A_363 : i32 to vector<16xi32>
          %add3A_365 = arith.addi %add3A_364, %iota3A_241 : vector<16xi32>
          %get3A_366 = arith.constant 0 : i32
          %get3A_367 = arith.index_cast %get3A_366 : i32 to index
          %get3A_368 = arith.index_cast %add3A_362 : i32 to index
          %get3A_369 = tpu.vector_load %arg7[%get3A_367, %get3A_368] {strides = array<i32>} : memref<8x3200xf32, #tpu.memory_space<vmem>>, vector<1x16xf32>,
          %get3A_370 = vector.shape_cast %get3A_369 : vector<1x16xf32> to vector<16xf32>
          %add3A_371 = arith.addf %add3A_277, %get3A_370 : vector<16xf32>
          %eq3A_372 = arith.cmpi eq, %add3A_365, %gather3A_30 : vector<16xi32>
          %jit3A_373 = arith.constant 0.000000e+00 : f32
          %broadcast_in_dim3A_374 = vector.broadcast %jit3A_373 : f32 to vector<16xf32>
          %select_n3A_375 = arith.select %eq3A_372, %get3A_370, %broadcast_in_dim3A_374 : vector<16xi1>, vector<16xf32>
          %add3A_376 = arith.addf %add3A_281, %select_n3A_375 : vector<16xf32>
          %get3A_377 = arith.constant 1 : i32
          %get3A_378 = arith.index_cast %get3A_377 : i32 to index
          %get3A_379 = arith.index_cast %add3A_362 : i32 to index
          %get3A_380 = tpu.vector_load %arg7[%get3A_378, %get3A_379] {strides = array<i32>} : memref<8x3200xf32, #tpu.memory_space<vmem>>, vector<1x16xf32>,
          %get3A_381 = vector.shape_cast %get3A_380 : vector<1x16xf32> to vector<16xf32>
          %add3A_382 = arith.addf %add3A_287, %get3A_381 : vector<16xf32>
          %eq3A_383 = arith.cmpi eq, %add3A_365, %gather3A_34 : vector<16xi32>
          %jit3A_384 = arith.constant 0.000000e+00 : f32
          %broadcast_in_dim3A_385 = vector.broadcast %jit3A_384 : f32 to vector<16xf32>
          %select_n3A_386 = arith.select %eq3A_383, %get3A_381, %broadcast_in_dim3A_385 : vector<16xi1>, vector<16xf32>
          %add3A_387 = arith.addf %add3A_292, %select_n3A_386 : vector<16xf32>
          %get3A_388 = arith.constant 2 : i32
          %get3A_389 = arith.index_cast %get3A_388 : i32 to index
          %get3A_390 = arith.index_cast %add3A_362 : i32 to index
          %get3A_391 = tpu.vector_load %arg7[%get3A_389, %get3A_390] {strides = array<i32>} : memref<8x3200xf32, #tpu.memory_space<vmem>>, vector<1x16xf32>,
          %get3A_392 = vector.shape_cast %get3A_391 : vector<1x16xf32> to vector<16xf32>
          %add3A_393 = arith.addf %add3A_298, %get3A_392 : vector<16xf32>
          %eq3A_394 = arith.cmpi eq, %add3A_365, %gather3A_38 : vector<16xi32>
          %jit3A_395 = arith.constant 0.000000e+00 : f32
          %broadcast_in_dim3A_396 = vector.broadcast %jit3A_395 : f32 to vector<16xf32>
          %select_n3A_397 = arith.select %eq3A_394, %get3A_392, %broadcast_in_dim3A_396 : vector<16xi1>, vector<16xf32>
          %add3A_398 = arith.addf %add3A_303, %select_n3A_397 : vector<16xf32>
          %get3A_399 = arith.constant 3 : i32
          %get3A_400 = arith.index_cast %get3A_399 : i32 to index
          %get3A_401 = arith.index_cast %add3A_362 : i32 to index
          %get3A_402 = tpu.vector_load %arg7[%get3A_400, %get3A_401] {strides = array<i32>} : memref<8x3200xf32, #tpu.memory_space<vmem>>, vector<1x16xf32>,
          %get3A_403 = vector.shape_cast %get3A_402 : vector<1x16xf32> to vector<16xf32>
          %add3A_404 = arith.addf %add3A_309, %get3A_403 : vector<16xf32>
          %eq3A_405 = arith.cmpi eq, %add3A_365, %gather3A_42 : vector<16xi32>
          %jit3A_406 = arith.constant 0.000000e+00 : f32
          %broadcast_in_dim3A_407 = vector.broadcast %jit3A_406 : f32 to vector<16xf32>
          %select_n3A_408 = arith.select %eq3A_405, %get3A_403, %broadcast_in_dim3A_407 : vector<16xi1>, vector<16xf32>
          %add3A_409 = arith.addf %add3A_314, %select_n3A_408 : vector<16xf32>
          %get3A_410 = arith.constant 4 : i32
          %get3A_411 = arith.index_cast %get3A_410 : i32 to index
          %get3A_412 = arith.index_cast %add3A_362 : i32 to index
          %get3A_413 = tpu.vector_load %arg7[%get3A_411, %get3A_412] {strides = array<i32>} : memref<8x3200xf32, #tpu.memory_space<vmem>>, vector<1x16xf32>,
          %get3A_414 = vector.shape_cast %get3A_413 : vector<1x16xf32> to vector<16xf32>
          %add3A_415 = arith.addf %add3A_320, %get3A_414 : vector<16xf32>
          %eq3A_416 = arith.cmpi eq, %add3A_365, %gather3A_46 : vector<16xi32>
          %jit3A_417 = arith.constant 0.000000e+00 : f32
          %broadcast_in_dim3A_418 = vector.broadcast %jit3A_417 : f32 to vector<16xf32>
          %select_n3A_419 = arith.select %eq3A_416, %get3A_414, %broadcast_in_dim3A_418 : vector<16xi1>, vector<16xf32>
          %add3A_420 = arith.addf %add3A_325, %select_n3A_419 : vector<16xf32>
          %get3A_421 = arith.constant 5 : i32
          %get3A_422 = arith.index_cast %get3A_421 : i32 to index
          %get3A_423 = arith.index_cast %add3A_362 : i32 to index
          %get3A_424 = tpu.vector_load %arg7[%get3A_422, %get3A_423] {strides = array<i32>} : memref<8x3200xf32, #tpu.memory_space<vmem>>, vector<1x16xf32>,
          %get3A_425 = vector.shape_cast %get3A_424 : vector<1x16xf32> to vector<16xf32>
          %add3A_426 = arith.addf %add3A_331, %get3A_425 : vector<16xf32>
          %eq3A_427 = arith.cmpi eq, %add3A_365, %gather3A_50 : vector<16xi32>
          %jit3A_428 = arith.constant 0.000000e+00 : f32
          %broadcast_in_dim3A_429 = vector.broadcast %jit3A_428 : f32 to vector<16xf32>
          %select_n3A_430 = arith.select %eq3A_427, %get3A_425, %broadcast_in_dim3A_429 : vector<16xi1>, vector<16xf32>
          %add3A_431 = arith.addf %add3A_336, %select_n3A_430 : vector<16xf32>
          %get3A_432 = arith.constant 6 : i32
          %get3A_433 = arith.index_cast %get3A_432 : i32 to index
          %get3A_434 = arith.index_cast %add3A_362 : i32 to index
          %get3A_435 = tpu.vector_load %arg7[%get3A_433, %get3A_434] {strides = array<i32>} : memref<8x3200xf32, #tpu.memory_space<vmem>>, vector<1x16xf32>,
          %get3A_436 = vector.shape_cast %get3A_435 : vector<1x16xf32> to vector<16xf32>
          %add3A_437 = arith.addf %add3A_342, %get3A_436 : vector<16xf32>
          %eq3A_438 = arith.cmpi eq, %add3A_365, %gather3A_54 : vector<16xi32>
          %jit3A_439 = arith.constant 0.000000e+00 : f32
          %broadcast_in_dim3A_440 = vector.broadcast %jit3A_439 : f32 to vector<16xf32>
          %select_n3A_441 = arith.select %eq3A_438, %get3A_436, %broadcast_in_dim3A_440 : vector<16xi1>, vector<16xf32>
          %add3A_442 = arith.addf %add3A_347, %select_n3A_441 : vector<16xf32>
          %get3A_443 = arith.constant 7 : i32
          %get3A_444 = arith.index_cast %get3A_443 : i32 to index
          %get3A_445 = arith.index_cast %add3A_362 : i32 to index
          %get3A_446 = tpu.vector_load %arg7[%get3A_444, %get3A_445] {strides = array<i32>} : memref<8x3200xf32, #tpu.memory_space<vmem>>, vector<1x16xf32>,
          %get3A_447 = vector.shape_cast %get3A_446 : vector<1x16xf32> to vector<16xf32>
          %add3A_448 = arith.addf %add3A_353, %get3A_447 : vector<16xf32>
          %eq3A_449 = arith.cmpi eq, %add3A_365, %gather3A_58 : vector<16xi32>
          %jit3A_450 = arith.constant 0.000000e+00 : f32
          %broadcast_in_dim3A_451 = vector.broadcast %jit3A_450 : f32 to vector<16xf32>
          %select_n3A_452 = arith.select %eq3A_449, %get3A_447, %broadcast_in_dim3A_451 : vector<16xi1>, vector<16xf32>
          %add3A_453 = arith.addf %add3A_358, %select_n3A_452 : vector<16xf32>
          %mul3A_454 = arith.constant 128 : i32
          %mul3A_455 = arith.muli %scan3A_248, %mul3A_454 : i32
          %add3A_456 = arith.constant 32 : i32
          %add3A_457 = arith.addi %mul3A_455, %add3A_456 : i32
          %add3A_458 = arith.addi %mul3A_240, %add3A_457 : i32
          %add3A_459 = vector.broadcast %add3A_458 : i32 to vector<16xi32>
          %add3A_460 = arith.addi %add3A_459, %iota3A_241 : vector<16xi32>
          %get3A_461 = arith.constant 0 : i32
          %get3A_462 = arith.index_cast %get3A_461 : i32 to index
          %get3A_463 = arith.index_cast %add3A_457 : i32 to index
          %get3A_464 = tpu.vector_load %arg7[%get3A_462, %get3A_463] {strides = array<i32>} : memref<8x3200xf32, #tpu.memory_space<vmem>>, vector<1x16xf32>,
          %get3A_465 = vector.shape_cast %get3A_464 : vector<1x16xf32> to vector<16xf32>
          %add3A_466 = arith.addf %add3A_371, %get3A_465 : vector<16xf32>
          %eq3A_467 = arith.cmpi eq, %add3A_460, %gather3A_30 : vector<16xi32>
          %jit3A_468 = arith.constant 0.000000e+00 : f32
          %broadcast_in_dim3A_469 = vector.broadcast %jit3A_468 : f32 to vector<16xf32>
          %select_n3A_470 = arith.select %eq3A_467, %get3A_465, %broadcast_in_dim3A_469 : vector<16xi1>, vector<16xf32>
          %add3A_471 = arith.addf %add3A_376, %select_n3A_470 : vector<16xf32>
          %get3A_472 = arith.constant 1 : i32
          %get3A_473 = arith.index_cast %get3A_472 : i32 to index
          %get3A_474 = arith.index_cast %add3A_457 : i32 to index
          %get3A_475 = tpu.vector_load %arg7[%get3A_473, %get3A_474] {strides = array<i32>} : memref<8x3200xf32, #tpu.memory_space<vmem>>, vector<1x16xf32>,
          %get3A_476 = vector.shape_cast %get3A_475 : vector<1x16xf32> to vector<16xf32>
          %add3A_477 = arith.addf %add3A_382, %get3A_476 : vector<16xf32>
          %eq3A_478 = arith.cmpi eq, %add3A_460, %gather3A_34 : vector<16xi32>
          %jit3A_479 = arith.constant 0.000000e+00 : f32
          %broadcast_in_dim3A_480 = vector.broadcast %jit3A_479 : f32 to vector<16xf32>
          %select_n3A_481 = arith.select %eq3A_478, %get3A_476, %broadcast_in_dim3A_480 : vector<16xi1>, vector<16xf32>
          %add3A_482 = arith.addf %add3A_387, %select_n3A_481 : vector<16xf32>
          %get3A_483 = arith.constant 2 : i32
          %get3A_484 = arith.index_cast %get3A_483 : i32 to index
          %get3A_485 = arith.index_cast %add3A_457 : i32 to index
          %get3A_486 = tpu.vector_load %arg7[%get3A_484, %get3A_485] {strides = array<i32>} : memref<8x3200xf32, #tpu.memory_space<vmem>>, vector<1x16xf32>,
          %get3A_487 = vector.shape_cast %get3A_486 : vector<1x16xf32> to vector<16xf32>
          %add3A_488 = arith.addf %add3A_393, %get3A_487 : vector<16xf32>
          %eq3A_489 = arith.cmpi eq, %add3A_460, %gather3A_38 : vector<16xi32>
          %jit3A_490 = arith.constant 0.000000e+00 : f32
          %broadcast_in_dim3A_491 = vector.broadcast %jit3A_490 : f32 to vector<16xf32>
          %select_n3A_492 = arith.select %eq3A_489, %get3A_487, %broadcast_in_dim3A_491 : vector<16xi1>, vector<16xf32>
          %add3A_493 = arith.addf %add3A_398, %select_n3A_492 : vector<16xf32>
          %get3A_494 = arith.constant 3 : i32
          %get3A_495 = arith.index_cast %get3A_494 : i32 to index
          %get3A_496 = arith.index_cast %add3A_457 : i32 to index
          %get3A_497 = tpu.vector_load %arg7[%get3A_495, %get3A_496] {strides = array<i32>} : memref<8x3200xf32, #tpu.memory_space<vmem>>, vector<1x16xf32>,
          %get3A_498 = vector.shape_cast %get3A_497 : vector<1x16xf32> to vector<16xf32>
          %add3A_499 = arith.addf %add3A_404, %get3A_498 : vector<16xf32>
          %eq3A_500 = arith.cmpi eq, %add3A_460, %gather3A_42 : vector<16xi32>
          %jit3A_501 = arith.constant 0.000000e+00 : f32
          %broadcast_in_dim3A_502 = vector.broadcast %jit3A_501 : f32 to vector<16xf32>
          %select_n3A_503 = arith.select %eq3A_500, %get3A_498, %broadcast_in_dim3A_502 : vector<16xi1>, vector<16xf32>
          %add3A_504 = arith.addf %add3A_409, %select_n3A_503 : vector<16xf32>
          %get3A_505 = arith.constant 4 : i32
          %get3A_506 = arith.index_cast %get3A_505 : i32 to index
          %get3A_507 = arith.index_cast %add3A_457 : i32 to index
          %get3A_508 = tpu.vector_load %arg7[%get3A_506, %get3A_507] {strides = array<i32>} : memref<8x3200xf32, #tpu.memory_space<vmem>>, vector<1x16xf32>,
          %get3A_509 = vector.shape_cast %get3A_508 : vector<1x16xf32> to vector<16xf32>
          %add3A_510 = arith.addf %add3A_415, %get3A_509 : vector<16xf32>
          %eq3A_511 = arith.cmpi eq, %add3A_460, %gather3A_46 : vector<16xi32>
          %jit3A_512 = arith.constant 0.000000e+00 : f32
          %broadcast_in_dim3A_513 = vector.broadcast %jit3A_512 : f32 to vector<16xf32>
          %select_n3A_514 = arith.select %eq3A_511, %get3A_509, %broadcast_in_dim3A_513 : vector<16xi1>, vector<16xf32>
          %add3A_515 = arith.addf %add3A_420, %select_n3A_514 : vector<16xf32>
          %get3A_516 = arith.constant 5 : i32
          %get3A_517 = arith.index_cast %get3A_516 : i32 to index
          %get3A_518 = arith.index_cast %add3A_457 : i32 to index
          %get3A_519 = tpu.vector_load %arg7[%get3A_517, %get3A_518] {strides = array<i32>} : memref<8x3200xf32, #tpu.memory_space<vmem>>, vector<1x16xf32>,
          %get3A_520 = vector.shape_cast %get3A_519 : vector<1x16xf32> to vector<16xf32>
          %add3A_521 = arith.addf %add3A_426, %get3A_520 : vector<16xf32>
          %eq3A_522 = arith.cmpi eq, %add3A_460, %gather3A_50 : vector<16xi32>
          %jit3A_523 = arith.constant 0.000000e+00 : f32
          %broadcast_in_dim3A_524 = vector.broadcast %jit3A_523 : f32 to vector<16xf32>
          %select_n3A_525 = arith.select %eq3A_522, %get3A_520, %broadcast_in_dim3A_524 : vector<16xi1>, vector<16xf32>
          %add3A_526 = arith.addf %add3A_431, %select_n3A_525 : vector<16xf32>
          %get3A_527 = arith.constant 6 : i32
          %get3A_528 = arith.index_cast %get3A_527 : i32 to index
          %get3A_529 = arith.index_cast %add3A_457 : i32 to index
          %get3A_530 = tpu.vector_load %arg7[%get3A_528, %get3A_529] {strides = array<i32>} : memref<8x3200xf32, #tpu.memory_space<vmem>>, vector<1x16xf32>,
          %get3A_531 = vector.shape_cast %get3A_530 : vector<1x16xf32> to vector<16xf32>
          %add3A_532 = arith.addf %add3A_437, %get3A_531 : vector<16xf32>
          %eq3A_533 = arith.cmpi eq, %add3A_460, %gather3A_54 : vector<16xi32>
          %jit3A_534 = arith.constant 0.000000e+00 : f32
          %broadcast_in_dim3A_535 = vector.broadcast %jit3A_534 : f32 to vector<16xf32>
          %select_n3A_536 = arith.select %eq3A_533, %get3A_531, %broadcast_in_dim3A_535 : vector<16xi1>, vector<16xf32>
          %add3A_537 = arith.addf %add3A_442, %select_n3A_536 : vector<16xf32>
          %get3A_538 = arith.constant 7 : i32
          %get3A_539 = arith.index_cast %get3A_538 : i32 to index
          %get3A_540 = arith.index_cast %add3A_457 : i32 to index
          %get3A_541 = tpu.vector_load %arg7[%get3A_539, %get3A_540] {strides = array<i32>} : memref<8x3200xf32, #tpu.memory_space<vmem>>, vector<1x16xf32>,
          %get3A_542 = vector.shape_cast %get3A_541 : vector<1x16xf32> to vector<16xf32>
          %add3A_543 = arith.addf %add3A_448, %get3A_542 : vector<16xf32>
          %eq3A_544 = arith.cmpi eq, %add3A_460, %gather3A_58 : vector<16xi32>
          %jit3A_545 = arith.constant 0.000000e+00 : f32
          %broadcast_in_dim3A_546 = vector.broadcast %jit3A_545 : f32 to vector<16xf32>
          %select_n3A_547 = arith.select %eq3A_544, %get3A_542, %broadcast_in_dim3A_546 : vector<16xi1>, vector<16xf32>
          %add3A_548 = arith.addf %add3A_453, %select_n3A_547 : vector<16xf32>
          %mul3A_549 = arith.constant 128 : i32
          %mul3A_550 = arith.muli %scan3A_248, %mul3A_549 : i32
          %add3A_551 = arith.constant 48 : i32
          %add3A_552 = arith.addi %mul3A_550, %add3A_551 : i32
          %add3A_553 = arith.addi %mul3A_240, %add3A_552 : i32
          %add3A_554 = vector.broadcast %add3A_553 : i32 to vector<16xi32>
          %add3A_555 = arith.addi %add3A_554, %iota3A_241 : vector<16xi32>
          %get3A_556 = arith.constant 0 : i32
          %get3A_557 = arith.index_cast %get3A_556 : i32 to index
          %get3A_558 = arith.index_cast %add3A_552 : i32 to index
          %get3A_559 = tpu.vector_load %arg7[%get3A_557, %get3A_558] {strides = array<i32>} : memref<8x3200xf32, #tpu.memory_space<vmem>>, vector<1x16xf32>,
          %get3A_560 = vector.shape_cast %get3A_559 : vector<1x16xf32> to vector<16xf32>
          %add3A_561 = arith.addf %add3A_466, %get3A_560 : vector<16xf32>
          %eq3A_562 = arith.cmpi eq, %add3A_555, %gather3A_30 : vector<16xi32>
          %jit3A_563 = arith.constant 0.000000e+00 : f32
          %broadcast_in_dim3A_564 = vector.broadcast %jit3A_563 : f32 to vector<16xf32>
          %select_n3A_565 = arith.select %eq3A_562, %get3A_560, %broadcast_in_dim3A_564 : vector<16xi1>, vector<16xf32>
          %add3A_566 = arith.addf %add3A_471, %select_n3A_565 : vector<16xf32>
          %get3A_567 = arith.constant 1 : i32
          %get3A_568 = arith.index_cast %get3A_567 : i32 to index
          %get3A_569 = arith.index_cast %add3A_552 : i32 to index
          %get3A_570 = tpu.vector_load %arg7[%get3A_568, %get3A_569] {strides = array<i32>} : memref<8x3200xf32, #tpu.memory_space<vmem>>, vector<1x16xf32>,
          %get3A_571 = vector.shape_cast %get3A_570 : vector<1x16xf32> to vector<16xf32>
          %add3A_572 = arith.addf %add3A_477, %get3A_571 : vector<16xf32>
          %eq3A_573 = arith.cmpi eq, %add3A_555, %gather3A_34 : vector<16xi32>
          %jit3A_574 = arith.constant 0.000000e+00 : f32
          %broadcast_in_dim3A_575 = vector.broadcast %jit3A_574 : f32 to vector<16xf32>
          %select_n3A_576 = arith.select %eq3A_573, %get3A_571, %broadcast_in_dim3A_575 : vector<16xi1>, vector<16xf32>
          %add3A_577 = arith.addf %add3A_482, %select_n3A_576 : vector<16xf32>
          %get3A_578 = arith.constant 2 : i32
          %get3A_579 = arith.index_cast %get3A_578 : i32 to index
          %get3A_580 = arith.index_cast %add3A_552 : i32 to index
          %get3A_581 = tpu.vector_load %arg7[%get3A_579, %get3A_580] {strides = array<i32>} : memref<8x3200xf32, #tpu.memory_space<vmem>>, vector<1x16xf32>,
          %get3A_582 = vector.shape_cast %get3A_581 : vector<1x16xf32> to vector<16xf32>
          %add3A_583 = arith.addf %add3A_488, %get3A_582 : vector<16xf32>
          %eq3A_584 = arith.cmpi eq, %add3A_555, %gather3A_38 : vector<16xi32>
          %jit3A_585 = arith.constant 0.000000e+00 : f32
          %broadcast_in_dim3A_586 = vector.broadcast %jit3A_585 : f32 to vector<16xf32>
          %select_n3A_587 = arith.select %eq3A_584, %get3A_582, %broadcast_in_dim3A_586 : vector<16xi1>, vector<16xf32>
          %add3A_588 = arith.addf %add3A_493, %select_n3A_587 : vector<16xf32>
          %get3A_589 = arith.constant 3 : i32
          %get3A_590 = arith.index_cast %get3A_589 : i32 to index
          %get3A_591 = arith.index_cast %add3A_552 : i32 to index
          %get3A_592 = tpu.vector_load %arg7[%get3A_590, %get3A_591] {strides = array<i32>} : memref<8x3200xf32, #tpu.memory_space<vmem>>, vector<1x16xf32>,
          %get3A_593 = vector.shape_cast %get3A_592 : vector<1x16xf32> to vector<16xf32>
          %add3A_594 = arith.addf %add3A_499, %get3A_593 : vector<16xf32>
          %eq3A_595 = arith.cmpi eq, %add3A_555, %gather3A_42 : vector<16xi32>
          %jit3A_596 = arith.constant 0.000000e+00 : f32
          %broadcast_in_dim3A_597 = vector.broadcast %jit3A_596 : f32 to vector<16xf32>
          %select_n3A_598 = arith.select %eq3A_595, %get3A_593, %broadcast_in_dim3A_597 : vector<16xi1>, vector<16xf32>
          %add3A_599 = arith.addf %add3A_504, %select_n3A_598 : vector<16xf32>
          %get3A_600 = arith.constant 4 : i32
          %get3A_601 = arith.index_cast %get3A_600 : i32 to index
          %get3A_602 = arith.index_cast %add3A_552 : i32 to index
          %get3A_603 = tpu.vector_load %arg7[%get3A_601, %get3A_602] {strides = array<i32>} : memref<8x3200xf32, #tpu.memory_space<vmem>>, vector<1x16xf32>,
          %get3A_604 = vector.shape_cast %get3A_603 : vector<1x16xf32> to vector<16xf32>
          %add3A_605 = arith.addf %add3A_510, %get3A_604 : vector<16xf32>
          %eq3A_606 = arith.cmpi eq, %add3A_555, %gather3A_46 : vector<16xi32>
          %jit3A_607 = arith.constant 0.000000e+00 : f32
          %broadcast_in_dim3A_608 = vector.broadcast %jit3A_607 : f32 to vector<16xf32>
          %select_n3A_609 = arith.select %eq3A_606, %get3A_604, %broadcast_in_dim3A_608 : vector<16xi1>, vector<16xf32>
          %add3A_610 = arith.addf %add3A_515, %select_n3A_609 : vector<16xf32>
          %get3A_611 = arith.constant 5 : i32
          %get3A_612 = arith.index_cast %get3A_611 : i32 to index
          %get3A_613 = arith.index_cast %add3A_552 : i32 to index
          %get3A_614 = tpu.vector_load %arg7[%get3A_612, %get3A_613] {strides = array<i32>} : memref<8x3200xf32, #tpu.memory_space<vmem>>, vector<1x16xf32>,
          %get3A_615 = vector.shape_cast %get3A_614 : vector<1x16xf32> to vector<16xf32>
          %add3A_616 = arith.addf %add3A_521, %get3A_615 : vector<16xf32>
          %eq3A_617 = arith.cmpi eq, %add3A_555, %gather3A_50 : vector<16xi32>
          %jit3A_618 = arith.constant 0.000000e+00 : f32
          %broadcast_in_dim3A_619 = vector.broadcast %jit3A_618 : f32 to vector<16xf32>
          %select_n3A_620 = arith.select %eq3A_617, %get3A_615, %broadcast_in_dim3A_619 : vector<16xi1>, vector<16xf32>
          %add3A_621 = arith.addf %add3A_526, %select_n3A_620 : vector<16xf32>
          %get3A_622 = arith.constant 6 : i32
          %get3A_623 = arith.index_cast %get3A_622 : i32 to index
          %get3A_624 = arith.index_cast %add3A_552 : i32 to index
          %get3A_625 = tpu.vector_load %arg7[%get3A_623, %get3A_624] {strides = array<i32>} : memref<8x3200xf32, #tpu.memory_space<vmem>>, vector<1x16xf32>,
          %get3A_626 = vector.shape_cast %get3A_625 : vector<1x16xf32> to vector<16xf32>
          %add3A_627 = arith.addf %add3A_532, %get3A_626 : vector<16xf32>
          %eq3A_628 = arith.cmpi eq, %add3A_555, %gather3A_54 : vector<16xi32>
          %jit3A_629 = arith.constant 0.000000e+00 : f32
          %broadcast_in_dim3A_630 = vector.broadcast %jit3A_629 : f32 to vector<16xf32>
          %select_n3A_631 = arith.select %eq3A_628, %get3A_626, %broadcast_in_dim3A_630 : vector<16xi1>, vector<16xf32>
          %add3A_632 = arith.addf %add3A_537, %select_n3A_631 : vector<16xf32>
          %get3A_633 = arith.constant 7 : i32
          %get3A_634 = arith.index_cast %get3A_633 : i32 to index
          %get3A_635 = arith.index_cast %add3A_552 : i32 to index
          %get3A_636 = tpu.vector_load %arg7[%get3A_634, %get3A_635] {strides = array<i32>} : memref<8x3200xf32, #tpu.memory_space<vmem>>, vector<1x16xf32>,
          %get3A_637 = vector.shape_cast %get3A_636 : vector<1x16xf32> to vector<16xf32>
          %add3A_638 = arith.addf %add3A_543, %get3A_637 : vector<16xf32>
          %eq3A_639 = arith.cmpi eq, %add3A_555, %gather3A_58 : vector<16xi32>
          %jit3A_640 = arith.constant 0.000000e+00 : f32
          %broadcast_in_dim3A_641 = vector.broadcast %jit3A_640 : f32 to vector<16xf32>
          %select_n3A_642 = arith.select %eq3A_639, %get3A_637, %broadcast_in_dim3A_641 : vector<16xi1>, vector<16xf32>
          %add3A_643 = arith.addf %add3A_548, %select_n3A_642 : vector<16xf32>
          %mul3A_644 = arith.constant 128 : i32
          %mul3A_645 = arith.muli %scan3A_248, %mul3A_644 : i32
          %add3A_646 = arith.constant 64 : i32
          %add3A_647 = arith.addi %mul3A_645, %add3A_646 : i32
          %add3A_648 = arith.addi %mul3A_240, %add3A_647 : i32
          %add3A_649 = vector.broadcast %add3A_648 : i32 to vector<16xi32>
          %add3A_650 = arith.addi %add3A_649, %iota3A_241 : vector<16xi32>
          %get3A_651 = arith.constant 0 : i32
          %get3A_652 = arith.index_cast %get3A_651 : i32 to index
          %get3A_653 = arith.index_cast %add3A_647 : i32 to index
          %get3A_654 = tpu.vector_load %arg7[%get3A_652, %get3A_653] {strides = array<i32>} : memref<8x3200xf32, #tpu.memory_space<vmem>>, vector<1x16xf32>,
          %get3A_655 = vector.shape_cast %get3A_654 : vector<1x16xf32> to vector<16xf32>
          %add3A_656 = arith.addf %add3A_561, %get3A_655 : vector<16xf32>
          %eq3A_657 = arith.cmpi eq, %add3A_650, %gather3A_30 : vector<16xi32>
          %jit3A_658 = arith.constant 0.000000e+00 : f32
          %broadcast_in_dim3A_659 = vector.broadcast %jit3A_658 : f32 to vector<16xf32>
          %select_n3A_660 = arith.select %eq3A_657, %get3A_655, %broadcast_in_dim3A_659 : vector<16xi1>, vector<16xf32>
          %add3A_661 = arith.addf %add3A_566, %select_n3A_660 : vector<16xf32>
          %get3A_662 = arith.constant 1 : i32
          %get3A_663 = arith.index_cast %get3A_662 : i32 to index
          %get3A_664 = arith.index_cast %add3A_647 : i32 to index
          %get3A_665 = tpu.vector_load %arg7[%get3A_663, %get3A_664] {strides = array<i32>} : memref<8x3200xf32, #tpu.memory_space<vmem>>, vector<1x16xf32>,
          %get3A_666 = vector.shape_cast %get3A_665 : vector<1x16xf32> to vector<16xf32>
          %add3A_667 = arith.addf %add3A_572, %get3A_666 : vector<16xf32>
          %eq3A_668 = arith.cmpi eq, %add3A_650, %gather3A_34 : vector<16xi32>
          %jit3A_669 = arith.constant 0.000000e+00 : f32
          %broadcast_in_dim3A_670 = vector.broadcast %jit3A_669 : f32 to vector<16xf32>
          %select_n3A_671 = arith.select %eq3A_668, %get3A_666, %broadcast_in_dim3A_670 : vector<16xi1>, vector<16xf32>
          %add3A_672 = arith.addf %add3A_577, %select_n3A_671 : vector<16xf32>
          %get3A_673 = arith.constant 2 : i32
          %get3A_674 = arith.index_cast %get3A_673 : i32 to index
          %get3A_675 = arith.index_cast %add3A_647 : i32 to index
          %get3A_676 = tpu.vector_load %arg7[%get3A_674, %get3A_675] {strides = array<i32>} : memref<8x3200xf32, #tpu.memory_space<vmem>>, vector<1x16xf32>,
          %get3A_677 = vector.shape_cast %get3A_676 : vector<1x16xf32> to vector<16xf32>
          %add3A_678 = arith.addf %add3A_583, %get3A_677 : vector<16xf32>
          %eq3A_679 = arith.cmpi eq, %add3A_650, %gather3A_38 : vector<16xi32>
          %jit3A_680 = arith.constant 0.000000e+00 : f32
          %broadcast_in_dim3A_681 = vector.broadcast %jit3A_680 : f32 to vector<16xf32>
          %select_n3A_682 = arith.select %eq3A_679, %get3A_677, %broadcast_in_dim3A_681 : vector<16xi1>, vector<16xf32>
          %add3A_683 = arith.addf %add3A_588, %select_n3A_682 : vector<16xf32>
          %get3A_684 = arith.constant 3 : i32
          %get3A_685 = arith.index_cast %get3A_684 : i32 to index
          %get3A_686 = arith.index_cast %add3A_647 : i32 to index
          %get3A_687 = tpu.vector_load %arg7[%get3A_685, %get3A_686] {strides = array<i32>} : memref<8x3200xf32, #tpu.memory_space<vmem>>, vector<1x16xf32>,
          %get3A_688 = vector.shape_cast %get3A_687 : vector<1x16xf32> to vector<16xf32>
          %add3A_689 = arith.addf %add3A_594, %get3A_688 : vector<16xf32>
          %eq3A_690 = arith.cmpi eq, %add3A_650, %gather3A_42 : vector<16xi32>
          %jit3A_691 = arith.constant 0.000000e+00 : f32
          %broadcast_in_dim3A_692 = vector.broadcast %jit3A_691 : f32 to vector<16xf32>
          %select_n3A_693 = arith.select %eq3A_690, %get3A_688, %broadcast_in_dim3A_692 : vector<16xi1>, vector<16xf32>
          %add3A_694 = arith.addf %add3A_599, %select_n3A_693 : vector<16xf32>
          %get3A_695 = arith.constant 4 : i32
          %get3A_696 = arith.index_cast %get3A_695 : i32 to index
          %get3A_697 = arith.index_cast %add3A_647 : i32 to index
          %get3A_698 = tpu.vector_load %arg7[%get3A_696, %get3A_697] {strides = array<i32>} : memref<8x3200xf32, #tpu.memory_space<vmem>>, vector<1x16xf32>,
          %get3A_699 = vector.shape_cast %get3A_698 : vector<1x16xf32> to vector<16xf32>
          %add3A_700 = arith.addf %add3A_605, %get3A_699 : vector<16xf32>
          %eq3A_701 = arith.cmpi eq, %add3A_650, %gather3A_46 : vector<16xi32>
          %jit3A_702 = arith.constant 0.000000e+00 : f32
          %broadcast_in_dim3A_703 = vector.broadcast %jit3A_702 : f32 to vector<16xf32>
          %select_n3A_704 = arith.select %eq3A_701, %get3A_699, %broadcast_in_dim3A_703 : vector<16xi1>, vector<16xf32>
          %add3A_705 = arith.addf %add3A_610, %select_n3A_704 : vector<16xf32>
          %get3A_706 = arith.constant 5 : i32
          %get3A_707 = arith.index_cast %get3A_706 : i32 to index
          %get3A_708 = arith.index_cast %add3A_647 : i32 to index
          %get3A_709 = tpu.vector_load %arg7[%get3A_707, %get3A_708] {strides = array<i32>} : memref<8x3200xf32, #tpu.memory_space<vmem>>, vector<1x16xf32>,
          %get3A_710 = vector.shape_cast %get3A_709 : vector<1x16xf32> to vector<16xf32>
          %add3A_711 = arith.addf %add3A_616, %get3A_710 : vector<16xf32>
          %eq3A_712 = arith.cmpi eq, %add3A_650, %gather3A_50 : vector<16xi32>
          %jit3A_713 = arith.constant 0.000000e+00 : f32
          %broadcast_in_dim3A_714 = vector.broadcast %jit3A_713 : f32 to vector<16xf32>
          %select_n3A_715 = arith.select %eq3A_712, %get3A_710, %broadcast_in_dim3A_714 : vector<16xi1>, vector<16xf32>
          %add3A_716 = arith.addf %add3A_621, %select_n3A_715 : vector<16xf32>
          %get3A_717 = arith.constant 6 : i32
          %get3A_718 = arith.index_cast %get3A_717 : i32 to index
          %get3A_719 = arith.index_cast %add3A_647 : i32 to index
          %get3A_720 = tpu.vector_load %arg7[%get3A_718, %get3A_719] {strides = array<i32>} : memref<8x3200xf32, #tpu.memory_space<vmem>>, vector<1x16xf32>,
          %get3A_721 = vector.shape_cast %get3A_720 : vector<1x16xf32> to vector<16xf32>
          %add3A_722 = arith.addf %add3A_627, %get3A_721 : vector<16xf32>
          %eq3A_723 = arith.cmpi eq, %add3A_650, %gather3A_54 : vector<16xi32>
          %jit3A_724 = arith.constant 0.000000e+00 : f32
          %broadcast_in_dim3A_725 = vector.broadcast %jit3A_724 : f32 to vector<16xf32>
          %select_n3A_726 = arith.select %eq3A_723, %get3A_721, %broadcast_in_dim3A_725 : vector<16xi1>, vector<16xf32>
          %add3A_727 = arith.addf %add3A_632, %select_n3A_726 : vector<16xf32>
          %get3A_728 = arith.constant 7 : i32
          %get3A_729 = arith.index_cast %get3A_728 : i32 to index
          %get3A_730 = arith.index_cast %add3A_647 : i32 to index
          %get3A_731 = tpu.vector_load %arg7[%get3A_729, %get3A_730] {strides = array<i32>} : memref<8x3200xf32, #tpu.memory_space<vmem>>, vector<1x16xf32>,
          %get3A_732 = vector.shape_cast %get3A_731 : vector<1x16xf32> to vector<16xf32>
          %add3A_733 = arith.addf %add3A_638, %get3A_732 : vector<16xf32>
          %eq3A_734 = arith.cmpi eq, %add3A_650, %gather3A_58 : vector<16xi32>
          %jit3A_735 = arith.constant 0.000000e+00 : f32
          %broadcast_in_dim3A_736 = vector.broadcast %jit3A_735 : f32 to vector<16xf32>
          %select_n3A_737 = arith.select %eq3A_734, %get3A_732, %broadcast_in_dim3A_736 : vector<16xi1>, vector<16xf32>
          %add3A_738 = arith.addf %add3A_643, %select_n3A_737 : vector<16xf32>
          %mul3A_739 = arith.constant 128 : i32
          %mul3A_740 = arith.muli %scan3A_248, %mul3A_739 : i32
          %add3A_741 = arith.constant 80 : i32
          %add3A_742 = arith.addi %mul3A_740, %add3A_741 : i32
          %add3A_743 = arith.addi %mul3A_240, %add3A_742 : i32
          %add3A_744 = vector.broadcast %add3A_743 : i32 to vector<16xi32>
          %add3A_745 = arith.addi %add3A_744, %iota3A_241 : vector<16xi32>
          %get3A_746 = arith.constant 0 : i32
          %get3A_747 = arith.index_cast %get3A_746 : i32 to index
          %get3A_748 = arith.index_cast %add3A_742 : i32 to index
          %get3A_749 = tpu.vector_load %arg7[%get3A_747, %get3A_748] {strides = array<i32>} : memref<8x3200xf32, #tpu.memory_space<vmem>>, vector<1x16xf32>,
          %get3A_750 = vector.shape_cast %get3A_749 : vector<1x16xf32> to vector<16xf32>
          %add3A_751 = arith.addf %add3A_656, %get3A_750 : vector<16xf32>
          %eq3A_752 = arith.cmpi eq, %add3A_745, %gather3A_30 : vector<16xi32>
          %jit3A_753 = arith.constant 0.000000e+00 : f32
          %broadcast_in_dim3A_754 = vector.broadcast %jit3A_753 : f32 to vector<16xf32>
          %select_n3A_755 = arith.select %eq3A_752, %get3A_750, %broadcast_in_dim3A_754 : vector<16xi1>, vector<16xf32>
          %add3A_756 = arith.addf %add3A_661, %select_n3A_755 : vector<16xf32>
          %get3A_757 = arith.constant 1 : i32
          %get3A_758 = arith.index_cast %get3A_757 : i32 to index
          %get3A_759 = arith.index_cast %add3A_742 : i32 to index
          %get3A_760 = tpu.vector_load %arg7[%get3A_758, %get3A_759] {strides = array<i32>} : memref<8x3200xf32, #tpu.memory_space<vmem>>, vector<1x16xf32>,
          %get3A_761 = vector.shape_cast %get3A_760 : vector<1x16xf32> to vector<16xf32>
          %add3A_762 = arith.addf %add3A_667, %get3A_761 : vector<16xf32>
          %eq3A_763 = arith.cmpi eq, %add3A_745, %gather3A_34 : vector<16xi32>
          %jit3A_764 = arith.constant 0.000000e+00 : f32
          %broadcast_in_dim3A_765 = vector.broadcast %jit3A_764 : f32 to vector<16xf32>
          %select_n3A_766 = arith.select %eq3A_763, %get3A_761, %broadcast_in_dim3A_765 : vector<16xi1>, vector<16xf32>
          %add3A_767 = arith.addf %add3A_672, %select_n3A_766 : vector<16xf32>
          %get3A_768 = arith.constant 2 : i32
          %get3A_769 = arith.index_cast %get3A_768 : i32 to index
          %get3A_770 = arith.index_cast %add3A_742 : i32 to index
          %get3A_771 = tpu.vector_load %arg7[%get3A_769, %get3A_770] {strides = array<i32>} : memref<8x3200xf32, #tpu.memory_space<vmem>>, vector<1x16xf32>,
          %get3A_772 = vector.shape_cast %get3A_771 : vector<1x16xf32> to vector<16xf32>
          %add3A_773 = arith.addf %add3A_678, %get3A_772 : vector<16xf32>
          %eq3A_774 = arith.cmpi eq, %add3A_745, %gather3A_38 : vector<16xi32>
          %jit3A_775 = arith.constant 0.000000e+00 : f32
          %broadcast_in_dim3A_776 = vector.broadcast %jit3A_775 : f32 to vector<16xf32>
          %select_n3A_777 = arith.select %eq3A_774, %get3A_772, %broadcast_in_dim3A_776 : vector<16xi1>, vector<16xf32>
          %add3A_778 = arith.addf %add3A_683, %select_n3A_777 : vector<16xf32>
          %get3A_779 = arith.constant 3 : i32
          %get3A_780 = arith.index_cast %get3A_779 : i32 to index
          %get3A_781 = arith.index_cast %add3A_742 : i32 to index
          %get3A_782 = tpu.vector_load %arg7[%get3A_780, %get3A_781] {strides = array<i32>} : memref<8x3200xf32, #tpu.memory_space<vmem>>, vector<1x16xf32>,
          %get3A_783 = vector.shape_cast %get3A_782 : vector<1x16xf32> to vector<16xf32>
          %add3A_784 = arith.addf %add3A_689, %get3A_783 : vector<16xf32>
          %eq3A_785 = arith.cmpi eq, %add3A_745, %gather3A_42 : vector<16xi32>
          %jit3A_786 = arith.constant 0.000000e+00 : f32
          %broadcast_in_dim3A_787 = vector.broadcast %jit3A_786 : f32 to vector<16xf32>
          %select_n3A_788 = arith.select %eq3A_785, %get3A_783, %broadcast_in_dim3A_787 : vector<16xi1>, vector<16xf32>
          %add3A_789 = arith.addf %add3A_694, %select_n3A_788 : vector<16xf32>
          %get3A_790 = arith.constant 4 : i32
          %get3A_791 = arith.index_cast %get3A_790 : i32 to index
          %get3A_792 = arith.index_cast %add3A_742 : i32 to index
          %get3A_793 = tpu.vector_load %arg7[%get3A_791, %get3A_792] {strides = array<i32>} : memref<8x3200xf32, #tpu.memory_space<vmem>>, vector<1x16xf32>,
          %get3A_794 = vector.shape_cast %get3A_793 : vector<1x16xf32> to vector<16xf32>
          %add3A_795 = arith.addf %add3A_700, %get3A_794 : vector<16xf32>
          %eq3A_796 = arith.cmpi eq, %add3A_745, %gather3A_46 : vector<16xi32>
          %jit3A_797 = arith.constant 0.000000e+00 : f32
          %broadcast_in_dim3A_798 = vector.broadcast %jit3A_797 : f32 to vector<16xf32>
          %select_n3A_799 = arith.select %eq3A_796, %get3A_794, %broadcast_in_dim3A_798 : vector<16xi1>, vector<16xf32>
          %add3A_800 = arith.addf %add3A_705, %select_n3A_799 : vector<16xf32>
          %get3A_801 = arith.constant 5 : i32
          %get3A_802 = arith.index_cast %get3A_801 : i32 to index
          %get3A_803 = arith.index_cast %add3A_742 : i32 to index
          %get3A_804 = tpu.vector_load %arg7[%get3A_802, %get3A_803] {strides = array<i32>} : memref<8x3200xf32, #tpu.memory_space<vmem>>, vector<1x16xf32>,
          %get3A_805 = vector.shape_cast %get3A_804 : vector<1x16xf32> to vector<16xf32>
          %add3A_806 = arith.addf %add3A_711, %get3A_805 : vector<16xf32>
          %eq3A_807 = arith.cmpi eq, %add3A_745, %gather3A_50 : vector<16xi32>
          %jit3A_808 = arith.constant 0.000000e+00 : f32
          %broadcast_in_dim3A_809 = vector.broadcast %jit3A_808 : f32 to vector<16xf32>
          %select_n3A_810 = arith.select %eq3A_807, %get3A_805, %broadcast_in_dim3A_809 : vector<16xi1>, vector<16xf32>
          %add3A_811 = arith.addf %add3A_716, %select_n3A_810 : vector<16xf32>
          %get3A_812 = arith.constant 6 : i32
          %get3A_813 = arith.index_cast %get3A_812 : i32 to index
          %get3A_814 = arith.index_cast %add3A_742 : i32 to index
          %get3A_815 = tpu.vector_load %arg7[%get3A_813, %get3A_814] {strides = array<i32>} : memref<8x3200xf32, #tpu.memory_space<vmem>>, vector<1x16xf32>,
          %get3A_816 = vector.shape_cast %get3A_815 : vector<1x16xf32> to vector<16xf32>
          %add3A_817 = arith.addf %add3A_722, %get3A_816 : vector<16xf32>
          %eq3A_818 = arith.cmpi eq, %add3A_745, %gather3A_54 : vector<16xi32>
          %jit3A_819 = arith.constant 0.000000e+00 : f32
          %broadcast_in_dim3A_820 = vector.broadcast %jit3A_819 : f32 to vector<16xf32>
          %select_n3A_821 = arith.select %eq3A_818, %get3A_816, %broadcast_in_dim3A_820 : vector<16xi1>, vector<16xf32>
          %add3A_822 = arith.addf %add3A_727, %select_n3A_821 : vector<16xf32>
          %get3A_823 = arith.constant 7 : i32
          %get3A_824 = arith.index_cast %get3A_823 : i32 to index
          %get3A_825 = arith.index_cast %add3A_742 : i32 to index
          %get3A_826 = tpu.vector_load %arg7[%get3A_824, %get3A_825] {strides = array<i32>} : memref<8x3200xf32, #tpu.memory_space<vmem>>, vector<1x16xf32>,
          %get3A_827 = vector.shape_cast %get3A_826 : vector<1x16xf32> to vector<16xf32>
          %add3A_828 = arith.addf %add3A_733, %get3A_827 : vector<16xf32>
          %eq3A_829 = arith.cmpi eq, %add3A_745, %gather3A_58 : vector<16xi32>
          %jit3A_830 = arith.constant 0.000000e+00 : f32
          %broadcast_in_dim3A_831 = vector.broadcast %jit3A_830 : f32 to vector<16xf32>
          %select_n3A_832 = arith.select %eq3A_829, %get3A_827, %broadcast_in_dim3A_831 : vector<16xi1>, vector<16xf32>
          %add3A_833 = arith.addf %add3A_738, %select_n3A_832 : vector<16xf32>
          %mul3A_834 = arith.constant 128 : i32
          %mul3A_835 = arith.muli %scan3A_248, %mul3A_834 : i32
          %add3A_836 = arith.constant 96 : i32
          %add3A_837 = arith.addi %mul3A_835, %add3A_836 : i32
          %add3A_838 = arith.addi %mul3A_240, %add3A_837 : i32
          %add3A_839 = vector.broadcast %add3A_838 : i32 to vector<16xi32>
          %add3A_840 = arith.addi %add3A_839, %iota3A_241 : vector<16xi32>
          %get3A_841 = arith.constant 0 : i32
          %get3A_842 = arith.index_cast %get3A_841 : i32 to index
          %get3A_843 = arith.index_cast %add3A_837 : i32 to index
          %get3A_844 = tpu.vector_load %arg7[%get3A_842, %get3A_843] {strides = array<i32>} : memref<8x3200xf32, #tpu.memory_space<vmem>>, vector<1x16xf32>,
          %get3A_845 = vector.shape_cast %get3A_844 : vector<1x16xf32> to vector<16xf32>
          %add3A_846 = arith.addf %add3A_751, %get3A_845 : vector<16xf32>
          %eq3A_847 = arith.cmpi eq, %add3A_840, %gather3A_30 : vector<16xi32>
          %jit3A_848 = arith.constant 0.000000e+00 : f32
          %broadcast_in_dim3A_849 = vector.broadcast %jit3A_848 : f32 to vector<16xf32>
          %select_n3A_850 = arith.select %eq3A_847, %get3A_845, %broadcast_in_dim3A_849 : vector<16xi1>, vector<16xf32>
          %add3A_851 = arith.addf %add3A_756, %select_n3A_850 : vector<16xf32>
          %get3A_852 = arith.constant 1 : i32
          %get3A_853 = arith.index_cast %get3A_852 : i32 to index
          %get3A_854 = arith.index_cast %add3A_837 : i32 to index
          %get3A_855 = tpu.vector_load %arg7[%get3A_853, %get3A_854] {strides = array<i32>} : memref<8x3200xf32, #tpu.memory_space<vmem>>, vector<1x16xf32>,
          %get3A_856 = vector.shape_cast %get3A_855 : vector<1x16xf32> to vector<16xf32>
          %add3A_857 = arith.addf %add3A_762, %get3A_856 : vector<16xf32>
          %eq3A_858 = arith.cmpi eq, %add3A_840, %gather3A_34 : vector<16xi32>
          %jit3A_859 = arith.constant 0.000000e+00 : f32
          %broadcast_in_dim3A_860 = vector.broadcast %jit3A_859 : f32 to vector<16xf32>
          %select_n3A_861 = arith.select %eq3A_858, %get3A_856, %broadcast_in_dim3A_860 : vector<16xi1>, vector<16xf32>
          %add3A_862 = arith.addf %add3A_767, %select_n3A_861 : vector<16xf32>
          %get3A_863 = arith.constant 2 : i32
          %get3A_864 = arith.index_cast %get3A_863 : i32 to index
          %get3A_865 = arith.index_cast %add3A_837 : i32 to index
          %get3A_866 = tpu.vector_load %arg7[%get3A_864, %get3A_865] {strides = array<i32>} : memref<8x3200xf32, #tpu.memory_space<vmem>>, vector<1x16xf32>,
          %get3A_867 = vector.shape_cast %get3A_866 : vector<1x16xf32> to vector<16xf32>
          %add3A_868 = arith.addf %add3A_773, %get3A_867 : vector<16xf32>
          %eq3A_869 = arith.cmpi eq, %add3A_840, %gather3A_38 : vector<16xi32>
          %jit3A_870 = arith.constant 0.000000e+00 : f32
          %broadcast_in_dim3A_871 = vector.broadcast %jit3A_870 : f32 to vector<16xf32>
          %select_n3A_872 = arith.select %eq3A_869, %get3A_867, %broadcast_in_dim3A_871 : vector<16xi1>, vector<16xf32>
          %add3A_873 = arith.addf %add3A_778, %select_n3A_872 : vector<16xf32>
          %get3A_874 = arith.constant 3 : i32
          %get3A_875 = arith.index_cast %get3A_874 : i32 to index
          %get3A_876 = arith.index_cast %add3A_837 : i32 to index
          %get3A_877 = tpu.vector_load %arg7[%get3A_875, %get3A_876] {strides = array<i32>} : memref<8x3200xf32, #tpu.memory_space<vmem>>, vector<1x16xf32>,
          %get3A_878 = vector.shape_cast %get3A_877 : vector<1x16xf32> to vector<16xf32>
          %add3A_879 = arith.addf %add3A_784, %get3A_878 : vector<16xf32>
          %eq3A_880 = arith.cmpi eq, %add3A_840, %gather3A_42 : vector<16xi32>
          %jit3A_881 = arith.constant 0.000000e+00 : f32
          %broadcast_in_dim3A_882 = vector.broadcast %jit3A_881 : f32 to vector<16xf32>
          %select_n3A_883 = arith.select %eq3A_880, %get3A_878, %broadcast_in_dim3A_882 : vector<16xi1>, vector<16xf32>
          %add3A_884 = arith.addf %add3A_789, %select_n3A_883 : vector<16xf32>
          %get3A_885 = arith.constant 4 : i32
          %get3A_886 = arith.index_cast %get3A_885 : i32 to index
          %get3A_887 = arith.index_cast %add3A_837 : i32 to index
          %get3A_888 = tpu.vector_load %arg7[%get3A_886, %get3A_887] {strides = array<i32>} : memref<8x3200xf32, #tpu.memory_space<vmem>>, vector<1x16xf32>,
          %get3A_889 = vector.shape_cast %get3A_888 : vector<1x16xf32> to vector<16xf32>
          %add3A_890 = arith.addf %add3A_795, %get3A_889 : vector<16xf32>
          %eq3A_891 = arith.cmpi eq, %add3A_840, %gather3A_46 : vector<16xi32>
          %jit3A_892 = arith.constant 0.000000e+00 : f32
          %broadcast_in_dim3A_893 = vector.broadcast %jit3A_892 : f32 to vector<16xf32>
          %select_n3A_894 = arith.select %eq3A_891, %get3A_889, %broadcast_in_dim3A_893 : vector<16xi1>, vector<16xf32>
          %add3A_895 = arith.addf %add3A_800, %select_n3A_894 : vector<16xf32>
          %get3A_896 = arith.constant 5 : i32
          %get3A_897 = arith.index_cast %get3A_896 : i32 to index
          %get3A_898 = arith.index_cast %add3A_837 : i32 to index
          %get3A_899 = tpu.vector_load %arg7[%get3A_897, %get3A_898] {strides = array<i32>} : memref<8x3200xf32, #tpu.memory_space<vmem>>, vector<1x16xf32>,
          %get3A_900 = vector.shape_cast %get3A_899 : vector<1x16xf32> to vector<16xf32>
          %add3A_901 = arith.addf %add3A_806, %get3A_900 : vector<16xf32>
          %eq3A_902 = arith.cmpi eq, %add3A_840, %gather3A_50 : vector<16xi32>
          %jit3A_903 = arith.constant 0.000000e+00 : f32
          %broadcast_in_dim3A_904 = vector.broadcast %jit3A_903 : f32 to vector<16xf32>
          %select_n3A_905 = arith.select %eq3A_902, %get3A_900, %broadcast_in_dim3A_904 : vector<16xi1>, vector<16xf32>
          %add3A_906 = arith.addf %add3A_811, %select_n3A_905 : vector<16xf32>
          %get3A_907 = arith.constant 6 : i32
          %get3A_908 = arith.index_cast %get3A_907 : i32 to index
          %get3A_909 = arith.index_cast %add3A_837 : i32 to index
          %get3A_910 = tpu.vector_load %arg7[%get3A_908, %get3A_909] {strides = array<i32>} : memref<8x3200xf32, #tpu.memory_space<vmem>>, vector<1x16xf32>,
          %get3A_911 = vector.shape_cast %get3A_910 : vector<1x16xf32> to vector<16xf32>
          %add3A_912 = arith.addf %add3A_817, %get3A_911 : vector<16xf32>
          %eq3A_913 = arith.cmpi eq, %add3A_840, %gather3A_54 : vector<16xi32>
          %jit3A_914 = arith.constant 0.000000e+00 : f32
          %broadcast_in_dim3A_915 = vector.broadcast %jit3A_914 : f32 to vector<16xf32>
          %select_n3A_916 = arith.select %eq3A_913, %get3A_911, %broadcast_in_dim3A_915 : vector<16xi1>, vector<16xf32>
          %add3A_917 = arith.addf %add3A_822, %select_n3A_916 : vector<16xf32>
          %get3A_918 = arith.constant 7 : i32
          %get3A_919 = arith.index_cast %get3A_918 : i32 to index
          %get3A_920 = arith.index_cast %add3A_837 : i32 to index
          %get3A_921 = tpu.vector_load %arg7[%get3A_919, %get3A_920] {strides = array<i32>} : memref<8x3200xf32, #tpu.memory_space<vmem>>, vector<1x16xf32>,
          %get3A_922 = vector.shape_cast %get3A_921 : vector<1x16xf32> to vector<16xf32>
          %add3A_923 = arith.addf %add3A_828, %get3A_922 : vector<16xf32>
          %eq3A_924 = arith.cmpi eq, %add3A_840, %gather3A_58 : vector<16xi32>
          %jit3A_925 = arith.constant 0.000000e+00 : f32
          %broadcast_in_dim3A_926 = vector.broadcast %jit3A_925 : f32 to vector<16xf32>
          %select_n3A_927 = arith.select %eq3A_924, %get3A_922, %broadcast_in_dim3A_926 : vector<16xi1>, vector<16xf32>
          %add3A_928 = arith.addf %add3A_833, %select_n3A_927 : vector<16xf32>
          %mul3A_929 = arith.constant 128 : i32
          %mul3A_930 = arith.muli %scan3A_248, %mul3A_929 : i32
          %add3A_931 = arith.constant 112 : i32
          %add3A_932 = arith.addi %mul3A_930, %add3A_931 : i32
          %add3A_933 = arith.addi %mul3A_240, %add3A_932 : i32
          %add3A_934 = vector.broadcast %add3A_933 : i32 to vector<16xi32>
          %add3A_935 = arith.addi %add3A_934, %iota3A_241 : vector<16xi32>
          %get3A_936 = arith.constant 0 : i32
          %get3A_937 = arith.index_cast %get3A_936 : i32 to index
          %get3A_938 = arith.index_cast %add3A_932 : i32 to index
          %get3A_939 = tpu.vector_load %arg7[%get3A_937, %get3A_938] {strides = array<i32>} : memref<8x3200xf32, #tpu.memory_space<vmem>>, vector<1x16xf32>,
          %get3A_940 = vector.shape_cast %get3A_939 : vector<1x16xf32> to vector<16xf32>
          %add3A_941 = arith.addf %add3A_846, %get3A_940 : vector<16xf32>
          %eq3A_942 = arith.cmpi eq, %add3A_935, %gather3A_30 : vector<16xi32>
          %jit3A_943 = arith.constant 0.000000e+00 : f32
          %broadcast_in_dim3A_944 = vector.broadcast %jit3A_943 : f32 to vector<16xf32>
          %select_n3A_945 = arith.select %eq3A_942, %get3A_940, %broadcast_in_dim3A_944 : vector<16xi1>, vector<16xf32>
          %add3A_946 = arith.addf %add3A_851, %select_n3A_945 : vector<16xf32>
          %get3A_947 = arith.constant 1 : i32
          %get3A_948 = arith.index_cast %get3A_947 : i32 to index
          %get3A_949 = arith.index_cast %add3A_932 : i32 to index
          %get3A_950 = tpu.vector_load %arg7[%get3A_948, %get3A_949] {strides = array<i32>} : memref<8x3200xf32, #tpu.memory_space<vmem>>, vector<1x16xf32>,
          %get3A_951 = vector.shape_cast %get3A_950 : vector<1x16xf32> to vector<16xf32>
          %add3A_952 = arith.addf %add3A_857, %get3A_951 : vector<16xf32>
          %eq3A_953 = arith.cmpi eq, %add3A_935, %gather3A_34 : vector<16xi32>
          %jit3A_954 = arith.constant 0.000000e+00 : f32
          %broadcast_in_dim3A_955 = vector.broadcast %jit3A_954 : f32 to vector<16xf32>
          %select_n3A_956 = arith.select %eq3A_953, %get3A_951, %broadcast_in_dim3A_955 : vector<16xi1>, vector<16xf32>
          %add3A_957 = arith.addf %add3A_862, %select_n3A_956 : vector<16xf32>
          %get3A_958 = arith.constant 2 : i32
          %get3A_959 = arith.index_cast %get3A_958 : i32 to index
          %get3A_960 = arith.index_cast %add3A_932 : i32 to index
          %get3A_961 = tpu.vector_load %arg7[%get3A_959, %get3A_960] {strides = array<i32>} : memref<8x3200xf32, #tpu.memory_space<vmem>>, vector<1x16xf32>,
          %get3A_962 = vector.shape_cast %get3A_961 : vector<1x16xf32> to vector<16xf32>
          %add3A_963 = arith.addf %add3A_868, %get3A_962 : vector<16xf32>
          %eq3A_964 = arith.cmpi eq, %add3A_935, %gather3A_38 : vector<16xi32>
          %jit3A_965 = arith.constant 0.000000e+00 : f32
          %broadcast_in_dim3A_966 = vector.broadcast %jit3A_965 : f32 to vector<16xf32>
          %select_n3A_967 = arith.select %eq3A_964, %get3A_962, %broadcast_in_dim3A_966 : vector<16xi1>, vector<16xf32>
          %add3A_968 = arith.addf %add3A_873, %select_n3A_967 : vector<16xf32>
          %get3A_969 = arith.constant 3 : i32
          %get3A_970 = arith.index_cast %get3A_969 : i32 to index
          %get3A_971 = arith.index_cast %add3A_932 : i32 to index
          %get3A_972 = tpu.vector_load %arg7[%get3A_970, %get3A_971] {strides = array<i32>} : memref<8x3200xf32, #tpu.memory_space<vmem>>, vector<1x16xf32>,
          %get3A_973 = vector.shape_cast %get3A_972 : vector<1x16xf32> to vector<16xf32>
          %add3A_974 = arith.addf %add3A_879, %get3A_973 : vector<16xf32>
          %eq3A_975 = arith.cmpi eq, %add3A_935, %gather3A_42 : vector<16xi32>
          %jit3A_976 = arith.constant 0.000000e+00 : f32
          %broadcast_in_dim3A_977 = vector.broadcast %jit3A_976 : f32 to vector<16xf32>
          %select_n3A_978 = arith.select %eq3A_975, %get3A_973, %broadcast_in_dim3A_977 : vector<16xi1>, vector<16xf32>
          %add3A_979 = arith.addf %add3A_884, %select_n3A_978 : vector<16xf32>
          %get3A_980 = arith.constant 4 : i32
          %get3A_981 = arith.index_cast %get3A_980 : i32 to index
          %get3A_982 = arith.index_cast %add3A_932 : i32 to index
          %get3A_983 = tpu.vector_load %arg7[%get3A_981, %get3A_982] {strides = array<i32>} : memref<8x3200xf32, #tpu.memory_space<vmem>>, vector<1x16xf32>,
          %get3A_984 = vector.shape_cast %get3A_983 : vector<1x16xf32> to vector<16xf32>
          %add3A_985 = arith.addf %add3A_890, %get3A_984 : vector<16xf32>
          %eq3A_986 = arith.cmpi eq, %add3A_935, %gather3A_46 : vector<16xi32>
          %jit3A_987 = arith.constant 0.000000e+00 : f32
          %broadcast_in_dim3A_988 = vector.broadcast %jit3A_987 : f32 to vector<16xf32>
          %select_n3A_989 = arith.select %eq3A_986, %get3A_984, %broadcast_in_dim3A_988 : vector<16xi1>, vector<16xf32>
          %add3A_990 = arith.addf %add3A_895, %select_n3A_989 : vector<16xf32>
          %get3A_991 = arith.constant 5 : i32
          %get3A_992 = arith.index_cast %get3A_991 : i32 to index
          %get3A_993 = arith.index_cast %add3A_932 : i32 to index
          %get3A_994 = tpu.vector_load %arg7[%get3A_992, %get3A_993] {strides = array<i32>} : memref<8x3200xf32, #tpu.memory_space<vmem>>, vector<1x16xf32>,
          %get3A_995 = vector.shape_cast %get3A_994 : vector<1x16xf32> to vector<16xf32>
          %add3A_996 = arith.addf %add3A_901, %get3A_995 : vector<16xf32>
          %eq3A_997 = arith.cmpi eq, %add3A_935, %gather3A_50 : vector<16xi32>
          %jit3A_998 = arith.constant 0.000000e+00 : f32
          %broadcast_in_dim3A_999 = vector.broadcast %jit3A_998 : f32 to vector<16xf32>
          %select_n3A_1000 = arith.select %eq3A_997, %get3A_995, %broadcast_in_dim3A_999 : vector<16xi1>, vector<16xf32>
          %add3A_1001 = arith.addf %add3A_906, %select_n3A_1000 : vector<16xf32>
          %get3A_1002 = arith.constant 6 : i32
          %get3A_1003 = arith.index_cast %get3A_1002 : i32 to index
          %get3A_1004 = arith.index_cast %add3A_932 : i32 to index
          %get3A_1005 = tpu.vector_load %arg7[%get3A_1003, %get3A_1004] {strides = array<i32>} : memref<8x3200xf32, #tpu.memory_space<vmem>>, vector<1x16xf32>,
          %get3A_1006 = vector.shape_cast %get3A_1005 : vector<1x16xf32> to vector<16xf32>
          %add3A_1007 = arith.addf %add3A_912, %get3A_1006 : vector<16xf32>
          %eq3A_1008 = arith.cmpi eq, %add3A_935, %gather3A_54 : vector<16xi32>
          %jit3A_1009 = arith.constant 0.000000e+00 : f32
          %broadcast_in_dim3A_1010 = vector.broadcast %jit3A_1009 : f32 to vector<16xf32>
          %select_n3A_1011 = arith.select %eq3A_1008, %get3A_1006, %broadcast_in_dim3A_1010 : vector<16xi1>, vector<16xf32>
          %add3A_1012 = arith.addf %add3A_917, %select_n3A_1011 : vector<16xf32>
          %get3A_1013 = arith.constant 7 : i32
          %get3A_1014 = arith.index_cast %get3A_1013 : i32 to index
          %get3A_1015 = arith.index_cast %add3A_932 : i32 to index
          %get3A_1016 = tpu.vector_load %arg7[%get3A_1014, %get3A_1015] {strides = array<i32>} : memref<8x3200xf32, #tpu.memory_space<vmem>>, vector<1x16xf32>,
          %get3A_1017 = vector.shape_cast %get3A_1016 : vector<1x16xf32> to vector<16xf32>
          %add3A_1018 = arith.addf %add3A_923, %get3A_1017 : vector<16xf32>
          %eq3A_1019 = arith.cmpi eq, %add3A_935, %gather3A_58 : vector<16xi32>
          %jit3A_1020 = arith.constant 0.000000e+00 : f32
          %broadcast_in_dim3A_1021 = vector.broadcast %jit3A_1020 : f32 to vector<16xf32>
          %select_n3A_1022 = arith.select %eq3A_1019, %get3A_1017, %broadcast_in_dim3A_1021 : vector<16xi1>, vector<16xf32>
          %add3A_1023 = arith.addf %add3A_928, %select_n3A_1022 : vector<16xf32>
          scf.yield %add3A_941, %add3A_952, %add3A_963, %add3A_974, %add3A_985, %add3A_996, %add3A_1007, %add3A_1018, %add3A_946, %add3A_957, %add3A_968, %add3A_979, %add3A_990, %add3A_1001, %add3A_1012, %add3A_1023 : vector<16xf32>, vector<16xf32>, vector<16xf32>, vector<16xf32>, vector<16xf32>, vector<16xf32>, vector<16xf32>, vector<16xf32>, vector<16xf32>, vector<16xf32>, vector<16xf32>, vector<16xf32>, vector<16xf32>, vector<16xf32>, vector<16xf32>, vector<16xf32>
        }
        %scan3A_247 = arith.constant 25 : i32
        scf.yield %scan3A_246#0, %scan3A_246#1, %scan3A_246#2, %scan3A_246#3, %scan3A_246#4, %scan3A_246#5, %scan3A_246#6, %scan3A_246#7, %scan3A_246#8, %scan3A_246#9, %scan3A_246#10, %scan3A_246#11, %scan3A_246#12, %scan3A_246#13, %scan3A_246#14, %scan3A_246#15 : vector<16xf32>, vector<16xf32>, vector<16xf32>, vector<16xf32>, vector<16xf32>, vector<16xf32>, vector<16xf32>, vector<16xf32>, vector<16xf32>, vector<16xf32>, vector<16xf32>, vector<16xf32>, vector<16xf32>, vector<16xf32>, vector<16xf32>, vector<16xf32>
      }
      %scan3A_69 = arith.constant 5 : i32
      %broadcast_in_dim3A_70 = arith.constant 0.000000e+00 : f32
      %broadcast_in_dim3A_71 = vector.broadcast %broadcast_in_dim3A_70 : f32 to vector<16xf32>
      %broadcast_in_dim3A_72 = arith.constant 0.000000e+00 : f32
      %broadcast_in_dim3A_73 = vector.broadcast %broadcast_in_dim3A_72 : f32 to vector<16xf32>
      %ne3A = arith.constant 0 : i32
      %ne3A_74 = vector.broadcast %ne3A : i32 to vector<16xi32>
      %ne3A_75 = arith.cmpi ne, %gather3A_30, %ne3A_74 : vector<16xi32>
      %jit3A = arith.constant 1.000000e+00 : f32
      %jit3A_76 = arith.constant 0.000000e+00 : f32
      %broadcast_in_dim3A_77 = vector.broadcast %jit3A : f32 to vector<16xf32>
      %broadcast_in_dim3A_78 = vector.broadcast %jit3A_76 : f32 to vector<16xf32>
      %select_n3A = arith.select %ne3A_75, %broadcast_in_dim3A_77, %broadcast_in_dim3A_78 : vector<16xi1>, vector<16xf32>
      %mul3A_79 = arith.mulf %scan3A_68#0, %select_n3A : vector<16xf32>
      %add3A_80 = arith.addf %broadcast_in_dim3A_71, %mul3A_79 : vector<16xf32>
      %mul3A_81 = arith.mulf %scan3A_68#8, %select_n3A : vector<16xf32>
      %add3A_82 = arith.addf %broadcast_in_dim3A_73, %mul3A_81 : vector<16xf32>
      %ne3A_83 = arith.constant 0 : i32
      %ne3A_84 = vector.broadcast %ne3A_83 : i32 to vector<16xi32>
      %ne3A_85 = arith.cmpi ne, %gather3A_34, %ne3A_84 : vector<16xi32>
      %jit3A_86 = arith.constant 1.000000e+00 : f32
      %jit3A_87 = arith.constant 0.000000e+00 : f32
      %broadcast_in_dim3A_88 = vector.broadcast %jit3A_86 : f32 to vector<16xf32>
      %broadcast_in_dim3A_89 = vector.broadcast %jit3A_87 : f32 to vector<16xf32>
      %select_n3A_90 = arith.select %ne3A_85, %broadcast_in_dim3A_88, %broadcast_in_dim3A_89 : vector<16xi1>, vector<16xf32>
      %mul3A_91 = arith.mulf %scan3A_68#1, %select_n3A_90 : vector<16xf32>
      %add3A_92 = arith.addf %add3A_80, %mul3A_91 : vector<16xf32>
      %mul3A_93 = arith.mulf %scan3A_68#9, %select_n3A_90 : vector<16xf32>
      %add3A_94 = arith.addf %add3A_82, %mul3A_93 : vector<16xf32>
      %ne3A_95 = arith.constant 0 : i32
      %ne3A_96 = vector.broadcast %ne3A_95 : i32 to vector<16xi32>
      %ne3A_97 = arith.cmpi ne, %gather3A_38, %ne3A_96 : vector<16xi32>
      %jit3A_98 = arith.constant 1.000000e+00 : f32
      %jit3A_99 = arith.constant 0.000000e+00 : f32
      %broadcast_in_dim3A_100 = vector.broadcast %jit3A_98 : f32 to vector<16xf32>
      %broadcast_in_dim3A_101 = vector.broadcast %jit3A_99 : f32 to vector<16xf32>
      %select_n3A_102 = arith.select %ne3A_97, %broadcast_in_dim3A_100, %broadcast_in_dim3A_101 : vector<16xi1>, vector<16xf32>
      %mul3A_103 = arith.mulf %scan3A_68#2, %select_n3A_102 : vector<16xf32>
      %add3A_104 = arith.addf %add3A_92, %mul3A_103 : vector<16xf32>
      %mul3A_105 = arith.mulf %scan3A_68#10, %select_n3A_102 : vector<16xf32>
      %add3A_106 = arith.addf %add3A_94, %mul3A_105 : vector<16xf32>
      %ne3A_107 = arith.constant 0 : i32
      %ne3A_108 = vector.broadcast %ne3A_107 : i32 to vector<16xi32>
      %ne3A_109 = arith.cmpi ne, %gather3A_42, %ne3A_108 : vector<16xi32>
      %jit3A_110 = arith.constant 1.000000e+00 : f32
      %jit3A_111 = arith.constant 0.000000e+00 : f32
      %broadcast_in_dim3A_112 = vector.broadcast %jit3A_110 : f32 to vector<16xf32>
      %broadcast_in_dim3A_113 = vector.broadcast %jit3A_111 : f32 to vector<16xf32>
      %select_n3A_114 = arith.select %ne3A_109, %broadcast_in_dim3A_112, %broadcast_in_dim3A_113 : vector<16xi1>, vector<16xf32>
      %mul3A_115 = arith.mulf %scan3A_68#3, %select_n3A_114 : vector<16xf32>
      %add3A_116 = arith.addf %add3A_104, %mul3A_115 : vector<16xf32>
      %mul3A_117 = arith.mulf %scan3A_68#11, %select_n3A_114 : vector<16xf32>
      %add3A_118 = arith.addf %add3A_106, %mul3A_117 : vector<16xf32>
      %ne3A_119 = arith.constant 0 : i32
      %ne3A_120 = vector.broadcast %ne3A_119 : i32 to vector<16xi32>
      %ne3A_121 = arith.cmpi ne, %gather3A_46, %ne3A_120 : vector<16xi32>
      %jit3A_122 = arith.constant 1.000000e+00 : f32
      %jit3A_123 = arith.constant 0.000000e+00 : f32
      %broadcast_in_dim3A_124 = vector.broadcast %jit3A_122 : f32 to vector<16xf32>
      %broadcast_in_dim3A_125 = vector.broadcast %jit3A_123 : f32 to vector<16xf32>
      %select_n3A_126 = arith.select %ne3A_121, %broadcast_in_dim3A_124, %broadcast_in_dim3A_125 : vector<16xi1>, vector<16xf32>
      %mul3A_127 = arith.mulf %scan3A_68#4, %select_n3A_126 : vector<16xf32>
      %add3A_128 = arith.addf %add3A_116, %mul3A_127 : vector<16xf32>
      %mul3A_129 = arith.mulf %scan3A_68#12, %select_n3A_126 : vector<16xf32>
      %add3A_130 = arith.addf %add3A_118, %mul3A_129 : vector<16xf32>
      %ne3A_131 = arith.constant 0 : i32
      %ne3A_132 = vector.broadcast %ne3A_131 : i32 to vector<16xi32>
      %ne3A_133 = arith.cmpi ne, %gather3A_50, %ne3A_132 : vector<16xi32>
      %jit3A_134 = arith.constant 1.000000e+00 : f32
      %jit3A_135 = arith.constant 0.000000e+00 : f32
      %broadcast_in_dim3A_136 = vector.broadcast %jit3A_134 : f32 to vector<16xf32>
      %broadcast_in_dim3A_137 = vector.broadcast %jit3A_135 : f32 to vector<16xf32>
      %select_n3A_138 = arith.select %ne3A_133, %broadcast_in_dim3A_136, %broadcast_in_dim3A_137 : vector<16xi1>, vector<16xf32>
      %mul3A_139 = arith.mulf %scan3A_68#5, %select_n3A_138 : vector<16xf32>
      %add3A_140 = arith.addf %add3A_128, %mul3A_139 : vector<16xf32>
      %mul3A_141 = arith.mulf %scan3A_68#13, %select_n3A_138 : vector<16xf32>
      %add3A_142 = arith.addf %add3A_130, %mul3A_141 : vector<16xf32>
      %ne3A_143 = arith.constant 0 : i32
      %ne3A_144 = vector.broadcast %ne3A_143 : i32 to vector<16xi32>
      %ne3A_145 = arith.cmpi ne, %gather3A_54, %ne3A_144 : vector<16xi32>
      %jit3A_146 = arith.constant 1.000000e+00 : f32
      %jit3A_147 = arith.constant 0.000000e+00 : f32
      %broadcast_in_dim3A_148 = vector.broadcast %jit3A_146 : f32 to vector<16xf32>
      %broadcast_in_dim3A_149 = vector.broadcast %jit3A_147 : f32 to vector<16xf32>
      %select_n3A_150 = arith.select %ne3A_145, %broadcast_in_dim3A_148, %broadcast_in_dim3A_149 : vector<16xi1>, vector<16xf32>
      %mul3A_151 = arith.mulf %scan3A_68#6, %select_n3A_150 : vector<16xf32>
      %add3A_152 = arith.addf %add3A_140, %mul3A_151 : vector<16xf32>
      %mul3A_153 = arith.mulf %scan3A_68#14, %select_n3A_150 : vector<16xf32>
      %add3A_154 = arith.addf %add3A_142, %mul3A_153 : vector<16xf32>
      %ne3A_155 = arith.constant 0 : i32
      %ne3A_156 = vector.broadcast %ne3A_155 : i32 to vector<16xi32>
      %ne3A_157 = arith.cmpi ne, %gather3A_58, %ne3A_156 : vector<16xi32>
      %jit3A_158 = arith.constant 1.000000e+00 : f32
      %jit3A_159 = arith.constant 0.000000e+00 : f32
      %broadcast_in_dim3A_160 = vector.broadcast %jit3A_158 : f32 to vector<16xf32>
      %broadcast_in_dim3A_161 = vector.broadcast %jit3A_159 : f32 to vector<16xf32>
      %select_n3A_162 = arith.select %ne3A_157, %broadcast_in_dim3A_160, %broadcast_in_dim3A_161 : vector<16xi1>, vector<16xf32>
      %mul3A_163 = arith.mulf %scan3A_68#7, %select_n3A_162 : vector<16xf32>
      %add3A_164 = arith.addf %add3A_152, %mul3A_163 : vector<16xf32>
      %mul3A_165 = arith.mulf %scan3A_68#15, %select_n3A_162 : vector<16xf32>
      %add3A_166 = arith.addf %add3A_154, %mul3A_165 : vector<16xf32>
      %mul3A_167 = arith.constant -3.12519524E-6 : f32
      %mul3A_168 = vector.broadcast %mul3A_167 : f32 to vector<16xf32>
      %mul3A_169 = arith.mulf %mul3A_168, %add3A_164 : vector<16xf32>
      %mul3A_170 = arith.constant -0.899996876 : f32
      %mul3A_171 = vector.broadcast %mul3A_170 : f32 to vector<16xf32>
      %mul3A_172 = arith.mulf %mul3A_171, %add3A_166 : vector<16xf32>
      %add3A_173 = arith.addf %mul3A_169, %mul3A_172 : vector<16xf32>
      %ne3A_174 = arith.constant 0 : i32
      %ne3A_175 = vector.broadcast %ne3A_174 : i32 to vector<16xi32>
      %ne3A_176 = arith.cmpi ne, %get3A_22, %ne3A_175 : vector<16xi32>
      %mul3A_177 = arith.constant 3.12519524E-6 : f32
      %mul3A_178 = vector.broadcast %mul3A_177 : f32 to vector<16xf32>
      %mul3A_179 = arith.mulf %mul3A_178, %get3A_27 : vector<16xf32>
      %add3A_180 = arith.constant -1.3624258 : f32
      %add3A_181 = vector.broadcast %add3A_180 : f32 to vector<16xf32>
      %add3A_182 = arith.addf %add3A_181, %mul3A_179 : vector<16xf32>
      %jit3A_183 = arith.constant 0.000000e+00 : f32
      %broadcast_in_dim3A_184 = vector.broadcast %jit3A_183 : f32 to vector<16xf32>
      %select_n3A_185 = arith.select %ne3A_176, %add3A_182, %broadcast_in_dim3A_184 : vector<16xi1>, vector<16xf32>
      %lt3A = arith.constant 8 : i32
      %lt3A_186 = vector.broadcast %lt3A : i32 to vector<16xi32>
      %lt3A_187 = arith.cmpi slt, %iota3A, %lt3A_186 : vector<16xi32>
      %jit3A_188 = arith.constant 0.000000e+00 : f32
      %broadcast_in_dim3A_189 = vector.broadcast %jit3A_188 : f32 to vector<16xf32>
      %select_n3A_190 = arith.select %lt3A_187, %select_n3A_185, %broadcast_in_dim3A_189 : vector<16xi1>, vector<16xf32>
      %add3A_191 = arith.addf %add3A_173, %select_n3A_190 : vector<16xf32>
      %add3A_192 = arith.addf %scan3A_15, %add3A_191 : vector<16xf32>
      scf.yield %add3A_192 : vector<16xf32>
    }
    %scan3A_10 = arith.constant 10 : i32
    %swap3A = arith.constant 0 : index
    %swap3A_11 = tpu.vector_load %arg10[%swap3A] {strides = array<i32>} : memref<16xf32, #tpu.memory_space<vmem>>, vector<16xf32>,
    %swap3A_12 = vector.shape_cast %swap3A_11 : vector<16xf32> to vector<16xf32>
    %swap3A_13 = vector.shape_cast %scan3A_9 : vector<16xf32> to vector<16xf32>
    tpu.vector_store %arg10[%swap3A], %swap3A_13 {strides = array<i32>} : memref<16xf32, #tpu.memory_space<vmem>>, vector<16xf32>,
    "tpu.region"() ({
      %run_scoped3A = tpu.sem_alloc : memref<!tpu.dma_semaphore, #tpu.memory_space<semaphore_mem>>
      %dma_start3A = arith.constant 0 : i32
      %dma_start3A_14 = tpu.memref_slice %arg5[%add3A, %dma_start3A] : memref<32x16xf32, #tpu.memory_space<hbm>> -> memref<1x16xf32, #tpu.memory_space<hbm>>
      %dma_start3A_15 = tpu.memref_squeeze %dma_start3A_14 : memref<1x16xf32, #tpu.memory_space<hbm>> -> memref<16xf32, #tpu.memory_space<hbm>>
      %dma_start3A_16 = arith.constant 0 : i32
      %dma_start3A_17 = tpu.memref_slice %arg5[%add3A, %dma_start3A_16] : memref<32x16xf32, #tpu.memory_space<hbm>> -> memref<1x16xf32, #tpu.memory_space<hbm>>
      %dma_start3A_18 = tpu.memref_squeeze %dma_start3A_17 : memref<1x16xf32, #tpu.memory_space<hbm>> -> memref<16xf32, #tpu.memory_space<hbm>>
      tpu.enqueue_dma source(%arg10 : memref<16xf32, #tpu.memory_space<vmem>>) target(%dma_start3A_18 : memref<16xf32, #tpu.memory_space<hbm>>) target_semaphore(%run_scoped3A : memref<!tpu.dma_semaphore, #tpu.memory_space<semaphore_mem>>)
      %dma_wait3A = arith.constant 0 : i32
      %dma_wait3A_19 = tpu.memref_slice %arg5[%add3A, %dma_wait3A] : memref<32x16xf32, #tpu.memory_space<hbm>> -> memref<1x16xf32, #tpu.memory_space<hbm>>
      %dma_wait3A_20 = tpu.memref_squeeze %dma_wait3A_19 : memref<1x16xf32, #tpu.memory_space<hbm>> -> memref<16xf32, #tpu.memory_space<hbm>>
      %dma_wait3A_21 = arith.constant 0 : i32
      %dma_wait3A_22 = tpu.memref_slice %arg5[%add3A, %dma_wait3A_21] : memref<32x16xf32, #tpu.memory_space<hbm>> -> memref<1x16xf32, #tpu.memory_space<hbm>>
      %dma_wait3A_23 = tpu.memref_squeeze %dma_wait3A_22 : memref<1x16xf32, #tpu.memory_space<hbm>> -> memref<16xf32, #tpu.memory_space<hbm>>
      tpu.wait_dma2 semaphore(%run_scoped3A : memref<!tpu.dma_semaphore, #tpu.memory_space<semaphore_mem>>) src(%arg10 : memref<16xf32, #tpu.memory_space<vmem>>) dst(%dma_wait3A_23 : memref<16xf32, #tpu.memory_space<hbm>>)
      tpu.yield
    }) : () -> ()
    return
  }
}

module attributes {stable_mosaic.version = 14 : i64} {
  func.func @_combine_kernel(%arg0: memref<1x1xf32, #tpu.memory_space<vmem>>, %arg1: memref<32x16xf32, #tpu.memory_space<vmem>>, %arg2: memref<1x1xf32, #tpu.memory_space<vmem>>) attributes {dimension_semantics = [], scalar_prefetch = 0 : i64, scratch_operands = 0 : i64, tpu.core_type = #tpu.core_type<tc>} {
    %get3A = arith.constant 0 : index
    %get3A_0 = arith.constant 0 : index
    %get3A_1 = vector.load %arg0[%get3A, %get3A_0] : memref<1x1xf32, #tpu.memory_space<vmem>>, vector<1x1xf32>
    %get3A_2 = arith.constant 0 : index
    %get3A_3 = arith.constant 0 : index
    %get3A_4 = vector.load %arg1[%get3A_2, %get3A_3] : memref<32x16xf32, #tpu.memory_space<vmem>>, vector<32x16xf32>
    %reduce_sum3A = vector.shape_cast %get3A_4 : vector<32x16xf32> to vector<1x32x16xf32>
    %reduce_sum3A_5 = arith.constant dense<0.000000e+00> : vector<1xf32>
    %reduce_sum3A_6 = vector.multi_reduction <add>, %reduce_sum3A, %reduce_sum3A_5 [1, 2] : vector<1x32x16xf32> to vector<1xf32>
    %reduce_sum3A_7 = vector.shape_cast %reduce_sum3A_6 : vector<1xf32> to vector<1x1x1xf32>
    %reduce_sum3A_8 = vector.extract %reduce_sum3A_7[0, 0, 0] : f32 from vector<1x1x1xf32>
    %reshape3A = vector.broadcast %reduce_sum3A_8 : f32 to vector<1x1xf32>
    %add3A = arith.addf %get3A_1, %reshape3A : vector<1x1xf32>
    %swap3A = arith.constant 0 : index
    %swap3A_9 = arith.constant 0 : index
    %swap3A_10 = vector.load %arg2[%swap3A, %swap3A_9] : memref<1x1xf32, #tpu.memory_space<vmem>>, vector<1x1xf32>
    tpu.vector_store %arg2[%swap3A, %swap3A_9], %add3A {strides = array<i32>} : memref<1x1xf32, #tpu.memory_space<vmem>>, vector<1x1xf32>,
    return
  }
}

module attributes {stable_mosaic.version = 14 : i64} {
  func.func @_tc_kernel(%arg0: i32, %arg1: memref<64x1xi32, #tpu.memory_space<vmem>>, %arg2: memref<64x32000xf32, #tpu.memory_space<vmem>>, %arg3: memref<1x1xf32, #tpu.memory_space<vmem>>) attributes {dimension_semantics = [#tpu.dimension_semantics<arbitrary>], iteration_bounds = array<i64: 88>, scalar_prefetch = 0 : i64, scratch_operands = 0 : i64, tpu.core_type = #tpu.core_type<tc>, window_params = [{transform_indices = @transform_0, window_bounds = array<i64: 64, 1>}, {transform_indices = @transform_1, window_bounds = array<i64: 64, 32000>}, {pipeline_mode = #tpu.pipeline_mode<synchronous>, transform_indices = @transform_2, window_bounds = array<i64: 1, 1>}]} {
    %eq3A = arith.constant 0 : i32
    %eq3A_0 = arith.cmpi eq, %arg0, %eq3A : i32
    %convert_element_type3A = arith.extui %eq3A_0 : i1 to i32
    %cond3A = arith.constant 0 : i32
    %cond3A_1 = arith.cmpi ne, %convert_element_type3A, %cond3A : i32
    scf.if %cond3A_1 {
      %broadcast_in_dim3A_35 = arith.constant 0.000000e+00 : f32
      %broadcast_in_dim3A_36 = vector.broadcast %broadcast_in_dim3A_35 : f32 to vector<1x1xf32>
      %swap3A_37 = arith.constant 0 : index
      %swap3A_38 = arith.constant 0 : index
      %swap3A_39 = vector.load %arg3[%swap3A_37, %swap3A_38] : memref<1x1xf32, #tpu.memory_space<vmem>>, vector<1x1xf32>
      tpu.vector_store %arg3[%swap3A_37, %swap3A_38], %broadcast_in_dim3A_36 {strides = array<i32>} : memref<1x1xf32, #tpu.memory_space<vmem>>, vector<1x1xf32>,
    } else {
    }
    %get3A = arith.constant 0 : index
    %get3A_2 = arith.constant 0 : index
    %get3A_3 = vector.load %arg2[%get3A, %get3A_2] : memref<64x32000xf32, #tpu.memory_space<vmem>>, vector<64x32000xf32>
    %get3A_4 = arith.constant 0 : index
    %get3A_5 = arith.constant 0 : index
    %get3A_6 = vector.load %arg1[%get3A_4, %get3A_5] : memref<64x1xi32, #tpu.memory_space<vmem>>, vector<64x1xi32>
    %ne3A = arith.constant 0 : i32
    %ne3A_7 = vector.broadcast %ne3A : i32 to vector<64x1xi32>
    %ne3A_8 = arith.cmpi ne, %get3A_6, %ne3A_7 : vector<64x1xi32>
    %convert_element_type3A_9 = arith.extui %ne3A_8 : vector<64x1xi1> to vector<64x1xi32>
    %convert_element_type3A_10 = arith.sitofp %convert_element_type3A_9 : vector<64x1xi32> to vector<64x1xf32>
    %iota3A = tpu.iota {dimensions = array<i32: 1>} : vector<64x32000xi32>
    %eq3A_11 = vector.broadcast %get3A_6 : vector<64x1xi32> to vector<64x32000xi32>
    %eq3A_12 = arith.cmpi eq, %iota3A, %eq3A_11 : vector<64x32000xi32>
    %jit3A = arith.constant -0.899999976 : f32
    %jit3A_13 = arith.constant -3.12519524E-6 : f32
    %broadcast_in_dim3A = vector.broadcast %jit3A : f32 to vector<64x32000xf32>
    %broadcast_in_dim3A_14 = vector.broadcast %jit3A_13 : f32 to vector<64x32000xf32>
    %select_n3A = arith.select %eq3A_12, %broadcast_in_dim3A, %broadcast_in_dim3A_14 : vector<64x32000xi1>, vector<64x32000xf32>
    %mul3A = arith.mulf %get3A_3, %select_n3A : vector<64x32000xf32>
    %reduce_sum3A = arith.constant dense<0.000000e+00> : vector<64xf32>
    %reduce_sum3A_15 = vector.multi_reduction <add>, %mul3A, %reduce_sum3A [1] : vector<64x32000xf32> to vector<64xf32>
    %broadcast_in_dim3A_16 = vector.shape_cast %reduce_sum3A_15 : vector<64xf32> to vector<64x1xf32>
    %slice3A = vector.extract_strided_slice %get3A_3 {offsets = [0, 0], sizes = [64, 1], strides = [1, 1]} : vector<64x32000xf32> to vector<64x1xf32>
    %mul3A_17 = arith.constant 3.12519524E-6 : f32
    %mul3A_18 = vector.broadcast %mul3A_17 : f32 to vector<64x1xf32>
    %mul3A_19 = arith.mulf %mul3A_18, %slice3A : vector<64x1xf32>
    %add3A = arith.addf %broadcast_in_dim3A_16, %mul3A_19 : vector<64x1xf32>
    %add3A_20 = arith.constant -1.3624258 : f32
    %add3A_21 = vector.broadcast %add3A_20 : f32 to vector<64x1xf32>
    %add3A_22 = arith.addf %add3A, %add3A_21 : vector<64x1xf32>
    %mul3A_23 = arith.mulf %convert_element_type3A_10, %add3A_22 : vector<64x1xf32>
    %reduce_sum3A_24 = vector.shape_cast %mul3A_23 : vector<64x1xf32> to vector<1x64x1xf32>
    %reduce_sum3A_25 = arith.constant dense<0.000000e+00> : vector<1xf32>
    %reduce_sum3A_26 = vector.multi_reduction <add>, %reduce_sum3A_24, %reduce_sum3A_25 [1, 2] : vector<1x64x1xf32> to vector<1xf32>
    %reduce_sum3A_27 = vector.shape_cast %reduce_sum3A_26 : vector<1xf32> to vector<1x1x1xf32>
    %reduce_sum3A_28 = vector.extract %reduce_sum3A_27[0, 0, 0] : f32 from vector<1x1x1xf32>
    %get3A_29 = arith.constant 0 : index
    %get3A_30 = arith.constant 0 : index
    %get3A_31 = vector.load %arg3[%get3A_29, %get3A_30] : memref<1x1xf32, #tpu.memory_space<vmem>>, vector<1x1xf32>
    %reshape3A = vector.broadcast %reduce_sum3A_28 : f32 to vector<1x1xf32>
    %add3A_32 = arith.addf %get3A_31, %reshape3A : vector<1x1xf32>
    %swap3A = arith.constant 0 : index
    %swap3A_33 = arith.constant 0 : index
    %swap3A_34 = vector.load %arg3[%swap3A, %swap3A_33] : memref<1x1xf32, #tpu.memory_space<vmem>>, vector<1x1xf32>
    tpu.vector_store %arg3[%swap3A, %swap3A_33], %add3A_32 {strides = array<i32>} : memref<1x1xf32, #tpu.memory_space<vmem>>, vector<1x1xf32>,
    return
  }
  func.func @transform_0(%arg0: i32) -> (i32, i32) {
    %c0_i32 = arith.constant 0 : i32
    %c0_i32_0 = arith.constant 0 : i32
    return %arg0, %c0_i32 : i32, i32
  }
  func.func @transform_1(%arg0: i32) -> (i32, i32) {
    %c0_i32 = arith.constant 0 : i32
    %c0_i32_0 = arith.constant 0 : i32
    return %arg0, %c0_i32 : i32, i32
  }
  func.func @transform_2(%arg0: i32) -> (i32, i32) {
    %c0_i32 = arith.constant 0 : i32
    %c0_i32_0 = arith.constant 0 : i32
    %c0_i32_1 = arith.constant 0 : i32
    return %c0_i32, %c0_i32_0 : i32, i32
  }
}

</mosaic_0001>

<sc_bundles>
// kernel: kernel.5.cloned.1.call-start
scs
__scs_entry_jumppad:
0x0: {  	(pc) =	sbr.rel $0x88, $3  }
0x1: {  	(tag) =	ssettag $0x0;
	lr =	simm.s32 $0x1  }
0x2: {  	[smem:$0x3F9F] =	sst lr;
	_ =	strace $0xD0000000  }
0x3: {  	_ = 	snop  }
0x4: {  	_ = 	snop  }
0x5: {  	_ = 	snop  }
0x6: {  	_ = 	snop  }
0x7: {  	_ = 	snop  }
__scs_overlays_trampoline_lowered:
0x8: {  	[smem:$0x3FAE] =	sst s0  }
0x9: {  	[smem:$0x3FAF] =	sst s1  }
0xa: {  	[smem:$0x3FB0] =	sst s2  }
0xb: {  	[smem:$0x3FB1] =	sst s3  }
0xc: {  	[smem:$0x3FB2] =	sst s4  }
0xd: {  	[smem:$0x3FB3] =	sst s5  }
0xe: {  	[smem:$0x3FB4] =	sst s6  }
0xf: {  	[smem:$0x3FB5] =	sst s7  }
0x10: {  	[smem:$0x3FB6] =	sst s8  }
0x11: {  	[smem:$0x3FB7] =	sst s9;
	s0 =	simm.s32 @!p0 $0x0  }
0x12: {  	s1 =	sld [smem:$0x3F9D];
	s0 =	simm.s32 @p0 $0x1  }
0x13: {  	[smem:$0x3FB8] =	sst s0;
	s0 =	simm.s32 @!p1 $0x0  }
0x14: {  	s2 =	sld [smem:$0x3F9C];
	s0 =	simm.s32 @p1 $0x1  }
0x15: {  	[smem:$0x3FB9] =	sst s0;
	s0 =	simm.s32 @!p2 $0x0  }
0x16: {  	s3 =	sld [smem:$0x3FDB];
	s0 =	simm.s32 @p2 $0x1  }
0x17: {  	s4 =	simm.s32 $0x1BF5;
	[smem:$0x3FBB] =	sst s0  }
0x18: {  	s0 =	sld [smem:$0x3F9E];
	_ =	swait.ge [sflag:s4], $0x0  }
0x19: {  	s7 =	sld [smem:$0x3F9F]  }
0x1a: {  	s8 =	sadd.s32 $0xFFFFE003, lr  }
0x1b: {  	s9 =	sadd.s32 $0xFFFFFEF7, lr;
	s5 =	simm.s32 $0xFFFFFFFF;
	p2 =	slt.u32 s8, $0xFFFFF086  }
0x1c: {  	p1 =	slt.u32 s9, $0xF7A;
	s5 =	simm.s32 @!p2 $0x0  }
0x1d: {  	s5 =	simm.s32 @p1 $0x1;
	p0 =	seq.s32 s7, s2  }
0x1e: {  	s7 =	smul.u32 @!p0 $0xF7A, s2;
	p2 =	seq.s32 @!p0 s5, $0x0  }
0x1f: {  	s9 =	smul.u32 $0xF7A, s1;
	s8 =	simm.s32 @!p0 $0x1BF5;
	p2 =	por !p2, p0  }
0x20: {  	[sflag:s8] =	ssyncset.s32 @!p0 $0xFFFFF086;
	s6 =	sadd.s32 @!p0 s3, s7;
	s7 =	simm.s32 @!p0 $0x108  }
0x21: {  	s3 =	sadd.s32 s3, s9;
	s6 =	sadd.s32 @!p0 $0x88, s6;
	s7 =	simm.s32 @p2 $0x1082  }
0x22: {  	[simem:s7], [sflag:s8] =	dma.local @!p0 [hbm:s6], $0xF7A  }
0x23: {  	s9 =	sor.u32 $0xD0000000, s2;
	s6 =	simm.s32 $0x108;
	_ =	swait.ge @!p0 [sflag:s8], $0x0  }
0x24: {  	s3 =	sadd.s32 $0x88, s3;
	s6 =	simm.s32 @!p1 $0x1082;
	[sflag:s4] =	ssyncset.s32 $0xFFFFF086  }
0x25: {  	[simem:s6], [sflag:s4] =	dma.local [hbm:s3], $0xF7A  }
0x26: {  	[smem:$0x3F9F] =	sst s1;
	(tag) =	ssettag s2;
	_ =	strace s9  }
0x27: {  	s1 =	sld [smem:$0x3FAF]  }
0x28: {  	s2 =	sld [smem:$0x3FB0]  }
0x29: {  	s4 =	sld [smem:$0x3FB2]  }
0x2a: {  	p0 =	seq.s32 s5, $0x0;
	s5 =	sld [smem:$0x3FB3]  }
0x2b: {  	s6 =	sld [smem:$0x3FB4]  }
0x2c: {  	s7 =	sld [smem:$0x3FB5]  }
0x2d: {  	s3 =	simm.s32 $0x108;
	s8 =	sld [smem:$0x3FB6]  }
0x2e: {  	s3 =	simm.s32 @!p0 $0x1082;
	s9 =	sld [smem:$0x3FB7]  }
0x2f: {  	lr =	sadd.s32 s0, s3;
	s0 =	sld [smem:$0x3FAE]  }
0x30: {  	s3 =	sld [smem:$0x3FB1]  }
0x31: {  	[smem:$0x3FBA] =	sst s10  }
0x32: {  	s10 =	sld [smem:$0x3FB8];
	_ =	sdelay $0x3  }
0x33: {  	p0 =	seq.s32 s10, $0x1;
	s10 =	sld [smem:$0x3FBA];
	_ =	sdelay $0x3  }
0x34: {  	[smem:$0x3FBA] =	sst s10  }
0x35: {  	s10 =	sld [smem:$0x3FB9];
	_ =	sdelay $0x3  }
0x36: {  	p1 =	seq.s32 s10, $0x1;
	s10 =	sld [smem:$0x3FBA];
	_ =	sdelay $0x3  }
0x37: {  	[smem:$0x3FBA] =	sst s10  }
0x38: {  	s10 =	sld [smem:$0x3FBB]  }
0x39: {  	_ = 	snop;
	(pc) =	sbr.ind lr, $3  }
0x3a: {  	_ = 	snop  }
0x3b: {  	_ = 	snop  }
0x3c: {  	p2 =	seq.s32 s10, $0x1;
	s10 =	sld [smem:$0x3FBA]  }
0x3d: {  	_ =	shalt  }
0x3e: {  	_ =	shalt  }
0x3f: {  	_ =	shalt  }
0x40: {  	_ =	shalt  }
0x41: {  	_ =	shalt  }
0x42: {  	_ =	shalt  }
0x43: {  	_ =	shalt  }
0x44: {  	_ =	shalt  }
0x45: {  	_ =	shalt  }
0x46: {  	_ =	shalt  }
0x47: {  	_ =	shalt  }
0x48: {  	_ =	shalt  }
0x49: {  	_ =	shalt  }
0x4a: {  	_ =	shalt  }
0x4b: {  	_ =	shalt  }
0x4c: {  	_ =	shalt  }
0x4d: {  	_ =	shalt  }
0x4e: {  	_ =	shalt  }
0x4f: {  	_ =	shalt  }
0x50: {  	_ =	shalt  }
0x51: {  	_ =	shalt  }
0x52: {  	_ =	shalt  }
0x53: {  	_ =	shalt  }
0x54: {  	_ =	shalt  }
0x55: {  	_ =	shalt  }
0x56: {  	_ =	shalt  }
0x57: {  	_ =	shalt  }
0x58: {  	_ =	shalt  }
0x59: {  	_ =	shalt  }
0x5a: {  	_ =	shalt  }
0x5b: {  	_ =	shalt  }
0x5c: {  	_ =	shalt  }
0x5d: {  	_ =	shalt  }
0x5e: {  	_ =	shalt  }
0x5f: {  	_ =	shalt  }
0x60: {  	_ =	shalt  }
0x61: {  	_ =	shalt  }
0x62: {  	_ =	shalt  }
0x63: {  	_ =	shalt  }
0x64: {  	_ =	shalt  }
0x65: {  	_ =	shalt  }
0x66: {  	_ =	shalt  }
0x67: {  	_ =	shalt  }
0x68: {  	_ =	shalt  }
0x69: {  	_ =	shalt  }
0x6a: {  	_ =	shalt  }
0x6b: {  	_ =	shalt  }
0x6c: {  	_ =	shalt  }
0x6d: {  	_ =	shalt  }
0x6e: {  	_ =	shalt  }
0x6f: {  	_ =	shalt  }
0x70: {  	_ =	shalt  }
0x71: {  	_ =	shalt  }
0x72: {  	_ =	shalt  }
0x73: {  	_ =	shalt  }
0x74: {  	_ =	shalt  }
0x75: {  	_ =	shalt  }
0x76: {  	_ =	shalt  }
0x77: {  	_ =	shalt  }
0x78: {  	_ =	shalt  }
0x79: {  	_ =	shalt  }
0x7a: {  	_ =	shalt  }
0x7b: {  	_ =	shalt  }
0x7c: {  	_ =	shalt  }
0x7d: {  	_ =	shalt  }
0x7e: {  	_ =	shalt  }
0x7f: {  	_ =	shalt  }
0x80: {  	_ =	shalt  }
0x81: {  	_ =	shalt  }
0x82: {  	_ =	shalt  }
0x83: {  	_ =	shalt  }
0x84: {  	_ =	shalt  }
0x85: {  	_ =	shalt  }
0x86: {  	_ =	shalt  }
0x87: {  	_ =	shalt  }
.Lfunc_end0:
.L_simem_size_0:
called_computation_lowered:
.L_overlay_start_0:
0x88: {  	s2 =	sld [smem:$0x3FD9]  }
0x89: {  	s3 =	sld [smem:$0x3FFE];
	_ =	sdelay $0x1  }
0x8a: {  	s1 =	srdreg.scid  }
0x8b: {  	s0 =	sand.u32 $0x1, s1  }
0x8c: {  	s17 =	sshll.u32 s0, $0xA;
	s2 =	sadd.s32 s3, s2  }
0x8d: {  	s2 =	sadd.s32 s2, s17  }
0x8e: {  	[smem:$0x3FC6] =	sst s2  }
0x8f: {  	_ = 	snop  }
0x90: {  	s2 =	sld [smem:$0x3FC9]  }
0x91: {  	s18 =	sld [smem:$0x3FC8];
	(tm) =	ssettm $0x1  }
0x92: {  	s4 =	sld [smem:$0x3FFB];
	_ =	sdelay $0x3  }
0x93: {  	_ =	strace s4  }
0x94: {  	s4 =	sld [smem:$0x3FFC];
	_ =	sdelay $0x3  }
0x95: {  	_ =	strace s4  }
0x96: {  	s4 =	sld [smem:$0x3FFD];
	_ =	sdelay $0x3  }
0x97: {  	_ =	strace s4  }
0x98: {  	_ =	strace $0x8FFFFFFF  }
0x99: {  	s19 =	sld [smem:$0x3FDB];
	_ =	sdelay $0x1  }
0x9a: {  	s5 =	simm.s32 $_scs_section_size  }
0x9b: {  	s6 =	simm.s32 $_size__tile_overlayer_lowered;
	s7 =	simm.s32 $_tile_overlayer_lowered  }
0x9c: {  	s22 =	simm.s32 $0x1BFF;
	s21 =	sshll.u32 s7, $0x1;
	s4 =	sadd.s32 s5, s19  }
0x9d: {  	s8 =	simm.s32 $0x0;
	s20 =	sshll.u32 s6, $0x1;
	s6 =	sadd.s32 s21, s4  }
0x9e: {  	[timem:s8], [sflag:s22] =	dma.local [hbm:s6], s20  }
0x9f: {  	_ =	swait.ge [sflag:s22], s20  }
0xa0: {  	s5 =	ssub.s32 $0x0, s20;
	[sflag:s22] =	ssyncset.done $0x0  }
0xa1: {  	[sflag:s22] =	ssyncadd.s32 s5;
	_ =	sdelay $0x1  }
0xa2: {  	s23 =	simm.s32 $0x1B8B  }
0xa3: {  	_ =	swait.ge [sflag:s23], $0x1  }
0xa4: {  	[sflag:s23] =	ssyncset.done $0x0  }
0xa5: {  	s25 =	simm.s32 $0x1B8E;
	s24 =	sld [smem:$0x3FFE];
	[sflag:s23] =	ssyncadd.s32 $0xFFFFFFFF  }
0xa6: {  	s26 =	simm.s32 $execute0_lowered;
	[smem:$0x3FD2] =	sst s25  }
0xa7: {  	s6 =	sshll.u32 s26, $0x1;
	_ =	strace $0x80000046;
	[dreg:$0x1] =	wrdreg $0xFFFFFFFF  }
0xa8: {  	s28 =	simm.s32 $_size_execute0_lowered;
	s4 =	sadd.s32 s4, s6;
	[dreg:$0x0] =	wrdreg $0x0  }
0xa9: {  	s6 =	sshll.u32 s28, $0x1;
	[dreg:$0x2] =	wrdreg s4  }
0xaa: {  	[dreg:$0x3] =	wrdreg s6  }
0xab: {  	[dreg:$0x4] =	wrdreg $0xC0  }
0xac: {  	_ =	task [dreg:s8], $0x5FFFF  }
0xad: {  	[dreg:$0x1] =	wrdreg $0xFFFFFFFF  }
0xae: {  	[dreg:$0x0] =	wrdreg $0x60  }
0xaf: {  	[dreg:$0x2] =	wrdreg s2  }
0xb0: {  	[dreg:$0x3] =	wrdreg s24  }
0xb1: {  	[dreg:$0x4] =	wrdreg s18  }
0xb2: {  	[dreg:$0x5] =	wrdreg $0x9  }
0xb3: {  	_ =	task.clear_ibuf [dreg:s8], $0x6FFFF;
	_ =	strace $0x90000046  }
0xb4: {  	s29 =	simm.s32 $0x9;
	_ =	strace $0x80000048  }
0xb5: {  	_ =	swait.ge [sflag:s29], $0x1  }
0xb6: {  	[sflag:s29] =	ssyncadd.s32 $0xFFFFFFFF  }
0xb7: {  	_ =	strace $0x90000048  }
0xb8: {  	_ =	sfence  }
0xb9: {  	s30 =	sld [smem:$0x0];
	_ =	sdelay $0x2  }
0xba: {  	s31 =	sshll.u32 s1, $0xD;
	s1 =	sshrl.u32 s1, $0x2  }
0xbb: {  	s3 =	sand.u32 $0x4000, s31;
	s1 =	sadd.s32 s1, s30  }
0xbc: {  	s0 =	sor.u32 s3, s0;
	s1 =	sshll.u32 s1, $0x11  }
0xbd: {  	s0 =	sor.u32 s1, s0  }
0xbe: {  	s0 =	sadd.s32 $0x8F2B, s0  }
0xbf: {  	[sflag:s0] =	ssyncadd.remote.s32 $0x1  }
0xc0: {  	_ =	sfence.sel $0xFFFF  }
0xc1: {  	[dreg:$0x0] =	wrdreg $0xFFFFFFFF;
	(pc) =	sbr.abs _section_cstart, $3  }
0xc2: {  	[dreg:$0x1] =	wrdreg $0xFFFFFFFF  }
0xc3: {  	_ =	task.clear_ibuf [dreg:s8], $0x2FFFF;
	_ =	strace $0x9FFFFFFF  }
0xc4: {  	(tm) =	ssettm $0x7FFFFFFF  }
0xc5: {  	_ =	shalt  }
tec
execute0_lowered:
.L_overlay_start_1:
0x0: {  	(tag) =	ssettag $0x1  }
0x1: {  	s1 =	rddreg [dreg:$0x0]  }
0x2: {  	s2 =	srdreg.scid;
	s5 =	rddreg [dreg:$0x1]  }
0x3: {  	s0 =	stileid.u32;
	s6 =	rddreg [dreg:$0x2]  }
0x4: {  	s3 =	simm.s32 $0x0;
	s11 =	simm.s32 $0xC880;
	s12 =	simm.s32 $0x6400  }
0x5: {  	s13 =	simm.s32 $0x1;
	s4 =	sand.u32 $0x1, s2;
	s30 =	sshll.u32 s0, $0x1  }
0x6: {  	s14 =	simm.s32 $0x2;
	s15 =	simm.s32 $0xC900;
	s7 =	sor.u32 s4, s30  }
0x7: {  	s16 =	simm.s32 $0x0;
	[smem:$0x7FF] =	sst s3;
	s8 =	smul.u32 $0x50, s7  }
0x8: {  	_ =	strace $0x80000047;
	s9 =	ssub.s32 $0x2, s4;
	s7 =	sshll.u32 s7, $0x4  }
0x9: {  	v0 =	vimm.s32 $0x0;
	s31 =	sshrl.u32 s9, $0x1;
	s7 =	sadd.s32 s7, s5;
	s8 =	sshrl.u32 s8, $0x3  }
0xa: {  	v1 =	vimm.s32 $0x1;
	v2 =	vimm.s32 $0x2;
	v3 =	vimm.s32 $0x3;
	s7 =	sadd.s32 $0x800, s7;
	s4 =	sadd.s32 $0x2C0, s8;
	s8 =	ssub.s32 s9, s31  }
0xb: {  	v4 =	vimm.s32 $0x4;
	v5 =	vimm.s32 $0x5;
	v6 =	vimm.s32 $0x6;
	s9 =	simm.s32 $0xC800;
	s10 =	sadd.s32 s4, s5;
	s5 =	sadd.s32 s6, s4  }
0xc: {  	v7 =	vimm.s32 $0x7;
	v8 =	vlaneseq.u32;
	v9 =	vimm.f32 $1.000000000e+00;
	s8 =	smax.u32 s8, $0x1;
	s6 =	sadd.s32 $0x400, s10;
	s10 =	simm.s32 $0x3  }
.LBB2_1:
0xd: {  	[tilespmem:s9], [sflag:$0x3] =	stream.linear.gather [hbm4b:s5+s3], $0x50, $0x38;
	[tilespmem:$0xC980] =	vst v63  }
0xe: {  	_ =	swait.ge [sflag:s10], $0x50  }
0xf: {  	[sflag:s10] =	ssyncset.done $0x0  }
0x10: {  	[sflag:s10] =	ssyncadd.s32 $0xFFFFFFB0  }
0x11: {  	[tilespmem:s11], [sflag:$0x3] =	stream.linear.gather [hbm4b:s6+s3], $0x50, $0x38;
	[tilespmem:$0xC980] =	vst v63  }
0x12: {  	_ =	swait.ge [sflag:s10], $0x50  }
0x13: {  	[sflag:s10] =	ssyncset.done $0x0  }
0x14: {  	v10 =	vimm.f32 $0.0e+00;
	s17 =	simm.s32 $0x0;
	[sflag:s10] =	ssyncadd.s32 $0xFFFFFFB0  }
.LBB2_2:
0x15: {  	s18 =	sshll.u32 s17, $0x3  }
0x16: {  	v11 =	vld [tilespmem:s18+$0xC800]  }
0x17: {  	v21 =	vimm.f32 $0.0e+00;
	v22 =	vimm.f32 $0.0e+00;
	v33 =	vimm.f32 $0.0e+00  }
0x18: {  	v34 =	vimm.f32 $0.0e+00;
	v25 =	vimm.f32 $0.0e+00;
	v26 =	vimm.f32 $0.0e+00  }
0x19: {  	s19 =	sadd.s32 s4, s17;
	v27 =	vimm.f32 $0.0e+00;
	v30 =	vimm.f32 $0.0e+00;
	v23 =	vimm.f32 $0.0e+00  }
0x1a: {  	v24 =	vimm.f32 $0.0e+00;
	v35 =	vimm.f32 $0.0e+00;
	v36 =	vimm.f32 $0.0e+00;
	s20 =	smul.u32 $0x3E800, s19  }
0x1b: {  	v28 =	vimm.f32 $0.0e+00;
	v20 =	vperm.xlane v11, v0;
	v19 =	vperm.xlane v11, v1  }
0x1c: {  	s21 =	simm.s32 $0x0;
	v29 =	vimm.f32 $0.0e+00;
	s22 =	simm.s32 $0x0;
	s19 =	sshrl.u32 s20, $0x3;
	v18 =	vperm.xlane v11, v2;
	v17 =	vperm.xlane v11, v3  }
0x1d: {  	v31 =	vimm.f32 $0.0e+00;
	v12 =	vld [tilespmem:s18+$0xC880];
	s20 =	sadd.s32 $0xC800, s20;
	s18 =	sadd.s32 s1, s19;
	s19 =	simm.s32 $0x0;
	v16 =	vperm.xlane v11, v4;
	v15 =	vperm.xlane v11, v5  }
0x1e: {  	v32 =	vimm.f32 $0.0e+00;
	[tilespmem:s19], [sflag:$0x1] =	stream.linear.gather [hbm4b:s18+s19], $0x6400, $0x38;
	v14 =	vperm.xlane v11, v6;
	v13 =	vperm.xlane v11, v7;
	[tilespmem:$0xC980] =	vst v63  }
.LBB2_3:
0x1f: {  	s23 =	smul.u32 $0x1900, s22;
	_ =	sdelay $0x1  }
0x20: {  	s24 =	sadd.s32 $0x0, s21;
	s23 =	sadd.s32 s18, s23  }
0x21: {  	s25 =	sadd.s32 $0x50, s24;
	s26 =	sadd.s32 $0x60, s24;
	s23 =	sadd.s32 $0xC80, s23  }
0x22: {  	[tilespmem:s12], [sflag:$0x2] =	stream.linear.gather [hbm4b:s23+s19], $0x6400, $0x38;
	[tilespmem:$0xC980] =	vst v63  }
0x23: {  	v57 =	vimm.s32 $0x0;
	v43 =	vor.u32 s24, v8;
	s28 =	sadd.s32 $0x70, s24;
	s29 =	sadd.s32 $0x20, s24;
	_ =	swait.ge [sflag:s13], $0x6400  }
0x24: {  	s30 =	sadd.s32 $0x30, s24;
	s31 =	sadd.s32 $0x40, s24;
	v41 =	vor.u32 s25, v8;
	v42 =	vor.u32 s26, v8;
	v44 =	vor.u32 s28, v8;
	[sflag:s13] =	ssyncset.done $0x0  }
0x25: {  	s24 =	sadd.s32 $0x10, s24;
	v37 =	vor.u32 s29, v8;
	v39 =	vor.u32 s30, v8;
	v40 =	vor.u32 s31, v8;
	s23 =	simm.s32 $0x200;
	[sflag:s13] =	ssyncadd.s32 $0xFFFF9C00  }
0x26: {  	vm7 =	veq.s32 v43, v20;
	vm8 =	veq.s32 v43, v19;
	v38 =	vor.u32 s24, v8;
	v45 =	vld [tilespmem:s23+$0xFFFFFE00]  }
0x27: {  	vm6 =	veq.s32 v43, v18;
	vm5 =	veq.s32 v43, v17;
	vm15 =	veq.s32 v43, v16;
	v46 =	vld [tilespmem:s23+$0xFFFFFE80]  }
0x28: {  	vm0 =	veq.s32 v43, v15;
	vm13 =	veq.s32 v43, v14;
	vm12 =	veq.s32 v43, v13;
	v47 =	vld [tilespmem:s23+$0xFFFFFE10]  }
0x29: {  	vm14 =	veq.s32 v44, v20;
	vm9 =	veq.s32 v44, v19;
	vm4 =	veq.s32 v44, v18;
	v62 =	vld [tilespmem:s23+$0xFFFFFE90]  }
0x2a: {  	vm3 =	veq.s32 v44, v17;
	vm1 =	veq.s32 v44, v16;
	vm2 =	veq.s32 v44, v15;
	v48 =	vld [tilespmem:s23+$0xFFFFFE20]  }
0x2b: {  	vm11 =	veq.s32 v44, v14;
	vm10 =	veq.s32 v44, v13;
	v50 =	vld [tilespmem:s23+$0xFFFFFE30];
	v63 =	vnsel vm7, $0x0, v45  }
0x2c: {  	v49 =	vld [tilespmem:s23+$0xFFFFFEA0];
	vm7 =	veq.s32 v38, v20;
	v51 =	vnsel vm8, $0x0, v46;
	vm8 =	veq.s32 v38, v19  }
0x2d: {  	v53 =	vld [tilespmem:s23+$0xFFFFFEB0];
	v32 =	vadd.f32 v45, v32;
	v31 =	vadd.f32 v46, v31;
	v52 =	vnsel vm7, $0x0, v47  }
0x2e: {  	v56 =	vld [tilespmem:s23+$0xFFFFFE40];
	vm7 =	veq.s32 v37, v20;
	v54 =	vnsel vm8, $0x0, v62;
	vm8 =	veq.s32 v39, v20  }
0x2f: {  	v44 =	vld [tilespmem:s23+$0xFFFFFEC0];
	v30 =	vadd.f32 v63, v30;
	v27 =	vadd.f32 v51, v27;
	v55 =	vnsel vm7, $0x0, v48  }
0x30: {  	vm7 =	veq.s32 v37, v19;
	v59 =	vnsel vm8, $0x0, v50;
	vm8 =	veq.s32 v39, v19  }
0x31: {  	v43 =	vld [tilespmem:s23+$0xFFFFFE60];
	v32 =	vadd.f32 v47, v32;
	v31 =	vadd.f32 v62, v31;
	v58 =	vnsel vm7, $0x0, v49  }
0x32: {  	v51 =	vld [tilespmem:s23+$0xFFFFFF00];
	vm7 =	veq.s32 v40, v20;
	v60 =	vnsel vm8, $0x0, v53;
	vm8 =	veq.s32 v40, v19  }
0x33: {  	v47 =	vld [tilespmem:s23+$0xFFFFFE50];
	v30 =	vadd.f32 v52, v30;
	v27 =	vadd.f32 v54, v27;
	v61 =	vnsel vm7, $0x0, v56  }
0x34: {  	v52 =	vld [tilespmem:s23+$0xFFFFFED0];
	vm7 =	veq.s32 v42, v20;
	v32 =	vadd.f32 v48, v32;
	v62 =	vnsel vm8, $0x0, v44  }
0x35: {  	v54 =	vld [tilespmem:s23+$0xFFFFFF80];
	vm8 =	veq.s32 v41, v20;
	v31 =	vadd.f32 v49, v31;
	v30 =	vadd.f32 v55, v30  }
0x36: {  	v49 =	vld [tilespmem:s23+$0xFFFFFEE0];
	v27 =	vadd.f32 v58, v27;
	v63 =	vnsel vm7, $0x0, v43;
	v32 =	vadd.f32 v50, v32  }
0x37: {  	v45 =	vld [tilespmem:s23+$0xFFFFFE70];
	vm7 =	veq.s32 v42, v18;
	v31 =	vadd.f32 v53, v31;
	v29 =	vadd.f32 v51, v29  }
0x38: {  	v46 =	vld [tilespmem:s23+$0xFFFFFEF0];
	v55 =	vnsel vm8, $0x0, v47;
	vm8 =	veq.s32 v41, v19;
	v30 =	vadd.f32 v59, v30  }
0x39: {  	v27 =	vadd.f32 v60, v27;
	v50 =	vnsel vm8, $0x0, v52;
	vm8 =	veq.s32 v42, v19  }
0x3a: {  	v32 =	vadd.f32 v56, v32;
	v31 =	vadd.f32 v44, v31;
	v53 =	vnsel vm5, $0x0, v54  }
0x3b: {  	vm5 =	veq.s32 v37, v18;
	v28 =	vadd.f32 v54, v28;
	v60 =	vnsel vm8, $0x0, v49  }
0x3c: {  	vm8 =	veq.s32 v42, v17;
	v30 =	vadd.f32 v61, v30;
	v27 =	vadd.f32 v62, v27  }
0x3d: {  	v61 =	vnsel vm14, $0x0, v45;
	vm14 =	veq.s32 v42, v16;
	v62 =	vnsel vm9, $0x0, v46  }
0x3e: {  	v44 =	vld [tilespmem:s23+$0xFFFFFF10];
	vm9 =	veq.s32 v42, v15;
	v25 =	vadd.f32 v53, v25;
	v32 =	vadd.f32 v47, v32  }
0x3f: {  	v57 =	vsel vm9, $0xFFFFFFFF, v57;
	v31 =	vadd.f32 v52, v31;
	v30 =	vadd.f32 v55, v30  }
0x40: {  	v52 =	vld [tilespmem:s23+$0xFFFFFF90];
	v55 =	vnsel vm6, $0x0, v51;
	v27 =	vadd.f32 v50, v27;
	v32 =	vadd.f32 v43, v32  }
0x41: {  	vm9 =	veq.s32 v42, v14;
	v50 =	vld [tilespmem:s23+$0xFFFFFF20];
	v31 =	vadd.f32 v49, v31;
	v26 =	vadd.f32 v55, v26  }
0x42: {  	[tilespmem:$0x1FFC0] =	vst v57;
	vm6 =	veq.s32 v38, v18;
	v57 =	vld [tilespmem:s23+$0x0];
	v30 =	vadd.f32 v63, v30;
	v56 =	vadd.f32 v60, v27  }
0x43: {  	v43 =	vld [tilespmem:s23+$0xFFFFFFA0];
	v63 =	vnsel vm6, $0x0, v44;
	v29 =	vadd.f32 v44, v29;
	v27 =	vadd.f32 v45, v32  }
0x44: {  	v48 =	vld [tilespmem:s23+$0xFFFFFFB0];
	vm6 =	veq.s32 v38, v17;
	v31 =	vadd.f32 v46, v31;
	v26 =	vadd.f32 v63, v26  }
0x45: {  	v45 =	vld [tilespmem:s23+$0xFFFFFF30];
	v60 =	vnsel vm6, $0x0, v52;
	vm6 =	veq.s32 v37, v17;
	v30 =	vadd.f32 v61, v30  }
0x46: {  	v46 =	vld [tilespmem:s23+$0xFFFFFF40];
	v32 =	vadd.f32 v62, v56;
	v28 =	vadd.f32 v52, v28;
	v61 =	vnsel vm5, $0x0, v50  }
0x47: {  	v54 =	vld [tilespmem:s23+$0xFFFFFFC0];
	vm5 =	veq.s32 v40, v18;
	v25 =	vadd.f32 v60, v25;
	v29 =	vadd.f32 v50, v29  }
0x48: {  	v36 =	vadd.f32 v57, v36;
	v62 =	vnsel vm6, $0x0, v43;
	v26 =	vadd.f32 v61, v26  }
0x49: {  	v53 =	vld [tilespmem:s23+$0xFFFFFF50];
	vm6 =	veq.s32 v39, v18;
	v28 =	vadd.f32 v43, v28;
	v25 =	vadd.f32 v62, v25  }
0x4a: {  	v50 =	vld [tilespmem:s23+$0xFFFFFF60];
	v62 =	vimm.s32 $0x0;
	v55 =	vnsel vm6, $0x0, v45;
	vm6 =	veq.s32 v39, v17  }
0x4b: {  	v44 =	vld [tilespmem:s23+$0xFFFFFFD0];
	v52 =	vnsel vm5, $0x0, v46;
	vm5 =	veq.s32 v40, v17;
	v29 =	vadd.f32 v45, v29  }
0x4c: {  	v43 =	vld [tilespmem:s23+$0xFFFFFFE0];
	v28 =	vadd.f32 v48, v28;
	v63 =	vnsel vm6, $0x0, v48;
	v60 =	vnsel vm5, $0x0, v54  }
0x4d: {  	vm5 =	veq.s32 v41, v18;
	v26 =	vadd.f32 v55, v26;
	vm6 =	veq.s32 v41, v15  }
0x4e: {  	v61 =	vnsel vm5, $0x0, v53;
	vm5 =	veq.s32 v41, v17;
	v25 =	vadd.f32 v63, v25  }
0x4f: {  	v45 =	vld [tilespmem:s23+$0xFFFFFF70];
	v29 =	vadd.f32 v46, v29;
	v63 =	vnsel vm7, $0x0, v50;
	v28 =	vadd.f32 v54, v28  }
0x50: {  	vm7 =	veq.s32 v38, v16;
	v51 =	vnsel vm5, $0x0, v44;
	vm5 =	veq.s32 v42, v13  }
0x51: {  	v26 =	vadd.f32 v52, v26;
	v58 =	vnsel vm8, $0x0, v43;
	v42 =	vsel vm5, $0xFFFFFFFF, v62  }
0x52: {  	vm8 =	veq.s32 v40, v14;
	v25 =	vadd.f32 v60, v25;
	v29 =	vadd.f32 v53, v29;
	[tilespmem:$0x1FFD0] =	vst v42;
	v42 =	vld [tilespmem:s23+$0xFFFFFFF0]  }
0x53: {  	vm5 =	veq.s32 v41, v16;
	v60 =	vld [tilespmem:s23+$0x80];
	v28 =	vadd.f32 v44, v28;
	v26 =	vadd.f32 v61, v26  }
0x54: {  	v59 =	vnsel vm4, $0x0, v45;
	v25 =	vadd.f32 v51, v25;
	v29 =	vadd.f32 v50, v29  }
0x55: {  	vm4 =	veq.s32 v41, v14;
	v61 =	vld [tilespmem:s23+$0x10];
	v43 =	vadd.f32 v43, v28;
	v26 =	vadd.f32 v63, v26  }
0x56: {  	v50 =	vld [tilespmem:s23+$0x20];
	v63 =	vnsel vm15, $0x0, v57;
	vm15 =	veq.s32 v37, v14;
	v49 =	vadd.f32 v58, v25  }
0x57: {  	v25 =	vadd.f32 v45, v29;
	v62 =	vnsel vm3, $0x0, v42;
	vm3 =	veq.s32 v41, v13;
	v41 =	vld [tilespmem:s23+$0x90]  }
0x58: {  	v34 =	vadd.f32 v63, v34;
	v54 =	vnsel vm0, $0x0, v60;
	v29 =	vadd.f32 v42, v43;
	v42 =	vld [tilespmem:s23+$0x30]  }
0x59: {  	v55 =	vld [tilespmem:s23+$0xA0];
	vm0 =	veq.s32 v38, v15;
	v28 =	vadd.f32 v59, v26;
	v35 =	vadd.f32 v60, v35  }
0x5a: {  	v58 =	vld [tilespmem:s23+$0xB0];
	v56 =	vnsel vm7, $0x0, v61;
	v33 =	vadd.f32 v54, v33;
	v36 =	vadd.f32 v61, v36  }
0x5b: {  	v52 =	vld [tilespmem:s23+$0x50];
	vm7 =	veq.s32 v39, v16;
	v26 =	vadd.f32 v62, v49;
	v34 =	vadd.f32 v56, v34  }
0x5c: {  	v61 =	vld [tilespmem:s23+$0xC0];
	v36 =	vadd.f32 v50, v36;
	v57 =	vnsel vm0, $0x0, v41;
	vm0 =	veq.s32 v37, v16  }
0x5d: {  	v60 =	vld [tilespmem:s23+$0x40];
	v35 =	vadd.f32 v41, v35;
	v63 =	vnsel vm7, $0x0, v42;
	vm7 =	veq.s32 v39, v15  }
0x5e: {  	v54 =	vld [tilespmem:s23+$0xD0];
	v36 =	vadd.f32 v42, v36;
	v59 =	vnsel vm0, $0x0, v50;
	vm0 =	veq.s32 v37, v15  }
0x5f: {  	v33 =	vadd.f32 v57, v33;
	v53 =	vnsel vm7, $0x0, v58;
	vm7 =	veq.s32 v40, v15  }
0x60: {  	v62 =	vnsel vm0, $0x0, v55;
	vm0 =	veq.s32 v40, v16;
	v34 =	vadd.f32 v59, v34  }
0x61: {  	v35 =	vadd.f32 v55, v35;
	v56 =	vnsel vm7, $0x0, v61;
	vm7 =	veq.s32 v40, v13  }
0x62: {  	v59 =	vnsel vm5, $0x0, v52;
	vm5 =	veq.s32 v39, v14;
	v44 =	vadd.f32 v62, v33;
	v33 =	vld [tilespmem:s23+$0x60]  }
0x63: {  	v45 =	vadd.f32 v60, v36;
	v55 =	vnsel vm0, $0x0, v60;
	v60 =	vnsel vm6, $0x0, v54  }
0x64: {  	vm6 =	veq.s32 v39, v13;
	vm0 =	veq.s32 v38, v14;
	v57 =	vadd.f32 v63, v34  }
0x65: {  	v62 =	vimm.s32 $0x0;
	v35 =	vadd.f32 v58, v35;
	v58 =	vadd.f32 v53, v44  }
0x66: {  	v36 =	vld [tilespmem:s23+$0x70];
	v41 =	vadd.f32 v52, v45;
	v63 =	vimm.s32 $0x0;
	v40 =	vadd.f32 v55, v57  }
0x67: {  	v39 =	vld [tilespmem:s23+$0x180];
	v61 =	vadd.f32 v61, v35;
	v49 =	vadd.f32 v56, v58;
	v45 =	vnsel vm14, $0x0, v33  }
0x68: {  	v34 =	vld [tilespmem:s23+$0xE0];
	vm14 =	veq.s32 v37, v13;
	v37 =	vsel vm0, $0xFFFFFFFF, v62;
	vm0 =	veq.s32 v38, v13  }
0x69: {  	v35 =	vld [tilespmem:s23+$0xF0];
	v42 =	vadd.f32 v59, v40;
	[tilespmem:$0x1FFE0] =	vst v37;
	v37 =	vsel vm0, $0xFFFFFFFF, v63  }
0x6a: {  	s24 =	simm.s32 $0x80;
	v43 =	vadd.f32 v54, v61;
	v40 =	vld [tilespmem:s23+$0x100];
	v44 =	vadd.f32 v60, v49;
	[tilespmem:$0x1FFF0] =	vst v37  }
.LBB2_4:
0x6b: {  	v37 =	vld [tilespmem:s23+$0x110]  }
0x6c: {  	v61 =	vld [tilespmem:$0x1FFC0]  }
0x6d: {  	v62 =	vld [tilespmem:s23+$0x190]  }
0x6e: {  	v48 =	vld [tilespmem:s23+$0x120];
	s25 =	sadd.s32 s24, s21  }
0x6f: {  	v38 =	vadd.f32 v45, v42;
	v51 =	vld [tilespmem:s23+$0x1A0];
	v33 =	vadd.f32 v33, v41;
	s31 =	sadd.s32 $0x30, s25  }
0x70: {  	v55 =	vld [tilespmem:s23+$0x1B0];
	v42 =	vor.u32 s31, v8;
	v43 =	vadd.f32 v34, v43;
	v63 =	vnsel vm1, $0x0, v36  }
0x71: {  	v57 =	vld [tilespmem:s23+$0x140];
	v33 =	vadd.f32 v36, v33;
	v49 =	vnsel vm2, $0x0, v35;
	v50 =	vnsel vm13, $0x0, v40  }
0x72: {  	v54 =	vld [tilespmem:$0x1FFE0];
	s28 =	sadd.s32 $0x60, s25;
	s29 =	sadd.s32 $0x70, s25;
	v24 =	vadd.f32 v40, v24;
	v52 =	vnsel vm12, $0x0, v39;
	v23 =	vadd.f32 v39, v23  }
0x73: {  	v46 =	vld [tilespmem:s23+$0x160];
	v39 =	vor.u32 s28, v8;
	v40 =	vor.u32 s29, v8;
	vm2 =	veq.s32 v42, v18  }
0x74: {  	vm0 =	vnez.u8 v61;
	v22 =	vadd.f32 v50, v22;
	v21 =	vadd.f32 v52, v21  }
0x75: {  	v56 =	vld [tilespmem:$0x1FFF0];
	v58 =	vnsel vm15, $0x0, v48;
	v60 =	vnsel vm14, $0x0, v51;
	v45 =	vnsel vm6, $0x0, v55  }
0x76: {  	v47 =	vnsel vm8, $0x0, v57;
	vm6 =	veq.s32 v42, v13;
	v41 =	vnsel vm0, $0x0, v34  }
0x77: {  	v53 =	vld [tilespmem:s23+$0x130];
	v34 =	vadd.f32 v63, v38;
	v35 =	vadd.f32 v35, v43;
	vm0 =	vnez.u8 v54  }
0x78: {  	v59 =	vld [tilespmem:s23+$0x1C0];
	s2 =	sadd.s32 $0x40, s25;
	v24 =	vadd.f32 v37, v24;
	v23 =	vadd.f32 v62, v23;
	v54 =	vnsel vm9, $0x0, v46  }
0x79: {  	v61 =	vld [tilespmem:s23+$0x150];
	v43 =	vor.u32 s2, v8;
	vm9 =	veq.s32 v39, v14;
	v41 =	vadd.f32 v41, v44  }
0x7a: {  	v50 =	vld [tilespmem:s23+$0x170];
	v38 =	vnsel vm0, $0x0, v37;
	vm0 =	vnez.u8 v56;
	vm1 =	veq.s32 v43, v14  }
0x7b: {  	v22 =	vadd.f32 v38, v22;
	v37 =	vnsel vm0, $0x0, v62;
	v24 =	vadd.f32 v48, v24  }
0x7c: {  	v23 =	vadd.f32 v51, v23;
	v62 =	vnsel vm5, $0x0, v53;
	vm5 =	veq.s32 v42, v14  }
0x7d: {  	s30 =	sadd.s32 $0x20, s25;
	v63 =	vld [tilespmem:s23+$0x1D0];
	v36 =	vadd.f32 v49, v41;
	v21 =	vadd.f32 v37, v21;
	v49 =	vnsel vm7, $0x0, v59  }
0x7e: {  	v41 =	vor.u32 s30, v8;
	v22 =	vadd.f32 v58, v22;
	v24 =	vadd.f32 v53, v24  }
0x7f: {  	v52 =	vld [tilespmem:s23+$0x1F0];
	v23 =	vadd.f32 v55, v23;
	v51 =	vnsel vm4, $0x0, v61;
	v56 =	vnsel vm11, $0x0, v50  }
0x80: {  	v58 =	vor.u32 s25, v8;
	vm11 =	veq.s32 v42, v19;
	vm13 =	veq.s32 v41, v20  }
0x81: {  	vm7 =	veq.s32 v41, v18;
	vm15 =	veq.s32 v41, v14;
	vm14 =	veq.s32 v41, v13  }
0x82: {  	v21 =	vadd.f32 v60, v21;
	v53 =	vnsel vm3, $0x0, v63;
	v22 =	vadd.f32 v62, v22  }
0x83: {  	v55 =	vld [tilespmem:$0x1FFD0];
	v60 =	vimm.s32 $0x0;
	v24 =	vadd.f32 v57, v24;
	v23 =	vadd.f32 v59, v23  }
0x84: {  	v48 =	vld [tilespmem:s23+$0x1E0];
	v57 =	vnsel vm10, $0x0, v52;
	v59 =	vimm.s32 $0x0;
	v62 =	vimm.s32 $0x0  }
0x85: {  	vm10 =	veq.s32 v42, v20;
	v21 =	vadd.f32 v45, v21;
	v22 =	vadd.f32 v47, v22  }
0x86: {  	v24 =	vadd.f32 v61, v24;
	v23 =	vadd.f32 v63, v23;
	v61 =	vimm.s32 $0x0  }
0x87: {  	v63 =	vimm.s32 $0x0;
	v47 =	vimm.s32 $0x0;
	v21 =	vadd.f32 v49, v21  }
0x88: {  	vm0 =	vnez.u8 v55;
	v49 =	vimm.s32 $0x0;
	v55 =	vimm.s32 $0x0  }
0x89: {  	v22 =	vadd.f32 v51, v22;
	v24 =	vadd.f32 v46, v24;
	v37 =	vnsel vm0, $0x0, v48  }
0x8a: {  	v23 =	vadd.f32 v48, v23;
	vm0 =	veq.s32 v58, v20;
	v48 =	vimm.s32 $0x0  }
0x8b: {  	v51 =	vimm.s32 $0x0;
	v46 =	vimm.s32 $0x0;
	v21 =	vadd.f32 v53, v21  }
0x8c: {  	v44 =	vsel vm0, $0xFFFFFFFF, v59;
	vm0 =	veq.s32 v58, v19;
	v53 =	vimm.s32 $0x0  }
0x8d: {  	v59 =	vimm.s32 $0x0;
	v22 =	vadd.f32 v54, v22;
	v24 =	vadd.f32 v50, v24  }
0x8e: {  	v23 =	vadd.f32 v52, v23;
	[tilespmem:$0x1FCF0] =	vst v44;
	v44 =	vsel vm0, $0xFFFFFFFF, v60;
	vm0 =	veq.s32 v58, v18  }
0x8f: {  	s26 =	sadd.s32 $0x50, s25;
	v50 =	vimm.s32 $0x0;
	v52 =	vimm.s32 $0x0;
	v54 =	vimm.s32 $0x0  }
0x90: {  	s25 =	sadd.s32 $0x10, s25;
	v60 =	vimm.s32 $0x0;
	v21 =	vadd.f32 v37, v21;
	v37 =	vor.u32 s26, v8  }
0x91: {  	[tilespmem:$0x1FD00] =	vst v44;
	v44 =	vor.u32 s25, v8;
	v45 =	vsel vm0, $0xFFFFFFFF, v61;
	vm0 =	veq.s32 v58, v17  }
0x92: {  	v61 =	vimm.s32 $0x0;
	v22 =	vadd.f32 v56, v22;
	[tilespmem:$0x1FDE0] =	vst v45;
	v45 =	vsel vm0, $0xFFFFFFFF, v62  }
0x93: {  	vm0 =	veq.s32 v58, v16;
	v56 =	vimm.s32 $0x0;
	v62 =	vimm.s32 $0x0  }
0x94: {  	vm4 =	veq.s32 v37, v14;
	[tilespmem:$0x1FDF0] =	vst v45;
	v45 =	vsel vm0, $0xFFFFFFFF, v63;
	vm0 =	veq.s32 v58, v15  }
0x95: {  	vm3 =	veq.s32 v37, v13;
	[tilespmem:$0x1FEF0] =	vst v45;
	v45 =	vsel vm0, $0xFFFFFFFF, v48;
	vm0 =	veq.s32 v58, v14  }
0x96: {  	vm8 =	veq.s32 v44, v19;
	[tilespmem:$0x1FF00] =	vst v45;
	v45 =	vsel vm0, $0xFFFFFFFF, v49;
	vm0 =	veq.s32 v58, v13  }
0x97: {  	vm12 =	veq.s32 v44, v18;
	[tilespmem:$0x1FD10] =	vst v45;
	v38 =	vsel vm0, $0xFFFFFFFF, v50;
	vm0 =	veq.s32 v40, v20  }
0x98: {  	v21 =	vadd.f32 v57, v21;
	[tilespmem:$0x1FD40] =	vst v38;
	v38 =	vsel vm0, $0xFFFFFFFF, v51;
	vm0 =	veq.s32 v40, v19  }
0x99: {  	v57 =	vimm.s32 $0x0;
	[tilespmem:$0x1FDC0] =	vst v38;
	v38 =	vsel vm0, $0xFFFFFFFF, v52;
	vm0 =	veq.s32 v40, v18  }
0x9a: {  	v63 =	vimm.s32 $0x0;
	[tilespmem:$0x1FDD0] =	vst v38;
	v38 =	vsel vm0, $0xFFFFFFFF, v53;
	vm0 =	veq.s32 v40, v17  }
0x9b: {  	v48 =	vimm.s32 $0x0;
	[tilespmem:$0x1FED0] =	vst v38;
	v38 =	vsel vm0, $0xFFFFFFFF, v54;
	vm0 =	veq.s32 v40, v16  }
0x9c: {  	v58 =	vimm.s32 $0x0;
	[tilespmem:$0x1FEE0] =	vst v38;
	v38 =	vsel vm0, $0xFFFFFFFF, v55;
	vm0 =	veq.s32 v40, v15  }
0x9d: {  	v49 =	vimm.s32 $0x0;
	[tilespmem:$0x1FD70] =	vst v38;
	v38 =	vsel vm0, $0xFFFFFFFF, v56;
	vm0 =	veq.s32 v39, v20  }
0x9e: {  	v45 =	vimm.s32 $0x0;
	[tilespmem:$0x1FD90] =	vst v38;
	v38 =	vsel vm0, $0xFFFFFFFF, v57;
	vm0 =	veq.s32 v40, v14  }
0x9f: {  	v50 =	vimm.s32 $0x0;
	[tilespmem:$0x1FDA0] =	vst v38;
	v38 =	vsel vm0, $0xFFFFFFFF, v58;
	vm0 =	veq.s32 v40, v13  }
0xa0: {  	v51 =	vimm.s32 $0x0;
	[tilespmem:$0x1FE20] =	vst v38;
	v38 =	vsel vm0, $0xFFFFFFFF, v59;
	vm0 =	veq.s32 v39, v19  }
0xa1: {  	v52 =	vimm.s32 $0x0;
	[tilespmem:$0x1FD20] =	vst v38;
	v38 =	vsel vm0, $0xFFFFFFFF, v60;
	vm0 =	veq.s32 v39, v18  }
0xa2: {  	v53 =	vimm.s32 $0x0;
	[tilespmem:$0x1FDB0] =	vst v38;
	v38 =	vsel vm0, $0xFFFFFFFF, v61;
	vm0 =	veq.s32 v39, v17  }
0xa3: {  	v54 =	vimm.s32 $0x0;
	[tilespmem:$0x1FEB0] =	vst v38;
	v38 =	vsel vm0, $0xFFFFFFFF, v62;
	vm0 =	veq.s32 v39, v16  }
0xa4: {  	v40 =	vimm.s32 $0x0;
	[tilespmem:$0x1FEC0] =	vst v38;
	v38 =	vsel vm0, $0xFFFFFFFF, v63;
	vm0 =	veq.s32 v39, v15  }
0xa5: {  	v55 =	vimm.s32 $0x0;
	[tilespmem:$0x1FFB0] =	vst v38;
	v38 =	vsel vm0, $0xFFFFFFFF, v40;
	vm0 =	veq.s32 v37, v20  }
0xa6: {  	v56 =	vimm.s32 $0x0;
	[tilespmem:$0x1FFC0] =	vst v38;
	v38 =	vsel vm0, $0xFFFFFFFF, v45;
	vm0 =	veq.s32 v37, v19  }
0xa7: {  	v57 =	vimm.s32 $0x0;
	[tilespmem:$0x1FD60] =	vst v38;
	v38 =	vsel vm0, $0xFFFFFFFF, v46;
	vm0 =	veq.s32 v39, v13  }
0xa8: {  	s23 =	sadd.s32 $0x400, s23;
	v58 =	vimm.s32 $0x0;
	[tilespmem:$0x1FD80] =	vst v38;
	v38 =	vsel vm0, $0xFFFFFFFF, v47;
	vm0 =	veq.s32 v37, v18  }
0xa9: {  	v59 =	vimm.s32 $0x0;
	v62 =	vld [tilespmem:s23+$0xFFFFFE00];
	[tilespmem:$0x1FFD0] =	vst v38;
	v38 =	vsel vm0, $0xFFFFFFFF, v48;
	vm0 =	veq.s32 v37, v17  }
0xaa: {  	v60 =	vimm.s32 $0x0;
	v63 =	vld [tilespmem:s23+$0xFFFFFE80];
	[tilespmem:$0x1FE90] =	vst v38;
	v38 =	vsel vm0, $0xFFFFFFFF, v49;
	vm0 =	veq.s32 v37, v16  }
0xab: {  	v61 =	vimm.s32 $0x0;
	[tilespmem:$0x1FEA0] =	vst v38;
	v38 =	vsel vm0, $0xFFFFFFFF, v50;
	vm0 =	veq.s32 v37, v15  }
0xac: {  	v45 =	vimm.s32 $0x0;
	[tilespmem:$0x1FF90] =	vst v38;
	v38 =	vsel vm0, $0xFFFFFFFF, v51;
	vm0 =	veq.s32 v43, v20  }
0xad: {  	v46 =	vld [tilespmem:s23+$0xFFFFFE10];
	v47 =	vimm.s32 $0x0;
	v37 =	vsel vm0, $0xFFFFFFFF, v52;
	vm0 =	veq.s32 v43, v19  }
0xae: {  	v27 =	vadd.f32 v62, v27;
	[tilespmem:$0x1FD30] =	vst v37;
	v37 =	vsel vm0, $0xFFFFFFFF, v53;
	vm0 =	veq.s32 v43, v18  }
0xaf: {  	v31 =	vadd.f32 v63, v31;
	[tilespmem:$0x1FD50] =	vst v37;
	v37 =	vsel vm0, $0xFFFFFFFF, v54;
	vm0 =	veq.s32 v43, v17  }
0xb0: {  	v49 =	vimm.s32 $0x0;
	[tilespmem:$0x1FE70] =	vst v37;
	v37 =	vsel vm0, $0xFFFFFFFF, v55;
	vm0 =	veq.s32 v43, v16  }
0xb1: {  	v48 =	vld [tilespmem:s23+$0xFFFFFE90];
	v50 =	vimm.s32 $0x0;
	[tilespmem:$0x1FE80] =	vst v37;
	v37 =	vsel vm0, $0xFFFFFFFF, v56;
	vm0 =	veq.s32 v43, v15  }
0xb2: {  	v51 =	vimm.s32 $0x0;
	v27 =	vadd.f32 v46, v27;
	v53 =	vld [tilespmem:s23+$0xFFFFFE20];
	[tilespmem:$0x1FF70] =	vst v37;
	v37 =	vsel vm0, $0xFFFFFFFF, v57  }
0xb3: {  	v54 =	vld [tilespmem:$0x1FCF0];
	vm0 =	veq.s32 v43, v13;
	[tilespmem:$0x1FF80] =	vst v37;
	v37 =	vsel vm2, $0xFFFFFFFF, v58;
	vm2 =	veq.s32 v42, v17  }
0xb4: {  	v43 =	vimm.s32 $0x0;
	v57 =	vld [tilespmem:s23+$0xFFFFFEA0];
	[tilespmem:$0x1FE50] =	vst v37;
	v37 =	vsel vm2, $0xFFFFFFFF, v59;
	vm2 =	veq.s32 v42, v16  }
0xb5: {  	v58 =	vld [tilespmem:$0x1FD00];
	[tilespmem:$0x1FE60] =	vst v37;
	v37 =	vsel vm2, $0xFFFFFFFF, v60;
	vm2 =	veq.s32 v42, v15;
	v42 =	vimm.s32 $0x0  }
0xb6: {  	v59 =	vld [tilespmem:s23+$0xFFFFFE30];
	[tilespmem:$0x1FF50] =	vst v37;
	v37 =	vsel vm2, $0xFFFFFFFF, v61;
	v39 =	vsel vm7, $0xFFFFFFFF, v42;
	vm7 =	veq.s32 v41, v17  }
0xb7: {  	vm2 =	veq.s32 v41, v19;
	v61 =	vld [tilespmem:s23+$0xFFFFFEB0];
	[tilespmem:$0x1FE30] =	vst v39;
	v39 =	vsel vm7, $0xFFFFFFFF, v43;
	vm7 =	veq.s32 v41, v16  }
0xb8: {  	[tilespmem:$0x1FE40] =	vst v39;
	v39 =	vsel vm7, $0xFFFFFFFF, v45;
	vm7 =	veq.s32 v41, v15;
	v41 =	vsel vm12, $0xFFFFFFFF, v49;
	v49 =	vld [tilespmem:s23+$0xFFFFFE50]  }
0xb9: {  	v31 =	vadd.f32 v48, v31;
	v27 =	vadd.f32 v53, v27;
	v45 =	vnsel vm13, $0x0, v53;
	v53 =	vld [tilespmem:$0x1FD20]  }
0xba: {  	vm12 =	veq.s32 v44, v17;
	v40 =	vsel vm7, $0xFFFFFFFF, v47;
	vm7 =	veq.s32 v44, v20;
	v47 =	vld [tilespmem:s23+$0xFFFFFEC0]  }
0xbb: {  	[tilespmem:$0x1FE00] =	vst v41;
	v41 =	vsel vm12, $0xFFFFFFFF, v50;
	v50 =	vnsel vm10, $0x0, v59;
	v27 =	vadd.f32 v59, v27;
	v59 =	vld [tilespmem:s23+$0xFFFFFE70]  }
0xbc: {  	v52 =	vimm.s32 $0x0;
	vm12 =	veq.s32 v44, v16;
	v60 =	vnsel vm7, $0x0, v46;
	v46 =	vld [tilespmem:$0x1FD10]  }
0xbd: {  	v31 =	vadd.f32 v57, v31;
	[tilespmem:$0x1FE10] =	vst v41;
	v41 =	vsel vm12, $0xFFFFFFFF, v51;
	vm12 =	veq.s32 v44, v15;
	v51 =	vld [tilespmem:s23+$0xFFFFFED0]  }
0xbe: {  	v55 =	vimm.s32 $0x0;
	[tilespmem:$0x1FF10] =	vst v41;
	v41 =	vsel vm12, $0xFFFFFFFF, v52;
	vm12 =	vnez.u8 v54;
	v54 =	vld [tilespmem:s23+$0xFFFFFE60]  }
0xbf: {  	v52 =	vnsel vm11, $0x0, v61;
	v31 =	vadd.f32 v61, v31;
	v61 =	vld [tilespmem:$0x1FD70];
	v42 =	vnsel vm12, $0x0, v62  }
0xc0: {  	vm12 =	veq.s32 v44, v14;
	v62 =	vnsel vm8, $0x0, v48;
	v48 =	vnsel vm2, $0x0, v57;
	v57 =	vld [tilespmem:s23+$0xFFFFFEE0]  }
0xc1: {  	v43 =	vsel vm12, $0xFFFFFFFF, v55;
	v55 =	vld [tilespmem:$0x1FD30]  }
0xc2: {  	vm10 =	vnez.u8 v53;
	v53 =	vld [tilespmem:$0x1FDB0]  }
0xc3: {  	v56 =	vimm.s32 $0x0;
	vm12 =	veq.s32 v44, v13;
	v44 =	vld [tilespmem:$0x1FE20]  }
0xc4: {  	[tilespmem:$0x1FFE0] =	vst v43;
	v43 =	vsel vm12, $0xFFFFFFFF, v56;
	v56 =	vld [tilespmem:$0x1FD40]  }
0xc5: {  	v30 =	vadd.f32 v42, v30;
	vm12 =	vnez.u8 v58;
	v58 =	vld [tilespmem:$0x1FD50]  }
0xc6: {  	[tilespmem:$0x1FF60] =	vst v37;
	v37 =	vnsel vm12, $0x0, v63;
	v63 =	vld [tilespmem:s23+$0xFFFFFE40]  }
0xc7: {  	v30 =	vadd.f32 v60, v30;
	v60 =	vld [tilespmem:$0x1FD60];
	v32 =	vadd.f32 v37, v32  }
0xc8: {  	[tilespmem:$0x1FFF0] =	vst v43;
	v43 =	vld [tilespmem:$0x1FE10]  }
0xc9: {  	vm13 =	vnez.u8 v46;
	v46 =	vld [tilespmem:s23+$0xFFFFFF40];
	v32 =	vadd.f32 v62, v32  }
0xca: {  	vm8 =	vmmov vm1;
	vm1 =	vnez.u8 v61;
	v61 =	vld [tilespmem:s23+$0xFFFFFF30]  }
0xcb: {  	v30 =	vadd.f32 v45, v30;
	v32 =	vadd.f32 v48, v32;
	v48 =	vld [tilespmem:$0x1FD80]  }
0xcc: {  	vm7 =	vmmov vm0;
	v31 =	vadd.f32 v47, v31;
	vm0 =	vnez.u8 v55;
	v62 =	vld [tilespmem:s23+$0xFFFFFEF0]  }
0xcd: {  	v55 =	vld [tilespmem:$0x1FDC0];
	v30 =	vadd.f32 v50, v30;
	vm12 =	vnez.u8 v56;
	v37 =	vnsel vm0, $0x0, v63  }
0xce: {  	v50 =	vld [tilespmem:s23+$0xFFFFFF80];
	v27 =	vadd.f32 v63, v27;
	vm0 =	vnez.u8 v58;
	v32 =	vadd.f32 v52, v32  }
0xcf: {  	v56 =	vld [tilespmem:s23+$0xFFFFFF20];
	v30 =	vadd.f32 v37, v30;
	v37 =	vnsel vm0, $0x0, v47;
	vm0 =	vnez.u8 v60  }
0xd0: {  	v63 =	vld [tilespmem:s23+$0xFFFFFF00];
	v32 =	vadd.f32 v37, v32;
	v37 =	vnsel vm0, $0x0, v49;
	vm0 =	vnez.u8 v48  }
0xd1: {  	v31 =	vadd.f32 v51, v31;
	v30 =	vadd.f32 v37, v30;
	v37 =	vnsel vm0, $0x0, v51;
	v51 =	vld [tilespmem:$0x1FDA0]  }
0xd2: {  	v58 =	vld [tilespmem:$0x1FDE0]  }
0xd3: {  	v60 =	vld [tilespmem:$0x1FDF0]  }
0xd4: {  	v27 =	vadd.f32 v49, v27;
	v49 =	vld [tilespmem:$0x1FD90]  }
0xd5: {  	v47 =	vld [tilespmem:$0x1FE30]  }
0xd6: {  	v52 =	vld [tilespmem:s23+$0xFFFFFF10];
	vm0 =	vnez.u8 v51  }
0xd7: {  	v48 =	vld [tilespmem:s23+$0xFFFFFFC0];
	v32 =	vadd.f32 v37, v32;
	v37 =	vnsel vm0, $0x0, v54;
	vm0 =	vnez.u8 v53  }
0xd8: {  	v31 =	vadd.f32 v57, v31;
	v30 =	vadd.f32 v37, v30;
	v37 =	vnsel vm0, $0x0, v57;
	v57 =	vld [tilespmem:$0x1FDD0]  }
0xd9: {  	vm2 =	vnez.u8 v49;
	v49 =	vld [tilespmem:$0x1FE40]  }
0xda: {  	v27 =	vadd.f32 v54, v27;
	v25 =	vadd.f32 v63, v25;
	v51 =	vld [tilespmem:$0x1FE50]  }
0xdb: {  	v31 =	vadd.f32 v62, v31;
	v54 =	vld [tilespmem:s23+$0xFFFFFF90]  }
0xdc: {  	v27 =	vadd.f32 v59, v27;
	v25 =	vadd.f32 v52, v25;
	v53 =	vld [tilespmem:$0x1FE60];
	vm0 =	vnez.u8 v55  }
0xdd: {  	v32 =	vadd.f32 v37, v32;
	v37 =	vnsel vm0, $0x0, v59;
	v59 =	vld [tilespmem:s23+$0xFFFFFFA0];
	vm0 =	vnez.u8 v57  }
0xde: {  	v29 =	vadd.f32 v50, v29;
	v30 =	vadd.f32 v37, v30;
	v37 =	vnsel vm0, $0x0, v62;
	v62 =	vld [tilespmem:$0x1FE00]  }
0xdf: {  	v25 =	vadd.f32 v56, v25;
	v55 =	vld [tilespmem:$0x1FE70];
	vm0 =	vnez.u8 v58  }
0xe0: {  	[tilespmem:$0x1FF30] =	vst v39;
	v29 =	vadd.f32 v54, v29;
	v39 =	vnsel vm0, $0x0, v63;
	v63 =	vld [tilespmem:s23+$0xFFFFFFB0]  }
0xe1: {  	v25 =	vadd.f32 v61, v25;
	v57 =	vld [tilespmem:$0x1FE80]  }
0xe2: {  	v29 =	vadd.f32 v59, v29;
	v58 =	vld [tilespmem:s23+$0xFFFFFF70];
	v32 =	vadd.f32 v37, v32;
	vm0 =	vnez.u8 v60  }
0xe3: {  	v60 =	vld [tilespmem:s23+$0xFFFFFFF0];
	v28 =	vadd.f32 v39, v28;
	v37 =	vnsel vm0, $0x0, v50;
	vm0 =	vnez.u8 v62  }
0xe4: {  	v50 =	vld [tilespmem:s23+$0xFFFFFF50];
	v26 =	vadd.f32 v37, v26;
	v37 =	vnsel vm0, $0x0, v52;
	vm0 =	vnez.u8 v43  }
0xe5: {  	v62 =	vld [tilespmem:$0x1FEA0];
	v29 =	vadd.f32 v63, v29;
	v28 =	vadd.f32 v37, v28;
	v37 =	vnsel vm0, $0x0, v54  }
0xe6: {  	v25 =	vadd.f32 v46, v25;
	v52 =	vld [tilespmem:s23+$0xFFFFFFD0];
	vm0 =	vnez.u8 v47;
	v26 =	vadd.f32 v37, v26  }
0xe7: {  	v54 =	vld [tilespmem:s23+$0xFFFFFF60];
	v37 =	vnsel vm0, $0x0, v56;
	vm0 =	vnez.u8 v49;
	v29 =	vadd.f32 v48, v29  }
0xe8: {  	v56 =	vld [tilespmem:s23+$0xFFFFFFE0];
	v28 =	vadd.f32 v37, v28;
	v37 =	vnsel vm0, $0x0, v59;
	vm0 =	vnez.u8 v51  }
0xe9: {  	v59 =	vld [tilespmem:$0x1FE90];
	v26 =	vadd.f32 v37, v26;
	v37 =	vnsel vm0, $0x0, v61;
	vm0 =	vnez.u8 v53  }
0xea: {  	v25 =	vadd.f32 v50, v25;
	v47 =	vld [tilespmem:$0x1FEB0];
	v28 =	vadd.f32 v37, v28;
	v37 =	vnsel vm0, $0x0, v63  }
0xeb: {  	v49 =	vld [tilespmem:$0x1FEC0];
	vm0 =	vnez.u8 v55;
	v29 =	vadd.f32 v52, v29;
	v26 =	vadd.f32 v37, v26  }
0xec: {  	v51 =	vld [tilespmem:$0x1FED0];
	v37 =	vnsel vm0, $0x0, v46;
	vm0 =	vnez.u8 v57;
	v25 =	vadd.f32 v54, v25  }
0xed: {  	v61 =	vld [tilespmem:s23+$0x0];
	v28 =	vadd.f32 v37, v28;
	v37 =	vnsel vm0, $0x0, v48;
	v29 =	vadd.f32 v56, v29  }
0xee: {  	v53 =	vld [tilespmem:$0x1FEE0];
	v26 =	vadd.f32 v37, v26;
	vm0 =	vnez.u8 v59;
	v25 =	vadd.f32 v58, v25  }
0xef: {  	v63 =	vld [tilespmem:s23+$0x80];
	v37 =	vnsel vm0, $0x0, v50;
	vm0 =	vnez.u8 v62;
	v29 =	vadd.f32 v60, v29  }
0xf0: {  	v48 =	vld [tilespmem:s23+$0x10];
	v28 =	vadd.f32 v37, v28;
	v37 =	vnsel vm0, $0x0, v52;
	vm0 =	vnez.u8 v47  }
0xf1: {  	v26 =	vadd.f32 v37, v26;
	v37 =	vnsel vm0, $0x0, v54;
	vm0 =	vnez.u8 v49;
	v54 =	vld [tilespmem:$0x1FEF0]  }
0xf2: {  	v28 =	vadd.f32 v37, v28;
	v37 =	vnsel vm0, $0x0, v56;
	vm0 =	vnez.u8 v51;
	v56 =	vld [tilespmem:$0x1FF00]  }
0xf3: {  	[tilespmem:$0x1FF20] =	vst v41;
	v26 =	vadd.f32 v37, v26;
	v37 =	vnsel vm0, $0x0, v58;
	vm0 =	vnez.u8 v53;
	v58 =	vld [tilespmem:$0x1FF10]  }
0xf4: {  	v33 =	vadd.f32 v61, v33;
	v28 =	vadd.f32 v37, v28;
	v37 =	vnsel vm0, $0x0, v60;
	v60 =	vld [tilespmem:$0x1FF20]  }
0xf5: {  	v50 =	vld [tilespmem:s23+$0x90]  }
0xf6: {  	v55 =	vld [tilespmem:s23+$0xA0];
	v35 =	vadd.f32 v63, v35;
	v33 =	vadd.f32 v48, v33;
	vm0 =	vnez.u8 v54  }
0xf7: {  	v62 =	vld [tilespmem:$0x1FF30];
	v26 =	vadd.f32 v37, v26;
	v41 =	vnsel vm0, $0x0, v61;
	vm0 =	vnez.u8 v56  }
0xf8: {  	[tilespmem:$0x1FF40] =	vst v40;
	v52 =	vld [tilespmem:s23+$0x20];
	v34 =	vadd.f32 v41, v34;
	v37 =	vnsel vm0, $0x0, v63;
	vm0 =	vnez.u8 v58  }
0xf9: {  	v36 =	vadd.f32 v37, v36;
	v37 =	vnsel vm0, $0x0, v48;
	vm0 =	vnez.u8 v60;
	v48 =	vld [tilespmem:$0x1FF40]  }
0xfa: {  	v35 =	vadd.f32 v50, v35;
	v34 =	vadd.f32 v37, v34;
	v37 =	vnsel vm0, $0x0, v50;
	v50 =	vld [tilespmem:$0x1FF50]  }
0xfb: {  	v57 =	vld [tilespmem:s23+$0x30]  }
0xfc: {  	v59 =	vld [tilespmem:s23+$0xB0]  }
0xfd: {  	v33 =	vadd.f32 v52, v33;
	v35 =	vadd.f32 v55, v35;
	v61 =	vld [tilespmem:s23+$0x40];
	vm0 =	vnez.u8 v62  }
0xfe: {  	v36 =	vadd.f32 v37, v36;
	v37 =	vnsel vm0, $0x0, v52;
	v52 =	vld [tilespmem:$0x1FF60];
	vm0 =	vnez.u8 v48  }
0xff: {  	v34 =	vadd.f32 v37, v34;
	v37 =	vnsel vm0, $0x0, v55;
	vm0 =	vnez.u8 v50;
	v55 =	vld [tilespmem:$0x1FF70]  }
0x100: {  	v40 =	vadd.f32 v57, v33;
	v36 =	vadd.f32 v37, v36;
	v37 =	vnsel vm0, $0x0, v57;
	v57 =	vld [tilespmem:$0x1FF80]  }
0x101: {  	v63 =	vld [tilespmem:s23+$0xC0]  }
0x102: {  	v49 =	vld [tilespmem:s23+$0x50]  }
0x103: {  	v51 =	vld [tilespmem:s23+$0xD0];
	vm0 =	vnez.u8 v52  }
0x104: {  	[tilespmem:$0x1FFA0] =	vst v38;
	v35 =	vadd.f32 v59, v35;
	v60 =	vld [tilespmem:$0x1FF90];
	v53 =	vnsel vm0, $0x0, v59;
	vm0 =	vnez.u8 v55  }
0x105: {  	v62 =	vld [tilespmem:$0x1FFA0];
	v56 =	vnsel vm0, $0x0, v61;
	vm0 =	vnez.u8 v57  }
0x106: {  	v59 =	vadd.f32 v63, v35;
	v58 =	vnsel vm0, $0x0, v63;
	v63 =	vld [tilespmem:$0x1FFB0]  }
0x107: {  	p0 =	sne.s32 s24, $0xC00;
	v33 =	vld [tilespmem:s23+$0x60];
	v41 =	vadd.f32 v61, v40;
	v37 =	vadd.f32 v37, v34  }
.Ltmp0:
0x108: {  	vm11 =	vnez.u8 v44;
	v39 =	vld [tilespmem:s23+$0x180];
	v54 =	vadd.f32 v53, v36;
	(pc) =	sbr.rel @p0 .LBB2_4-.Ltmp0, $4  }
0x109: {  	v40 =	vld [tilespmem:s23+$0x100];
	v41 =	vadd.f32 v49, v41;
	v37 =	vadd.f32 v56, v37;
	vm0 =	vnez.u8 v60  }
0x10a: {  	v34 =	vld [tilespmem:s23+$0xE0];
	v38 =	vadd.f32 v58, v54;
	v61 =	vnsel vm0, $0x0, v49;
	vm0 =	vnez.u8 v62  }
0x10b: {  	v35 =	vld [tilespmem:s23+$0xF0];
	v42 =	vadd.f32 v61, v37;
	v37 =	vnsel vm0, $0x0, v51;
	vm0 =	vnez.u8 v63  }
0x10c: {  	s24 =	sadd.s32 $0x80, s24;
	v36 =	vld [tilespmem:s23+$0x70];
	v43 =	vadd.f32 v51, v59;
	v44 =	vadd.f32 v37, v38;
	v45 =	vnsel vm0, $0x0, v33  }
0x10d: {  	v37 =	vld [tilespmem:$0x1FFC0]  }
0x10e: {  	v38 =	vld [tilespmem:s23+$0x110]  }
0x10f: {  	v49 =	vld [tilespmem:s23+$0x190]  }
0x110: {  	v52 =	vld [tilespmem:s23+$0x120]  }
0x111: {  	v33 =	vadd.f32 v33, v41;
	v54 =	vld [tilespmem:s23+$0x1A0]  }
0x112: {  	v63 =	vadd.f32 v45, v42;
	v55 =	vnsel vm12, $0x0, v39;
	v56 =	vld [tilespmem:s23+$0x130];
	v23 =	vadd.f32 v39, v23  }
0x113: {  	v57 =	vld [tilespmem:$0x1FFE0];
	v53 =	vnsel vm13, $0x0, v40;
	v24 =	vadd.f32 v40, v24;
	v21 =	vadd.f32 v55, v21  }
0x114: {  	v58 =	vld [tilespmem:s23+$0x1B0];
	v50 =	vadd.f32 v34, v43;
	v22 =	vadd.f32 v53, v22  }
0x115: {  	v59 =	vld [tilespmem:$0x1FFF0];
	v51 =	vnsel vm2, $0x0, v35;
	v48 =	vnsel vm1, $0x0, v36;
	v36 =	vadd.f32 v36, v33  }
0x116: {  	v60 =	vld [tilespmem:s23+$0x140];
	vm0 =	vnez.u8 v37;
	v33 =	vadd.f32 v48, v63;
	v24 =	vadd.f32 v38, v24  }
0x117: {  	v62 =	vld [tilespmem:s23+$0x1C0];
	v23 =	vadd.f32 v49, v23;
	v61 =	vnsel vm15, $0x0, v52;
	v37 =	vnsel vm0, $0x0, v34  }
0x118: {  	v45 =	vld [tilespmem:s23+$0x150];
	p0 =	seq.s32 s22, $0x4;
	v63 =	vnsel vm14, $0x0, v54;
	v46 =	vnsel vm5, $0x0, v56;
	v37 =	vadd.f32 v37, v44  }
0x119: {  	v47 =	vld [tilespmem:s23+$0x1D0];
	s2 =	smul.u32 @!p0 $0xC800, s22;
	v48 =	vnsel vm6, $0x0, v58;
	v34 =	vadd.f32 v35, v50;
	v24 =	vadd.f32 v52, v24  }
0x11a: {  	v55 =	vld [tilespmem:s23+$0x1F0];
	vm0 =	vnez.u8 v57;
	v23 =	vadd.f32 v54, v23;
	v35 =	vadd.f32 v51, v37  }
0x11b: {  	v53 =	vld [tilespmem:s23+$0x170];
	s2 =	sadd.s32 @!p0 s2, s20;
	v37 =	vnsel vm0, $0x0, v38;
	vm0 =	vnez.u8 v59;
	v24 =	vadd.f32 v56, v24  }
0x11c: {  	s2 =	sshrl.u32 @!p0 s2, $0x3;
	v23 =	vadd.f32 v58, v23;
	v51 =	vld [tilespmem:s23+$0x1E0];
	v22 =	vadd.f32 v37, v22;
	v37 =	vnsel vm0, $0x0, v49  }
0x11d: {  	s2 =	sadd.s32 @!p0 s1, s2;
	v50 =	vnsel vm8, $0x0, v60;
	v52 =	vnsel vm7, $0x0, v62;
	v49 =	vld [tilespmem:s23+$0x160];
	s23 =	simm.s32 @!p0 $0x0;
	v21 =	vadd.f32 v37, v21  }
0x11e: {  	v54 =	vnsel vm4, $0x0, v45;
	v58 =	vld [tilespmem:$0x1FFD0];
	v24 =	vadd.f32 v60, v24;
	v23 =	vadd.f32 v62, v23;
	[tilespmem:s23], [sflag:$0x1] =	stream.linear.gather @!p0 [hbm4b:s2+s23], $0x6400, $0x38  }
0x11f: {  	v56 =	vnsel vm3, $0x0, v47;
	s2 =	sadd.s32 $0x0, s21;
	v22 =	vadd.f32 v61, v22;
	v21 =	vadd.f32 v63, v21  }
0x120: {  	v59 =	vnsel vm11, $0x0, v53;
	s24 =	sadd.s32 $0xCF0, s2;
	s25 =	sadd.s32 $0xCC0, s2;
	s26 =	sadd.s32 $0xCD0, s2;
	v24 =	vadd.f32 v45, v24;
	v23 =	vadd.f32 v47, v23  }
0x121: {  	s28 =	sadd.s32 $0xCE0, s2;
	s29 =	sadd.s32 $0xCA0, s2;
	s30 =	sadd.s32 $0xCB0, s2;
	v60 =	vor.u32 s24, v8;
	v41 =	vor.u32 s25, v8;
	v42 =	vor.u32 s26, v8  }
0x122: {  	s31 =	sadd.s32 $0xC90, s2;
	s2 =	sadd.s32 $0xC80, s2;
	v44 =	vor.u32 s28, v8;
	v39 =	vor.u32 s29, v8;
	v40 =	vor.u32 s30, v8  }
0x123: {  	v38 =	vor.u32 s2, v8;
	v22 =	vadd.f32 v46, v22;
	vm0 =	vnez.u8 v58  }
0x124: {  	_ =	swait.ge [sflag:s14], $0x6400;
	vm14 =	veq.s32 v60, v20;
	vm5 =	veq.s32 v60, v19;
	vm2 =	veq.s32 v60, v18  }
0x125: {  	[sflag:s14] =	ssyncset.done $0x0;
	vm1 =	veq.s32 v60, v17;
	vm15 =	veq.s32 v60, v16;
	vm6 =	veq.s32 v60, v15  }
0x126: {  	s23 =	simm.s32 $0x6600;
	[sflag:s14] =	ssyncadd.s32 $0xFFFF9C00;
	vm12 =	veq.s32 v60, v14;
	vm3 =	veq.s32 v60, v13;
	vm7 =	veq.s32 v44, v20  }
0x127: {  	vm8 =	veq.s32 v44, v19;
	vm11 =	veq.s32 v44, v18;
	v21 =	vadd.f32 v48, v21;
	v61 =	vld [tilespmem:s23+$0xFFFFFE00]  }
0x128: {  	vm4 =	veq.s32 v44, v17;
	vm13 =	veq.s32 v44, v14;
	v24 =	vadd.f32 v49, v24;
	v46 =	vld [tilespmem:s23+$0xFFFFFE80]  }
0x129: {  	v57 =	vnsel vm9, $0x0, v49;
	v23 =	vadd.f32 v51, v23;
	v21 =	vadd.f32 v52, v21  }
0x12a: {  	v37 =	vnsel vm0, $0x0, v51;
	v47 =	vld [tilespmem:s23+$0xFFFFFE10];
	vm0 =	veq.s32 v44, v16;
	v22 =	vadd.f32 v50, v22  }
0x12b: {  	v62 =	vld [tilespmem:s23+$0xFFFFFE90];
	vm9 =	veq.s32 v38, v20;
	v23 =	vadd.f32 v55, v23;
	v21 =	vadd.f32 v56, v21  }
0x12c: {  	v50 =	vimm.s32 $0x0;
	v22 =	vadd.f32 v54, v22;
	v27 =	vadd.f32 v61, v27  }
0x12d: {  	v48 =	vld [tilespmem:s23+$0xFFFFFE20];
	v63 =	vnsel vm9, $0x0, v61;
	v31 =	vadd.f32 v46, v31;
	v37 =	vadd.f32 v37, v21  }
0x12e: {  	v49 =	vld [tilespmem:s23+$0xFFFFFEA0];
	v21 =	vadd.f32 v53, v24;
	v24 =	vnsel vm10, $0x0, v55;
	vm10 =	veq.s32 v44, v15  }
0x12f: {  	v22 =	vadd.f32 v57, v22;
	v30 =	vadd.f32 v63, v30;
	v50 =	vsel vm10, $0xFFFFFFFF, v50  }
0x130: {  	vm10 =	veq.s32 v38, v19;
	v27 =	vadd.f32 v47, v27;
	v31 =	vadd.f32 v62, v31  }
0x131: {  	v52 =	vld [tilespmem:s23+$0xFFFFFE30];
	v24 =	vadd.f32 v24, v37;
	v37 =	vor.u32 s31, v8;
	v51 =	vnsel vm10, $0x0, v46  }
0x132: {  	v54 =	vld [tilespmem:s23+$0xFFFFFEB0];
	v22 =	vadd.f32 v59, v22;
	vm9 =	veq.s32 v37, v20;
	v32 =	vadd.f32 v51, v32  }
0x133: {  	v45 =	vld [tilespmem:s23+$0xFFFFFE40];
	vm10 =	veq.s32 v37, v19;
	v27 =	vadd.f32 v48, v27;
	v31 =	vadd.f32 v49, v31  }
0x134: {  	v53 =	vnsel vm9, $0x0, v47;
	vm9 =	veq.s32 v39, v20;
	v55 =	vnsel vm10, $0x0, v62  }
0x135: {  	v46 =	vld [tilespmem:s23+$0xFFFFFEC0];
	vm10 =	veq.s32 v39, v19;
	v56 =	vnsel vm9, $0x0, v48;
	vm9 =	veq.s32 v41, v20  }
0x136: {  	v43 =	vld [tilespmem:s23+$0xFFFFFED0];
	[tilespmem:$0x1FCB0] =	vst v50;
	v50 =	vnsel vm10, $0x0, v49;
	v30 =	vadd.f32 v53, v30;
	v32 =	vadd.f32 v55, v32  }
0x137: {  	v47 =	vld [tilespmem:s23+$0xFFFFFE50];
	vm10 =	veq.s32 v40, v20;
	v27 =	vadd.f32 v52, v27;
	v31 =	vadd.f32 v54, v31  }
0x138: {  	v60 =	vnsel vm10, $0x0, v52;
	vm10 =	veq.s32 v40, v19;
	v62 =	vnsel vm9, $0x0, v45  }
0x139: {  	v58 =	vld [tilespmem:s23+$0xFFFFFEE0];
	vm9 =	veq.s32 v41, v19;
	v61 =	vnsel vm10, $0x0, v54;
	vm10 =	veq.s32 v42, v20  }
0x13a: {  	v48 =	vld [tilespmem:s23+$0xFFFFFE60];
	v30 =	vadd.f32 v56, v30;
	v63 =	vnsel vm9, $0x0, v46;
	v32 =	vadd.f32 v50, v32  }
0x13b: {  	v51 =	vld [tilespmem:s23+$0xFFFFFE70];
	vm9 =	veq.s32 v42, v19;
	v27 =	vadd.f32 v45, v27;
	v31 =	vadd.f32 v46, v31  }
0x13c: {  	v46 =	vld [tilespmem:s23+$0xFFFFFF00];
	v59 =	vnsel vm9, $0x0, v43;
	vm9 =	veq.s32 v37, v18;
	v57 =	vnsel vm10, $0x0, v47  }
0x13d: {  	v30 =	vadd.f32 v60, v30;
	vm10 =	veq.s32 v44, v13;
	v32 =	vadd.f32 v61, v32;
	v44 =	vld [tilespmem:s23+$0xFFFFFEF0]  }
0x13e: {  	v61 =	vnsel vm8, $0x0, v58;
	vm8 =	veq.s32 v42, v17;
	v27 =	vadd.f32 v47, v27;
	v47 =	vld [tilespmem:s23+$0xFFFFFF80]  }
0x13f: {  	v31 =	vadd.f32 v43, v31;
	v43 =	vld [tilespmem:s23+$0xFFFFFF10];
	v60 =	vnsel vm7, $0x0, v48;
	v30 =	vadd.f32 v62, v30  }
0x140: {  	vm7 =	veq.s32 v42, v18;
	v32 =	vadd.f32 v63, v32;
	v27 =	vadd.f32 v48, v27  }
0x141: {  	v62 =	vnsel vm14, $0x0, v51;
	v31 =	vadd.f32 v58, v31;
	v25 =	vadd.f32 v46, v25  }
0x142: {  	v45 =	vld [tilespmem:s23+$0xFFFFFF90];
	vm14 =	veq.s32 v39, v17;
	v30 =	vadd.f32 v57, v30;
	v32 =	vadd.f32 v59, v32  }
0x143: {  	v58 =	vld [tilespmem:s23+$0xFFFFFF20];
	v63 =	vnsel vm5, $0x0, v44;
	v31 =	vadd.f32 v44, v31;
	v29 =	vadd.f32 v47, v29  }
0x144: {  	vm5 =	veq.s32 v38, v18;
	v25 =	vadd.f32 v43, v25;
	v30 =	vadd.f32 v60, v30  }
0x145: {  	v57 =	vnsel vm5, $0x0, v46;
	vm5 =	veq.s32 v38, v17;
	v53 =	vadd.f32 v61, v32  }
0x146: {  	v44 =	vld [tilespmem:s23+$0xFFFFFF30];
	v32 =	vadd.f32 v51, v27;
	v60 =	vnsel vm9, $0x0, v43;
	vm9 =	veq.s32 v37, v17  }
0x147: {  	v51 =	vld [tilespmem:s23+$0xFFFFFFA0];
	v59 =	vnsel vm5, $0x0, v47;
	vm5 =	veq.s32 v39, v18;
	v28 =	vadd.f32 v57, v28  }
0x148: {  	v46 =	vld [tilespmem:s23+$0xFFFFFFB0];
	v61 =	vnsel vm9, $0x0, v45;
	v29 =	vadd.f32 v45, v29;
	v25 =	vadd.f32 v58, v25  }
0x149: {  	v47 =	vld [tilespmem:s23+$0xFFFFFF40];
	vm9 =	veq.s32 v41, v18;
	v30 =	vadd.f32 v62, v30;
	v27 =	vadd.f32 v63, v53  }
0x14a: {  	v57 =	vld [tilespmem:s23+$0xFFFFFF50];
	v62 =	vnsel vm5, $0x0, v58;
	v26 =	vadd.f32 v59, v26;
	vm5 =	veq.s32 v40, v18  }
0x14b: {  	v50 =	vld [tilespmem:s23+$0xFFFFFFD0];
	v28 =	vadd.f32 v60, v28;
	v56 =	vnsel vm5, $0x0, v44;
	vm5 =	veq.s32 v40, v17  }
0x14c: {  	v45 =	vld [tilespmem:s23+$0x80];
	v26 =	vadd.f32 v61, v26;
	v25 =	vadd.f32 v44, v25;
	v63 =	vnsel vm14, $0x0, v51  }
0x14d: {  	v43 =	vld [tilespmem:s23+$0xFFFFFFC0];
	v58 =	vnsel vm5, $0x0, v46;
	vm5 =	veq.s32 v42, v16;
	v28 =	vadd.f32 v62, v28  }
0x14e: {  	v29 =	vadd.f32 v51, v29;
	vm14 =	veq.s32 v42, v15;
	v59 =	vnsel vm9, $0x0, v47  }
0x14f: {  	v61 =	vld [tilespmem:s23+$0xFFFFFFE0];
	vm9 =	veq.s32 v41, v17;
	v26 =	vadd.f32 v63, v26;
	v62 =	vnsel vm7, $0x0, v57  }
0x150: {  	v51 =	vld [tilespmem:s23+$0xFFFFFF60];
	v63 =	vnsel vm8, $0x0, v50;
	vm7 =	veq.s32 v42, v13;
	v25 =	vadd.f32 v47, v25  }
0x151: {  	vm8 =	veq.s32 v41, v14;
	v34 =	vadd.f32 v45, v34;
	v28 =	vadd.f32 v56, v28  }
0x152: {  	v60 =	vnsel vm9, $0x0, v43;
	v29 =	vadd.f32 v46, v29;
	v46 =	vld [tilespmem:s23+$0xFFFFFF70];
	v26 =	vadd.f32 v58, v26  }
0x153: {  	vm9 =	veq.s32 v42, v14;
	v42 =	vld [tilespmem:s23+$0xFFFFFFF0];
	v25 =	vadd.f32 v57, v25;
	v28 =	vadd.f32 v59, v28  }
0x154: {  	v29 =	vadd.f32 v43, v29;
	v57 =	vnsel vm4, $0x0, v61;
	vm4 =	veq.s32 v41, v15  }
0x155: {  	v43 =	vld [tilespmem:s23+$0x0];
	v56 =	vnsel vm11, $0x0, v51;
	v26 =	vadd.f32 v60, v26;
	v25 =	vadd.f32 v51, v25  }
0x156: {  	v59 =	vld [tilespmem:s23+$0x10];
	vm11 =	veq.s32 v41, v16;
	v28 =	vadd.f32 v62, v28;
	v29 =	vadd.f32 v50, v29  }
0x157: {  	v58 =	vnsel vm2, $0x0, v46;
	vm2 =	veq.s32 v38, v16;
	v26 =	vadd.f32 v63, v26  }
0x158: {  	v51 =	vld [tilespmem:s23+$0x90];
	v60 =	vnsel vm1, $0x0, v42;
	vm1 =	veq.s32 v38, v15;
	v28 =	vadd.f32 v56, v28  }
0x159: {  	v47 =	vld [tilespmem:s23+$0x20];
	v44 =	vadd.f32 v61, v29;
	v62 =	vnsel vm1, $0x0, v45;
	vm1 =	veq.s32 v37, v16  }
0x15a: {  	v29 =	vadd.f32 v46, v25;
	v61 =	vnsel vm2, $0x0, v43;
	vm2 =	veq.s32 v39, v16  }
0x15b: {  	v46 =	vld [tilespmem:s23+$0xA0];
	v48 =	vadd.f32 v57, v26;
	v63 =	vnsel vm1, $0x0, v59;
	v36 =	vadd.f32 v43, v36  }
0x15c: {  	v45 =	vld [tilespmem:s23+$0x40];
	vm1 =	veq.s32 v37, v15;
	v35 =	vadd.f32 v62, v35;
	v26 =	vadd.f32 v58, v28  }
0x15d: {  	v43 =	vld [tilespmem:s23+$0xB0];
	v28 =	vadd.f32 v42, v44;
	v56 =	vnsel vm1, $0x0, v51;
	v33 =	vadd.f32 v61, v33  }
0x15e: {  	v42 =	vld [tilespmem:s23+$0x30];
	v57 =	vnsel vm2, $0x0, v47;
	v34 =	vadd.f32 v51, v34;
	v25 =	vadd.f32 v60, v48  }
0x15f: {  	vm1 =	veq.s32 v39, v15;
	v44 =	vld [tilespmem:s23+$0x50];
	v36 =	vadd.f32 v59, v36;
	v35 =	vadd.f32 v56, v35  }
0x160: {  	v59 =	vld [tilespmem:s23+$0xC0];
	v33 =	vadd.f32 v63, v33;
	v58 =	vnsel vm1, $0x0, v46;
	vm1 =	veq.s32 v40, v16  }
0x161: {  	v36 =	vadd.f32 v47, v36;
	v34 =	vadd.f32 v46, v34;
	v53 =	vnsel vm11, $0x0, v45  }
0x162: {  	v63 =	vld [tilespmem:s23+$0xD0];
	vm11 =	veq.s32 v40, v14;
	v62 =	vadd.f32 v57, v33;
	v35 =	vadd.f32 v58, v35  }
0x163: {  	v60 =	vnsel vm1, $0x0, v42;
	vm1 =	veq.s32 v40, v15;
	v36 =	vadd.f32 v42, v36  }
0x164: {  	v56 =	vadd.f32 v43, v34;
	v57 =	vnsel vm5, $0x0, v44;
	vm5 =	veq.s32 v39, v14  }
0x165: {  	v33 =	vld [tilespmem:s23+$0x60];
	v61 =	vnsel vm1, $0x0, v43;
	vm1 =	veq.s32 v41, v13;
	v54 =	vnsel vm4, $0x0, v59  }
0x166: {  	vm4 =	veq.s32 v40, v13;
	v55 =	vadd.f32 v60, v62;
	v62 =	vimm.s32 $0x0  }
0x167: {  	v35 =	vadd.f32 v61, v35;
	v45 =	vadd.f32 v45, v36;
	v58 =	vnsel vm14, $0x0, v63  }
0x168: {  	vm14 =	veq.s32 v39, v13;
	v59 =	vadd.f32 v59, v56;
	v40 =	vadd.f32 v53, v55  }
0x169: {  	v61 =	vimm.s32 $0x0;
	v60 =	vadd.f32 v54, v35;
	v41 =	vadd.f32 v44, v45  }
0x16a: {  	v34 =	vld [tilespmem:s23+$0xE0];
	v45 =	vnsel vm0, $0x0, v33;
	vm0 =	veq.s32 v37, v14;
	v43 =	vadd.f32 v63, v59  }
0x16b: {  	v36 =	vld [tilespmem:s23+$0x70];
	v42 =	vadd.f32 v57, v40;
	v40 =	vsel vm0, $0xFFFFFFFF, v61;
	vm0 =	veq.s32 v37, v13  }
0x16c: {  	v39 =	vld [tilespmem:s23+$0x180];
	v63 =	vimm.s32 $0x0;
	[tilespmem:$0x1FCC0] =	vst v40;
	v37 =	vsel vm0, $0xFFFFFFFF, v62;
	vm0 =	veq.s32 v38, v13  }
0x16d: {  	v35 =	vld [tilespmem:s23+$0xF0];
	[tilespmem:$0x1FCD0] =	vst v37;
	v37 =	vsel vm0, $0xFFFFFFFF, v63  }
0x16e: {  	s24 =	simm.s32 $0x80;
	vm2 =	veq.s32 v38, v14;
	v40 =	vld [tilespmem:s23+$0x100];
	v44 =	vadd.f32 v58, v60;
	[tilespmem:$0x1FCE0] =	vst v37  }
.LBB2_6:
0x16f: {  	v37 =	vld [tilespmem:s23+$0x110]  }
0x170: {  	v61 =	vld [tilespmem:$0x1FCB0]  }
0x171: {  	v48 =	vld [tilespmem:s23+$0x120]  }
0x172: {  	v51 =	vld [tilespmem:s23+$0x1A0];
	s2 =	sadd.s32 s24, s21  }
0x173: {  	v55 =	vld [tilespmem:s23+$0x1B0];
	v33 =	vadd.f32 v33, v41;
	s30 =	sadd.s32 $0xCA0, s2  }
0x174: {  	v38 =	vadd.f32 v45, v42;
	v57 =	vld [tilespmem:s23+$0x140];
	v42 =	vor.u32 s30, v8;
	v43 =	vadd.f32 v34, v43  }
0x175: {  	v62 =	vld [tilespmem:s23+$0x190];
	v63 =	vnsel vm15, $0x0, v36;
	v33 =	vadd.f32 v36, v33;
	v49 =	vnsel vm6, $0x0, v35  }
0x176: {  	v52 =	vld [tilespmem:$0x1FCE0];
	v50 =	vnsel vm2, $0x0, v40;
	v21 =	vadd.f32 v40, v21;
	v23 =	vadd.f32 v39, v23  }
0x177: {  	v54 =	vld [tilespmem:$0x1FCC0];
	v40 =	vimm.s32 $0x0;
	vm0 =	vnez.u8 v61;
	v22 =	vadd.f32 v50, v22  }
0x178: {  	v46 =	vld [tilespmem:s23+$0x160];
	v58 =	vnsel vm5, $0x0, v48;
	v60 =	vnsel vm14, $0x0, v51;
	v45 =	vnsel vm4, $0x0, v55  }
0x179: {  	v47 =	vnsel vm8, $0x0, v57;
	vm8 =	veq.s32 v42, v20;
	vm5 =	veq.s32 v42, v14  }
0x17a: {  	v56 =	vld [tilespmem:$0x1FCD0];
	v41 =	vnsel vm0, $0x0, v34;
	v34 =	vadd.f32 v63, v38;
	v35 =	vadd.f32 v35, v43  }
0x17b: {  	v53 =	vld [tilespmem:s23+$0x130];
	s31 =	sadd.s32 $0xCB0, s2;
	vm0 =	vnez.u8 v52;
	v21 =	vadd.f32 v37, v21;
	v23 =	vadd.f32 v62, v23  }
0x17c: {  	v59 =	vld [tilespmem:s23+$0x1C0];
	s28 =	sadd.s32 $0xCD0, s2;
	v43 =	vor.u32 s31, v8;
	v41 =	vadd.f32 v41, v44;
	v38 =	vnsel vm0, $0x0, v39  }
0x17d: {  	v61 =	vld [tilespmem:s23+$0x150];
	vm0 =	vnez.u8 v54;
	v54 =	vnsel vm13, $0x0, v46;
	v39 =	vor.u32 s28, v8  }
0x17e: {  	v50 =	vld [tilespmem:s23+$0x170];
	vm4 =	veq.s32 v43, v13;
	v24 =	vadd.f32 v38, v24;
	v38 =	vnsel vm0, $0x0, v37  }
0x17f: {  	vm0 =	vnez.u8 v56;
	v21 =	vadd.f32 v48, v21;
	v23 =	vadd.f32 v51, v23  }
0x180: {  	v63 =	vld [tilespmem:s23+$0x1D0];
	vm14 =	veq.s32 v39, v13;
	v36 =	vadd.f32 v49, v41;
	v22 =	vadd.f32 v38, v22  }
0x181: {  	v37 =	vnsel vm0, $0x0, v62;
	v62 =	vnsel vm11, $0x0, v53;
	v49 =	vnsel vm1, $0x0, v59  }
0x182: {  	v52 =	vld [tilespmem:s23+$0x1F0];
	vm11 =	veq.s32 v43, v19;
	v24 =	vadd.f32 v37, v24;
	v21 =	vadd.f32 v53, v21  }
0x183: {  	s26 =	sadd.s32 $0xCC0, s2;
	v23 =	vadd.f32 v55, v23;
	v51 =	vnsel vm9, $0x0, v61;
	v56 =	vnsel vm12, $0x0, v50  }
0x184: {  	s25 =	sadd.s32 $0xCF0, s2;
	v48 =	vld [tilespmem:s23+$0x1E0];
	v37 =	vor.u32 s26, v8;
	vm12 =	veq.s32 v42, v19;
	v22 =	vadd.f32 v58, v22  }
0x185: {  	v53 =	vnsel vm7, $0x0, v63;
	v58 =	vor.u32 s25, v8;
	vm7 =	veq.s32 v37, v14  }
0x186: {  	s29 =	sadd.s32 $0xCE0, s2;
	vm6 =	veq.s32 v37, v13;
	v24 =	vadd.f32 v60, v24;
	v21 =	vadd.f32 v57, v21  }
0x187: {  	s25 =	sadd.s32 $0xC90, s2;
	s2 =	sadd.s32 $0xC80, s2;
	v23 =	vadd.f32 v59, v23;
	v57 =	vnsel vm3, $0x0, v52;
	v59 =	vor.u32 s29, v8  }
0x188: {  	v41 =	vor.u32 s25, v8;
	v44 =	vor.u32 s2, v8;
	vm0 =	veq.s32 v58, v20  }
0x189: {  	v60 =	vimm.s32 $0x0;
	v22 =	vadd.f32 v62, v22;
	v55 =	vnsel vm10, $0x0, v48  }
0x18a: {  	v62 =	vimm.s32 $0x0;
	vm9 =	veq.s32 v59, v14;
	vm10 =	veq.s32 v43, v20  }
0x18b: {  	vm1 =	veq.s32 v41, v20;
	vm3 =	veq.s32 v41, v19;
	vm2 =	veq.s32 v41, v14  }
0x18c: {  	vm13 =	veq.s32 v44, v19;
	v24 =	vadd.f32 v45, v24;
	v21 =	vadd.f32 v61, v21  }
0x18d: {  	v23 =	vadd.f32 v63, v23;
	v45 =	vsel vm0, $0xFFFFFFFF, v60;
	vm0 =	veq.s32 v58, v19  }
0x18e: {  	v61 =	vimm.s32 $0x0;
	v63 =	vimm.s32 $0x0;
	v60 =	vimm.s32 $0x0  }
0x18f: {  	v22 =	vadd.f32 v47, v22;
	[tilespmem:$0x1FA80] =	vst v45;
	v45 =	vsel vm0, $0xFFFFFFFF, v61;
	vm0 =	veq.s32 v58, v18  }
0x190: {  	v61 =	vimm.s32 $0x0;
	v47 =	vimm.s32 $0x0;
	v24 =	vadd.f32 v49, v24  }
0x191: {  	v21 =	vadd.f32 v46, v21;
	v23 =	vadd.f32 v48, v23;
	[tilespmem:$0x1FA90] =	vst v45;
	v45 =	vsel vm0, $0xFFFFFFFF, v62  }
0x192: {  	vm0 =	veq.s32 v58, v17;
	v48 =	vimm.s32 $0x0;
	v49 =	vimm.s32 $0x0  }
0x193: {  	v62 =	vimm.s32 $0x0;
	v46 =	vimm.s32 $0x0;
	v22 =	vadd.f32 v51, v22  }
0x194: {  	[tilespmem:$0x1FBC0] =	vst v45;
	v45 =	vsel vm0, $0xFFFFFFFF, v63;
	vm0 =	veq.s32 v58, v16;
	v51 =	vimm.s32 $0x0  }
0x195: {  	v63 =	vimm.s32 $0x0;
	v24 =	vadd.f32 v53, v24;
	v21 =	vadd.f32 v50, v21  }
0x196: {  	v23 =	vadd.f32 v52, v23;
	[tilespmem:$0x1FBD0] =	vst v45;
	v45 =	vsel vm0, $0xFFFFFFFF, v48;
	vm0 =	veq.s32 v58, v15  }
0x197: {  	v50 =	vimm.s32 $0x0;
	v52 =	vimm.s32 $0x0;
	v53 =	vimm.s32 $0x0  }
0x198: {  	v48 =	vimm.s32 $0x0;
	v22 =	vadd.f32 v54, v22;
	[tilespmem:$0x1FAE0] =	vst v45;
	v45 =	vsel vm0, $0xFFFFFFFF, v49  }
0x199: {  	vm0 =	veq.s32 v58, v14;
	v54 =	vimm.s32 $0x0;
	v49 =	vimm.s32 $0x0  }
0x19a: {  	v24 =	vadd.f32 v55, v24;
	[tilespmem:$0x1FA10] =	vst v45;
	v45 =	vsel vm0, $0xFFFFFFFF, v50;
	vm0 =	veq.s32 v58, v13  }
0x19b: {  	v55 =	vimm.s32 $0x0;
	[tilespmem:$0x1F9F0] =	vst v45;
	v38 =	vsel vm0, $0xFFFFFFFF, v51;
	vm0 =	veq.s32 v59, v20  }
0x19c: {  	v58 =	vimm.s32 $0x0;
	[tilespmem:$0x1FA30] =	vst v38;
	v38 =	vsel vm0, $0xFFFFFFFF, v52;
	vm0 =	veq.s32 v59, v19  }
0x19d: {  	v22 =	vadd.f32 v56, v22;
	[tilespmem:$0x1FA60] =	vst v38;
	v38 =	vsel vm0, $0xFFFFFFFF, v53;
	vm0 =	veq.s32 v59, v18  }
0x19e: {  	v56 =	vimm.s32 $0x0;
	[tilespmem:$0x1FA70] =	vst v38;
	v38 =	vsel vm0, $0xFFFFFFFF, v54;
	vm0 =	veq.s32 v59, v17  }
0x19f: {  	v24 =	vadd.f32 v57, v24;
	[tilespmem:$0x1FBA0] =	vst v38;
	v38 =	vsel vm0, $0xFFFFFFFF, v55;
	vm0 =	veq.s32 v59, v16  }
0x1a0: {  	v57 =	vimm.s32 $0x0;
	[tilespmem:$0x1FBB0] =	vst v38;
	v38 =	vsel vm0, $0xFFFFFFFF, v56;
	vm0 =	veq.s32 v59, v15  }
0x1a1: {  	v50 =	vimm.s32 $0x0;
	[tilespmem:$0x1FCA0] =	vst v38;
	v38 =	vsel vm0, $0xFFFFFFFF, v57;
	vm0 =	veq.s32 v39, v20  }
0x1a2: {  	[tilespmem:$0x1FCB0] =	vst v38;
	v38 =	vsel vm0, $0xFFFFFFFF, v58;
	vm0 =	veq.s32 v59, v13;
	v59 =	vimm.s32 $0x0  }
0x1a3: {  	v45 =	vimm.s32 $0x0;
	[tilespmem:$0x1FA40] =	vst v38;
	v38 =	vsel vm0, $0xFFFFFFFF, v59;
	vm0 =	veq.s32 v39, v19  }
0x1a4: {  	v51 =	vimm.s32 $0x0;
	[tilespmem:$0x1FB00] =	vst v38;
	v38 =	vsel vm0, $0xFFFFFFFF, v60;
	vm0 =	veq.s32 v39, v18  }
0x1a5: {  	v52 =	vimm.s32 $0x0;
	[tilespmem:$0x1FA50] =	vst v38;
	v38 =	vsel vm0, $0xFFFFFFFF, v61;
	vm0 =	veq.s32 v39, v17  }
0x1a6: {  	v53 =	vimm.s32 $0x0;
	[tilespmem:$0x1FB80] =	vst v38;
	v38 =	vsel vm0, $0xFFFFFFFF, v62;
	vm0 =	veq.s32 v39, v16  }
0x1a7: {  	v54 =	vimm.s32 $0x0;
	[tilespmem:$0x1FB90] =	vst v38;
	v38 =	vsel vm0, $0xFFFFFFFF, v63;
	vm0 =	veq.s32 v39, v15  }
0x1a8: {  	v55 =	vimm.s32 $0x0;
	[tilespmem:$0x1FC80] =	vst v38;
	v38 =	vsel vm0, $0xFFFFFFFF, v40;
	vm0 =	veq.s32 v39, v14  }
0x1a9: {  	v56 =	vimm.s32 $0x0;
	[tilespmem:$0x1FC90] =	vst v38;
	v38 =	vsel vm0, $0xFFFFFFFF, v45;
	vm0 =	veq.s32 v37, v20  }
0x1aa: {  	s23 =	sadd.s32 $0x400, s23;
	v57 =	vimm.s32 $0x0;
	[tilespmem:$0x1FAC0] =	vst v38;
	v38 =	vsel vm0, $0xFFFFFFFF, v46;
	vm0 =	veq.s32 v37, v19  }
0x1ab: {  	v58 =	vimm.s32 $0x0;
	v61 =	vld [tilespmem:s23+$0xFFFFFE00];
	[tilespmem:$0x1FA00] =	vst v38;
	v38 =	vsel vm0, $0xFFFFFFFF, v47;
	vm0 =	veq.s32 v37, v18  }
0x1ac: {  	v59 =	vimm.s32 $0x0;
	[tilespmem:$0x1FA20] =	vst v38;
	v38 =	vsel vm0, $0xFFFFFFFF, v48;
	vm0 =	veq.s32 v37, v17  }
0x1ad: {  	v60 =	vimm.s32 $0x0;
	[tilespmem:$0x1FB60] =	vst v38;
	v38 =	vsel vm0, $0xFFFFFFFF, v49;
	vm0 =	veq.s32 v37, v16  }
0x1ae: {  	v62 =	vimm.s32 $0x0;
	v63 =	vld [tilespmem:s23+$0xFFFFFE80];
	[tilespmem:$0x1FB70] =	vst v38;
	v38 =	vsel vm0, $0xFFFFFFFF, v50;
	vm0 =	veq.s32 v37, v15  }
0x1af: {  	v45 =	vimm.s32 $0x0;
	v46 =	vld [tilespmem:s23+$0xFFFFFE10];
	[tilespmem:$0x1FC60] =	vst v38;
	v38 =	vsel vm0, $0xFFFFFFFF, v51;
	vm0 =	veq.s32 v43, v18  }
0x1b0: {  	v32 =	vadd.f32 v61, v32;
	v37 =	vsel vm0, $0xFFFFFFFF, v52;
	vm0 =	veq.s32 v43, v17  }
0x1b1: {  	v47 =	vimm.s32 $0x0;
	v50 =	vld [tilespmem:s23+$0xFFFFFE90];
	[tilespmem:$0x1FB40] =	vst v37;
	v37 =	vsel vm0, $0xFFFFFFFF, v53;
	vm0 =	veq.s32 v43, v16  }
0x1b2: {  	v48 =	vimm.s32 $0x0;
	[tilespmem:$0x1FB50] =	vst v37;
	v37 =	vsel vm0, $0xFFFFFFFF, v54;
	vm0 =	veq.s32 v43, v15  }
0x1b3: {  	v31 =	vadd.f32 v63, v31;
	[tilespmem:$0x1FC40] =	vst v37;
	v37 =	vsel vm0, $0xFFFFFFFF, v55;
	vm0 =	veq.s32 v43, v14  }
0x1b4: {  	v32 =	vadd.f32 v46, v32;
	[tilespmem:$0x1FC50] =	vst v37;
	v37 =	vsel vm0, $0xFFFFFFFF, v56;
	vm0 =	veq.s32 v42, v18  }
0x1b5: {  	v54 =	vld [tilespmem:s23+$0xFFFFFE20];
	v43 =	vimm.s32 $0x0;
	[tilespmem:$0x1FAB0] =	vst v37;
	v37 =	vsel vm0, $0xFFFFFFFF, v57;
	vm0 =	veq.s32 v42, v17  }
0x1b6: {  	v31 =	vadd.f32 v50, v31;
	v57 =	vld [tilespmem:s23+$0xFFFFFEA0];
	[tilespmem:$0x1FB20] =	vst v37;
	v37 =	vsel vm0, $0xFFFFFFFF, v58;
	vm0 =	veq.s32 v42, v16  }
0x1b7: {  	v58 =	vnsel vm13, $0x0, v63;
	v63 =	vld [tilespmem:s23+$0xFFFFFE40];
	[tilespmem:$0x1FB30] =	vst v37;
	v37 =	vsel vm0, $0xFFFFFFFF, v59;
	vm0 =	veq.s32 v42, v15  }
0x1b8: {  	v59 =	vld [tilespmem:s23+$0xFFFFFE30];
	v27 =	vadd.f32 v58, v27;
	[tilespmem:$0x1FC20] =	vst v37;
	v37 =	vsel vm0, $0xFFFFFFFF, v60;
	vm0 =	veq.s32 v42, v13  }
0x1b9: {  	[tilespmem:$0x1FC70] =	vst v38;
	v58 =	vld [tilespmem:s23+$0xFFFFFE70];
	v42 =	vimm.s32 $0x0;
	v38 =	vsel vm0, $0xFFFFFFFF, v62;
	vm0 =	veq.s32 v41, v18  }
0x1ba: {  	v60 =	vnsel vm1, $0x0, v46;
	v62 =	vnsel vm3, $0x0, v50;
	v50 =	vld [tilespmem:s23+$0xFFFFFED0];
	v39 =	vsel vm0, $0xFFFFFFFF, v42  }
0x1bb: {  	vm0 =	veq.s32 v41, v17;
	v46 =	vnsel vm12, $0x0, v57;
	v31 =	vadd.f32 v57, v31;
	v57 =	vld [tilespmem:$0x1FA30]  }
0x1bc: {  	v27 =	vadd.f32 v62, v27;
	v62 =	vld [tilespmem:$0x1FA50];
	[tilespmem:$0x1FAF0] =	vst v39;
	v39 =	vsel vm0, $0xFFFFFFFF, v43;
	vm0 =	veq.s32 v41, v16  }
0x1bd: {  	v51 =	vimm.s32 $0x0;
	[tilespmem:$0x1FB10] =	vst v39;
	v39 =	vsel vm0, $0xFFFFFFFF, v45;
	vm0 =	veq.s32 v41, v15;
	v45 =	vld [tilespmem:s23+$0xFFFFFEC0]  }
0x1be: {  	v52 =	vimm.s32 $0x0;
	v27 =	vadd.f32 v46, v27;
	v46 =	vld [tilespmem:s23+$0xFFFFFF40];
	v40 =	vsel vm0, $0xFFFFFFFF, v47  }
0x1bf: {  	v32 =	vadd.f32 v54, v32;
	vm0 =	veq.s32 v44, v17;
	v47 =	vld [tilespmem:$0x1F9F0];
	[tilespmem:$0x1FC10] =	vst v40;
	v40 =	vsel vm2, $0xFFFFFFFF, v48  }
0x1c0: {  	vm2 =	veq.s32 v41, v13;
	v41 =	vsel vm0, $0xFFFFFFFF, v51;
	vm0 =	veq.s32 v44, v16;
	v48 =	vld [tilespmem:s23+$0xFFFFFE50]  }
0x1c1: {  	v49 =	vimm.s32 $0x0;
	[tilespmem:$0x1FAD0] =	vst v41;
	v41 =	vsel vm0, $0xFFFFFFFF, v52;
	v52 =	vld [tilespmem:s23+$0xFFFFFE60]  }
0x1c2: {  	v32 =	vadd.f32 v59, v32;
	[tilespmem:$0x1FCC0] =	vst v40;
	v40 =	vsel vm2, $0xFFFFFFFF, v49;
	v49 =	vnsel vm10, $0x0, v59;
	v59 =	vld [tilespmem:$0x1FA40]  }
0x1c3: {  	vm2 =	veq.s32 v44, v20;
	vm3 =	vnez.u8 v57;
	v57 =	vld [tilespmem:s23+$0xFFFFFFA0]  }
0x1c4: {  	v53 =	vimm.s32 $0x0;
	vm0 =	veq.s32 v44, v15;
	v55 =	vnsel vm2, $0x0, v61;
	v61 =	vld [tilespmem:s23+$0xFFFFFEB0]  }
0x1c5: {  	vm15 =	veq.s32 v44, v18;
	[tilespmem:$0x1FBE0] =	vst v41;
	v41 =	vsel vm0, $0xFFFFFFFF, v53;
	v53 =	vld [tilespmem:$0x1FA00]  }
0x1c6: {  	vm0 =	veq.s32 v44, v14;
	vm2 =	veq.s32 v44, v13;
	v44 =	vnsel vm8, $0x0, v54;
	v54 =	vld [tilespmem:$0x1FA10]  }
0x1c7: {  	v56 =	vimm.s32 $0x0;
	v30 =	vadd.f32 v55, v30;
	v55 =	vld [tilespmem:s23+$0xFFFFFEE0]  }
0x1c8: {  	v43 =	vsel vm2, $0xFFFFFFFF, v56;
	v56 =	vld [tilespmem:$0x1FA20]  }
0x1c9: {  	vm12 =	vnez.u8 v47;
	v47 =	vld [tilespmem:$0x1FA60]  }
0x1ca: {  	[tilespmem:$0x1FCE0] =	vst v43;
	v43 =	vld [tilespmem:s23+$0xFFFFFF10]  }
0x1cb: {  	v30 =	vadd.f32 v60, v30;
	v60 =	vld [tilespmem:s23+$0xFFFFFEF0]  }
0x1cc: {  	[tilespmem:$0x1FAA0] =	vst v38;
	v51 =	vnsel vm11, $0x0, v61;
	v31 =	vadd.f32 v61, v31;
	v61 =	vld [tilespmem:s23+$0xFFFFFF00]  }
0x1cd: {  	vm1 =	vmmov vm6;
	vm6 =	vnez.u8 v54;
	v54 =	vld [tilespmem:$0x1FAA0]  }
0x1ce: {  	vm2 =	vmmov vm0;
	v30 =	vadd.f32 v44, v30;
	vm0 =	vnez.u8 v53;
	v44 =	vld [tilespmem:$0x1FB10]  }
0x1cf: {  	[tilespmem:$0x1FC30] =	vst v37;
	v32 =	vadd.f32 v63, v32;
	v37 =	vnsel vm0, $0x0, v63;
	v63 =	vld [tilespmem:s23+$0xFFFFFF80]  }
0x1d0: {  	v27 =	vadd.f32 v51, v27;
	v51 =	vld [tilespmem:s23+$0xFFFFFF20]  }
0x1d1: {  	vm0 =	vnez.u8 v56;
	v56 =	vld [tilespmem:$0x1FAC0];
	v30 =	vadd.f32 v49, v30  }
0x1d2: {  	v32 =	vadd.f32 v48, v32;
	v49 =	vld [tilespmem:s23+$0xFFFFFF90]  }
0x1d3: {  	v30 =	vadd.f32 v37, v30;
	v37 =	vnsel vm0, $0x0, v45;
	vm0 =	vnez.u8 v59;
	v59 =	vld [tilespmem:$0x1FAE0]  }
0x1d4: {  	v31 =	vadd.f32 v45, v31;
	v27 =	vadd.f32 v37, v27;
	v37 =	vnsel vm0, $0x0, v48;
	v48 =	vld [tilespmem:$0x1FA70]  }
0x1d5: {  	vm0 =	vnez.u8 v62;
	v53 =	vnsel vm15, $0x0, v61;
	v29 =	vadd.f32 v61, v29;
	v61 =	vld [tilespmem:$0x1FAF0]  }
0x1d6: {  	v31 =	vadd.f32 v50, v31;
	v30 =	vadd.f32 v37, v30;
	v37 =	vnsel vm0, $0x0, v50;
	v50 =	vld [tilespmem:$0x1FA80]  }
0x1d7: {  	v62 =	vld [tilespmem:$0x1FB00]  }
0x1d8: {  	vm8 =	vmmov vm7;
	vm7 =	vmmov vm14;
	vm14 =	vnez.u8 v54;
	v54 =	vld [tilespmem:s23+$0xFFFFFF60]  }
0x1d9: {  	v32 =	vadd.f32 v52, v32;
	vm0 =	vnez.u8 v47;
	v26 =	vadd.f32 v53, v26;
	v47 =	vld [tilespmem:$0x1FB20]  }
0x1da: {  	v27 =	vadd.f32 v37, v27;
	v37 =	vnsel vm0, $0x0, v52;
	v52 =	vld [tilespmem:$0x1FA90];
	vm0 =	vnez.u8 v48  }
0x1db: {  	v53 =	vld [tilespmem:$0x1FB50];
	v30 =	vadd.f32 v37, v30;
	v37 =	vnsel vm0, $0x0, v55;
	vm0 =	vnez.u8 v50  }
0x1dc: {  	v32 =	vadd.f32 v58, v32;
	v27 =	vadd.f32 v37, v27;
	v37 =	vnsel vm0, $0x0, v58;
	v58 =	vld [tilespmem:$0x1FAD0]  }
0x1dd: {  	vm13 =	vmmov vm9;
	vm9 =	vnez.u8 v56;
	v56 =	vld [tilespmem:s23+$0xFFFFFFE0]  }
0x1de: {  	v31 =	vadd.f32 v55, v31;
	vm15 =	vnez.u8 v59;
	v59 =	vld [tilespmem:$0x1FB80]  }
0x1df: {  	v29 =	vadd.f32 v43, v29;
	v48 =	vld [tilespmem:s23+$0xFFFFFFC0];
	vm0 =	vnez.u8 v52  }
0x1e0: {  	v31 =	vadd.f32 v60, v31;
	v30 =	vadd.f32 v37, v30;
	v37 =	vnsel vm0, $0x0, v60;
	v60 =	vld [tilespmem:s23+$0xFFFFFF30]  }
0x1e1: {  	v28 =	vadd.f32 v63, v28;
	v29 =	vadd.f32 v51, v29;
	v55 =	vld [tilespmem:$0x1FAB0];
	vm0 =	vnez.u8 v58  }
0x1e2: {  	v50 =	vld [tilespmem:s23+$0xFFFFFF50];
	v27 =	vadd.f32 v37, v27;
	v37 =	vnsel vm0, $0x0, v63;
	vm0 =	vnez.u8 v61  }
0x1e3: {  	v63 =	vld [tilespmem:s23+$0xFFFFFFB0];
	v25 =	vadd.f32 v37, v25;
	v37 =	vnsel vm0, $0x0, v43;
	vm0 =	vnez.u8 v44  }
0x1e4: {  	v28 =	vadd.f32 v49, v28;
	v26 =	vadd.f32 v37, v26;
	v37 =	vnsel vm0, $0x0, v49;
	v49 =	vld [tilespmem:$0x1FB30]  }
0x1e5: {  	v29 =	vadd.f32 v60, v29;
	v61 =	vld [tilespmem:s23+$0x0];
	vm0 =	vnez.u8 v47  }
0x1e6: {  	v25 =	vadd.f32 v37, v25;
	v37 =	vnsel vm0, $0x0, v51;
	v51 =	vld [tilespmem:$0x1FB40]  }
0x1e7: {  	v28 =	vadd.f32 v57, v28;
	v52 =	vld [tilespmem:s23+$0xFFFFFFD0];
	v29 =	vadd.f32 v46, v29  }
0x1e8: {  	vm10 =	vnez.u8 v62;
	vm11 =	vnez.u8 v55;
	v55 =	vld [tilespmem:$0x1FB60]  }
0x1e9: {  	v58 =	vld [tilespmem:s23+$0xFFFFFF70];
	v29 =	vadd.f32 v50, v29;
	v28 =	vadd.f32 v63, v28;
	vm0 =	vnez.u8 v49  }
0x1ea: {  	v26 =	vadd.f32 v37, v26;
	v33 =	vadd.f32 v61, v33;
	v37 =	vnsel vm0, $0x0, v57;
	v57 =	vld [tilespmem:$0x1FB70]  }
0x1eb: {  	v62 =	vld [tilespmem:$0x1FB90];
	v29 =	vadd.f32 v54, v29;
	v28 =	vadd.f32 v48, v28;
	vm0 =	vnez.u8 v51  }
0x1ec: {  	v47 =	vld [tilespmem:$0x1FBA0];
	v25 =	vadd.f32 v37, v25;
	v37 =	vnsel vm0, $0x0, v60;
	vm0 =	vnez.u8 v53  }
0x1ed: {  	v49 =	vld [tilespmem:$0x1FBB0];
	v28 =	vadd.f32 v52, v28;
	v26 =	vadd.f32 v37, v26;
	v37 =	vnsel vm0, $0x0, v63  }
0x1ee: {  	v51 =	vld [tilespmem:$0x1FBC0];
	v29 =	vadd.f32 v58, v29;
	vm0 =	vnez.u8 v55;
	v25 =	vadd.f32 v37, v25  }
0x1ef: {  	v60 =	vld [tilespmem:s23+$0xFFFFFFF0];
	v37 =	vnsel vm0, $0x0, v46;
	v28 =	vadd.f32 v56, v28;
	vm0 =	vnez.u8 v57  }
0x1f0: {  	v53 =	vld [tilespmem:$0x1FBD0];
	v26 =	vadd.f32 v37, v26;
	v37 =	vnsel vm0, $0x0, v48;
	vm0 =	vnez.u8 v59  }
0x1f1: {  	v63 =	vld [tilespmem:s23+$0x80];
	v25 =	vadd.f32 v37, v25;
	v37 =	vnsel vm0, $0x0, v50;
	vm0 =	vnez.u8 v62  }
0x1f2: {  	v48 =	vld [tilespmem:s23+$0x10];
	v26 =	vadd.f32 v37, v26;
	v37 =	vnsel vm0, $0x0, v52;
	vm0 =	vnez.u8 v47  }
0x1f3: {  	[tilespmem:$0x1FBF0] =	vst v41;
	v25 =	vadd.f32 v37, v25;
	v37 =	vnsel vm0, $0x0, v54;
	vm0 =	vnez.u8 v49;
	v54 =	vld [tilespmem:$0x1FBE0]  }
0x1f4: {  	[tilespmem:$0x1FC00] =	vst v39;
	v26 =	vadd.f32 v37, v26;
	v37 =	vnsel vm0, $0x0, v56;
	vm0 =	vnez.u8 v51;
	v56 =	vld [tilespmem:$0x1FBF0]  }
0x1f5: {  	v25 =	vadd.f32 v37, v25;
	v37 =	vnsel vm0, $0x0, v58;
	vm0 =	vnez.u8 v53;
	v58 =	vld [tilespmem:$0x1FC00]  }
0x1f6: {  	v28 =	vadd.f32 v60, v28;
	v26 =	vadd.f32 v37, v26;
	v37 =	vnsel vm0, $0x0, v60;
	v60 =	vld [tilespmem:$0x1FC10]  }
0x1f7: {  	v50 =	vld [tilespmem:s23+$0x90]  }
0x1f8: {  	v55 =	vld [tilespmem:s23+$0xA0];
	v35 =	vadd.f32 v63, v35;
	v33 =	vadd.f32 v48, v33;
	vm0 =	vnez.u8 v54  }
0x1f9: {  	v62 =	vld [tilespmem:$0x1FC20];
	v25 =	vadd.f32 v37, v25;
	v41 =	vnsel vm0, $0x0, v61;
	vm0 =	vnez.u8 v56  }
0x1fa: {  	v52 =	vld [tilespmem:s23+$0x20];
	v34 =	vadd.f32 v41, v34;
	v37 =	vnsel vm0, $0x0, v63;
	vm0 =	vnez.u8 v58  }
0x1fb: {  	v36 =	vadd.f32 v37, v36;
	v37 =	vnsel vm0, $0x0, v48;
	vm0 =	vnez.u8 v60;
	v48 =	vld [tilespmem:$0x1FC30]  }
0x1fc: {  	v35 =	vadd.f32 v50, v35;
	v34 =	vadd.f32 v37, v34;
	v37 =	vnsel vm0, $0x0, v50;
	v50 =	vld [tilespmem:$0x1FC40]  }
0x1fd: {  	v57 =	vld [tilespmem:s23+$0x30]  }
0x1fe: {  	v59 =	vld [tilespmem:s23+$0xB0]  }
0x1ff: {  	v33 =	vadd.f32 v52, v33;
	v35 =	vadd.f32 v55, v35;
	v61 =	vld [tilespmem:s23+$0x40];
	vm0 =	vnez.u8 v62  }
0x200: {  	v36 =	vadd.f32 v37, v36;
	v37 =	vnsel vm0, $0x0, v52;
	v52 =	vld [tilespmem:$0x1FC50];
	vm0 =	vnez.u8 v48  }
0x201: {  	v34 =	vadd.f32 v37, v34;
	v37 =	vnsel vm0, $0x0, v55;
	vm0 =	vnez.u8 v50;
	v55 =	vld [tilespmem:$0x1FC60]  }
0x202: {  	[tilespmem:$0x1FCD0] =	vst v40;
	v40 =	vadd.f32 v57, v33;
	v36 =	vadd.f32 v37, v36;
	v37 =	vnsel vm0, $0x0, v57;
	v57 =	vld [tilespmem:$0x1FC70]  }
0x203: {  	v63 =	vld [tilespmem:s23+$0xC0]  }
0x204: {  	v49 =	vld [tilespmem:s23+$0x50]  }
0x205: {  	v51 =	vld [tilespmem:s23+$0xD0];
	vm0 =	vnez.u8 v52  }
0x206: {  	v35 =	vadd.f32 v59, v35;
	v60 =	vld [tilespmem:$0x1FC80];
	v53 =	vnsel vm0, $0x0, v59;
	vm0 =	vnez.u8 v55  }
0x207: {  	v62 =	vld [tilespmem:$0x1FC90];
	v56 =	vnsel vm0, $0x0, v61;
	vm0 =	vnez.u8 v57  }
0x208: {  	v59 =	vadd.f32 v63, v35;
	v58 =	vnsel vm0, $0x0, v63;
	v63 =	vld [tilespmem:$0x1FCA0]  }
0x209: {  	p0 =	sne.s32 s24, $0xC00;
	v33 =	vld [tilespmem:s23+$0x60];
	v41 =	vadd.f32 v61, v40;
	v37 =	vadd.f32 v37, v34  }
.Ltmp1:
0x20a: {  	v39 =	vld [tilespmem:s23+$0x180];
	v54 =	vadd.f32 v53, v36;
	(pc) =	sbr.rel @p0 .LBB2_6-.Ltmp1, $4  }
0x20b: {  	v40 =	vld [tilespmem:s23+$0x100];
	v41 =	vadd.f32 v49, v41;
	v37 =	vadd.f32 v56, v37;
	vm0 =	vnez.u8 v60  }
0x20c: {  	v34 =	vld [tilespmem:s23+$0xE0];
	v38 =	vadd.f32 v58, v54;
	v61 =	vnsel vm0, $0x0, v49;
	vm0 =	vnez.u8 v62  }
0x20d: {  	v35 =	vld [tilespmem:s23+$0xF0];
	v42 =	vadd.f32 v61, v37;
	v37 =	vnsel vm0, $0x0, v51;
	vm0 =	vnez.u8 v63  }
0x20e: {  	s24 =	sadd.s32 $0x80, s24;
	v36 =	vld [tilespmem:s23+$0x70];
	v43 =	vadd.f32 v51, v59;
	v44 =	vadd.f32 v37, v38;
	v45 =	vnsel vm0, $0x0, v33  }
0x20f: {  	v37 =	vld [tilespmem:$0x1FCB0];
	_ =	sdelay $0x1  }
0x210: {  	v54 =	vld [tilespmem:$0x1FCE0]  }
0x211: {  	v33 =	vadd.f32 v33, v41;
	v56 =	vld [tilespmem:$0x1FCC0]  }
0x212: {  	v38 =	vld [tilespmem:s23+$0x110];
	v48 =	vadd.f32 v45, v42;
	v23 =	vadd.f32 v39, v23;
	v52 =	vnsel vm2, $0x0, v40  }
0x213: {  	v58 =	vld [tilespmem:$0x1FCD0];
	v21 =	vadd.f32 v40, v21;
	v43 =	vadd.f32 v34, v43;
	vm0 =	vnez.u8 v37  }
0x214: {  	v50 =	vld [tilespmem:s23+$0x190];
	v22 =	vadd.f32 v52, v22;
	v51 =	vnsel vm6, $0x0, v35;
	v37 =	vnsel vm0, $0x0, v34  }
0x215: {  	v46 =	vld [tilespmem:s23+$0x120];
	v49 =	vnsel vm15, $0x0, v36;
	v36 =	vadd.f32 v36, v33;
	v37 =	vadd.f32 v37, v44  }
0x216: {  	v53 =	vld [tilespmem:s23+$0x1A0];
	v35 =	vadd.f32 v35, v43;
	vm15 =	vnez.u8 v54;
	vm6 =	vnez.u8 v56  }
0x217: {  	v55 =	vld [tilespmem:s23+$0x130];
	v21 =	vadd.f32 v38, v21;
	v33 =	vadd.f32 v51, v37;
	v37 =	vnsel vm15, $0x0, v39  }
0x218: {  	v57 =	vld [tilespmem:s23+$0x1B0];
	v41 =	vnsel vm6, $0x0, v38;
	vm15 =	vnez.u8 v58;
	v24 =	vadd.f32 v37, v24  }
0x219: {  	v59 =	vld [tilespmem:s23+$0x140];
	v23 =	vadd.f32 v50, v23;
	v22 =	vadd.f32 v41, v22;
	v39 =	vnsel vm15, $0x0, v50  }
0x21a: {  	v61 =	vld [tilespmem:s23+$0x1C0];
	v60 =	vnsel vm5, $0x0, v46;
	v34 =	vadd.f32 v49, v48;
	v24 =	vadd.f32 v39, v24  }
0x21b: {  	v63 =	vld [tilespmem:s23+$0x150];
	v62 =	vnsel vm14, $0x0, v53;
	v23 =	vadd.f32 v53, v23;
	v22 =	vadd.f32 v60, v22  }
0x21c: {  	v48 =	vnsel vm11, $0x0, v55;
	v49 =	vld [tilespmem:s23+$0x1D0];
	v21 =	vadd.f32 v46, v21;
	v24 =	vadd.f32 v62, v24  }
0x21d: {  	v51 =	vld [tilespmem:s23+$0x160];
	v23 =	vadd.f32 v57, v23;
	v50 =	vnsel vm4, $0x0, v57;
	v22 =	vadd.f32 v48, v22  }
0x21e: {  	v52 =	vnsel vm8, $0x0, v59;
	v53 =	vld [tilespmem:s23+$0x1E0];
	v21 =	vadd.f32 v55, v21;
	v24 =	vadd.f32 v50, v24  }
0x21f: {  	v54 =	vnsel vm1, $0x0, v61;
	v55 =	vld [tilespmem:s23+$0x170];
	v23 =	vadd.f32 v61, v23;
	v22 =	vadd.f32 v52, v22  }
0x220: {  	s22 =	sadd.s32 $0x1, s22;
	v56 =	vnsel vm9, $0x0, v63;
	v57 =	vld [tilespmem:s23+$0x1F0];
	v21 =	vadd.f32 v59, v21;
	v24 =	vadd.f32 v54, v24  }
0x221: {  	p0 =	sne.s32 s22, $0x5;
	v58 =	vnsel vm7, $0x0, v49;
	v23 =	vadd.f32 v49, v23;
	v22 =	vadd.f32 v56, v22  }
.Ltmp2:
0x222: {  	v21 =	vadd.f32 v63, v21;
	v59 =	vnsel vm13, $0x0, v51;
	v24 =	vadd.f32 v58, v24;
	(pc) =	sbr.rel @p0 .LBB2_3-.Ltmp2, $4  }
0x223: {  	v60 =	vnsel vm10, $0x0, v53;
	v23 =	vadd.f32 v53, v23;
	v22 =	vadd.f32 v59, v22  }
0x224: {  	v61 =	vnsel vm12, $0x0, v55;
	v21 =	vadd.f32 v51, v21;
	v62 =	vadd.f32 v60, v24  }
0x225: {  	v63 =	vnsel vm3, $0x0, v57;
	v23 =	vadd.f32 v57, v23;
	v22 =	vadd.f32 v61, v22  }
0x226: {  	s21 =	sadd.s32 $0x1900, s21;
	v24 =	vadd.f32 v55, v21;
	v21 =	vadd.f32 v63, v62  }
0x227: {  	vm0 =	veq.s32 v20, $0x0  }
0x228: {  	vm7 =	veq.s32 v19, $0x0;
	vm8 =	veq.s32 v18, $0x0;
	v20 =	vsel vm0, $0x0, v9  }
0x229: {  	v62 =	vsel vm7, $0x0, v9;
	v32 =	vmul.f32 v32, v20;
	v61 =	vmul.f32 v30, v20  }
0x22a: {  	vm9 =	veq.s32 v17, $0x0;
	v38 =	vsel vm8, $0x0, v9;
	v31 =	vmul.f32 v31, v62  }
0x22b: {  	v37 =	vmul.f32 v27, v62;
	v63 =	vadd.f32 $0.0e+00, v32;
	v32 =	vadd.f32 $0.0e+00, v61  }
0x22c: {  	vm10 =	veq.s32 v16, $0x0;
	v42 =	vsel vm9, $0x0, v9;
	v29 =	vmul.f32 v29, v38  }
0x22d: {  	v41 =	vmul.f32 v26, v38;
	v39 =	vadd.f32 v31, v63;
	v40 =	vadd.f32 v37, v32  }
0x22e: {  	vm11 =	veq.s32 v15, $0x0;
	v47 =	vsel vm10, $0x0, v9;
	v44 =	vmul.f32 v28, v42  }
0x22f: {  	v46 =	vmul.f32 v25, v42;
	v43 =	vadd.f32 v29, v39;
	v45 =	vadd.f32 v41, v40  }
0x230: {  	vm12 =	veq.s32 v14, $0x0;
	v52 =	vsel vm11, $0x0, v9;
	v49 =	vmul.f32 v36, v47  }
0x231: {  	v51 =	vmul.f32 v34, v47;
	v48 =	vadd.f32 v44, v43;
	v50 =	vadd.f32 v46, v45  }
0x232: {  	v57 =	vsel vm12, $0x0, v9;
	v54 =	vmul.f32 v35, v52  }
0x233: {  	v56 =	vmul.f32 v33, v52;
	v53 =	vadd.f32 v49, v48;
	v55 =	vadd.f32 v51, v50  }
0x234: {  	vm13 =	veq.s32 v13, $0x0;
	v59 =	vmul.f32 v24, v57;
	v60 =	vmul.f32 v22, v57  }
0x235: {  	v62 =	vsel vm13, $0x0, v9;
	v58 =	vadd.f32 v54, v53;
	v14 =	vadd.f32 v56, v55  }
0x236: {  	v16 =	vmul.f32 v21, v62  }
0x237: {  	v63 =	vmul.f32 v23, v62;
	v61 =	vadd.f32 v59, v58;
	v14 =	vadd.f32 v60, v14;
	_ =	sdelay $0x1  }
0x238: {  	v12 =	vmul.f32 $3.125195240e-06, v12;
	v13 =	vadd.f32 v63, v61;
	v14 =	vadd.f32 v16, v14;
	_ =	sdelay $0x1  }
0x239: {  	s17 =	sadd.s32 $0x1, s17;
	v12 =	vadd.f32 $-1.362425800e+00, v12;
	v13 =	vmul.f32 $-3.125195240e-06, v13;
	v14 =	vmul.f32 $-8.999968760e-01, v14  }
0x23a: {  	vm14 =	veq.s32 v11, $0x0;
	p0 =	sne.s32 s17, $0xA  }
.Ltmp3:
0x23b: {  	vm15 =	vmmov $0xff;
	v12 =	vsel vm14, $0x0, v12;
	v11 =	vadd.f32 v14, v13;
	(pc) =	sbr.rel @p0 .LBB2_2-.Ltmp3, $3  }
0x23c: {  	v12 =	vnsel vm15, $0x0, v12  }
0x23d: {  	v11 =	vadd.f32 v11, v12;
	_ =	sdelay $0x1  }
0x23e: {  	v10 =	vadd.f32 v11, v10  }
0x23f: {  	s16 =	sadd.s32 $0x1, s16  }
0x240: {  	p0 =	sne.s32 s16, s8  }
.Ltmp4:
0x241: {  	[tilespmem:$0xC900] =	vst v10;
	(pc) =	sbr.rel @p0 .LBB2_1-.Ltmp4, $4  }
0x242: {  	[hbm4b:s7+s3] =	stream.linear.scatter [tilespmem:s15], [sflag:$0x3], $0x80, $0x38;
	[tilespmem:$0xC980] =	vst v63  }
0x243: {  	_ =	swait.ge [sflag:s10], $0x80  }
0x244: {  	[sflag:s10] =	ssyncset.done $0x0  }
0x245: {  	[sflag:s10] =	ssyncadd.s32 $0xFFFFFF80  }
0x246: {  	_ =	sfence.sel $0x180000  }
0x247: {  	[bflag:$0x0] =	sbarrier.arrive $0xFFFF  }
0x248: {  	_ =	strace $0x90000047  }
0x249: {  	[bflag:$0x2] =	sbarrier.arrive $0xFFFF  }
0x24a: {  	p0 =	sne.s32 s0, $0x0;
	s0 =	rddreg [dreg:$0x3]  }
0x24b: {  	s0 =	sadd.s32 @!p0 $0x100000, s0  }
0x24c: {  	[sflag:s0] =	ssyncadd.tile.s32 @!p0 $0x1;
	_ =	shalt  }
.Lfunc_end2:
_tile_overlayer_lowered:
.L_overlay_start_2:
0x24d: {  	(tag) =	ssettag $0x2  }
0x24e: {  	s0 =	rddreg [dreg:$0x0];
	s2 =	stileid.u32  }
0x24f: {  	s1 =	rddreg [dreg:$0x1];
	p0 =	sne.s32 s2, $0x0  }
0x250: {  	s3 =	rddreg [dreg:$0x2];
	[bflag:$0x3] =	sbarrier.arrive $0xFFFF;
	s2 =	simm.s32 @!p0 $0x1C03  }
0x251: {  	[timem:s3], [sflag:s2] =	dma.local @!p0 [hbm:s0], s1  }
0x252: {  	s0 =	simm.s32 @!p0 $0x3  }
0x253: {  	_ =	swait.ge @!p0 [sflag:s0], s1  }
0x254: {  	s1 =	ssub.s32 @!p0 $0x0, s1;
	[sflag:s0] =	ssyncset.done @!p0 $0x0  }
0x255: {  	[sflag:s0] =	ssyncadd.s32 @!p0 s1  }
0x256: {  	[bflag:$0x3] =	sbarrier.arrive $0xFFFF  }
0x257: {  	_ =	shalt  }

</sc_bundles>
